<compile_context>
chip_gen: v7x
topology: tpu7x:2x2x1
jax: 0.10.2.dev20260603
libtpu: 0.0.44.dev20260713+nightly
codegen_flags: <defaults>
</compile_context>

<pallas_src>
import functools

import jax
import jax.numpy as jnp
from jax import lax
from jax.experimental import pallas as pl
from jax.experimental.pallas import tpu as pltpu
from jax.experimental.pallas import tpu_sc as plsc

M = 256
NEG = -3.0e38



def _sc_scatter(h, rh, src3, dst3, *, n, d, ns, nch, k):
    mesh = plsc.VectorSubcoreMesh(
        core_axis_name="c", subcore_axis_name="s", num_cores=2,
        num_subcores=ns)
    zc = 32
    np_ = ((n + ns * 128 - 1) // (ns * 128)) * ns * 128
    zr = np_ // ns
    nz = zr // zc
    sc_ = 16
    nsc = nch // sc_

    @functools.partial(
        pl.kernel,
        out_type=[jax.ShapeDtypeStruct((np_, d), jnp.float32),
                  jax.ShapeDtypeStruct((np_, d), jnp.float32)],
        mesh=mesh,
        scratch_types=[
            pltpu.VMEM((2, sc_, k), jnp.int32),
            pltpu.VMEM((2, sc_, k), jnp.int32),
            pltpu.VMEM((k, d), jnp.float32),
            pltpu.VMEM((k, d), jnp.float32),
            pltpu.VMEM((zc, d), jnp.float32),
            pltpu.VMEM_SHARED((np_, d), jnp.float32),
            pltpu.SemaphoreType.DMA,
            pltpu.SemaphoreType.DMA,
            pltpu.SemaphoreType.DMA,
        ],
    )
    def scatter_kernel(h_hbm, rh_hbm, src_hbm, dst_hbm, s_hbm, srh_hbm,
                       src_v, dst_v, rows0_v, rows1_v, zbuf_v, acc_sh,
                       sem0, sem1, isem):
        c = lax.axis_index("c")
        s = lax.axis_index("s")
        def zrow(t, carry):
            i = t // (d // 16)
            j = t % (d // 16)
            zbuf_v[i, pl.ds(j * 16, 16)] = jnp.zeros((16,), jnp.float32)
            return carry
        lax.fori_loop(0, zc * (d // 16), zrow, 0)
        def zacc(t, carry):
            pltpu.sync_copy(zbuf_v, acc_sh.at[pl.ds(s * zr + t * zc, zc)])
            return carry
        lax.fori_loop(0, nz, zacc, 0)
        plsc.subcore_barrier()

        bufs = (rows0_v, rows1_v)
        sems = (sem0, sem1)

        def edge_loop(vref):
            pltpu.sync_copy(src_hbm.at[s, 0], src_v.at[0])
            pltpu.sync_copy(dst_hbm.at[s, 0], dst_v.at[0])

            def super_step(t, carry):
                par = lax.rem(t, 2)

                @pl.when(t > 0)
                def _():
                    pltpu.make_async_copy(src_hbm.at[s, t], src_v.at[par],
                                          isem).wait()
                    pltpu.make_async_copy(dst_hbm.at[s, t], dst_v.at[par],
                                          isem).wait()

                @pl.when(t + 1 < nsc)
                def _():
                    pltpu.async_copy(src_hbm.at[s, t + 1], src_v.at[1 - par],
                                     isem)
                    pltpu.async_copy(dst_hbm.at[s, t + 1], dst_v.at[1 - par],
                                     isem)

                cur = pltpu.async_copy(vref.at[src_v.at[par, 0]], bufs[0],
                                       sems[0])
                for i in range(sc_):
                    nxt = None
                    if i + 1 < sc_:
                        j = (i + 1) % 2
                        nxt = pltpu.async_copy(
                            vref.at[src_v.at[par, i + 1]], bufs[j], sems[j])
                    cur.wait()
                    pltpu.sync_copy(bufs[i % 2], acc_sh.at[dst_v.at[par, i]],
                                    add=True)
                    cur = nxt
                return carry
            lax.fori_loop(0, nsc, super_step, 0)

        @pl.when(c == 0)
        def _():
            edge_loop(h_hbm)

        @pl.when(c == 1)
        def _():
            edge_loop(rh_hbm)

        plsc.subcore_barrier()

        @pl.when(c == 0)
        def _():
            pltpu.sync_copy(acc_sh.at[pl.ds(s * zr, zr)],
                            s_hbm.at[pl.ds(s * zr, zr)])

        @pl.when(c == 1)
        def _():
            pltpu.sync_copy(acc_sh.at[pl.ds(s * zr, zr)],
                            srh_hbm.at[pl.ds(s * zr, zr)])

    return scatter_kernel(h, rh, src3, dst3)



def _dot(a, b):
    return jax.lax.dot_general(a, b, (((1,), (0,)), ((), ())),
                               preferred_element_type=jnp.float32)


def _rh_kernel(f, h, wr, ur, br, *, n, d, b):
    def body(f_ref, h_ref, wr_ref, ur_ref, br_ref, o_ref):
        hb = h_ref[...]
        r = jax.nn.sigmoid(_dot(f_ref[...], wr_ref[...]) +
                           _dot(hb, ur_ref[...]) + br_ref[...])
        o_ref[...] = r * hb
    nb = n // b
    blk = lambda: pl.BlockSpec((b, d), lambda i: (i, 0))
    full = lambda r, c: pl.BlockSpec((r, c), lambda i: (0, 0))
    return pl.pallas_call(
        body,
        grid=(nb,),
        in_specs=[blk(), blk(), full(d, d), full(d, d), full(1, d)],
        out_specs=blk(),
        out_shape=jax.ShapeDtypeStruct((n, d), jnp.float32),
    )(f, h, wr, ur, br)


def _dot0(a, b):
    return jax.lax.dot_general(a, b, (((0,), (0,)), ((), ())),
                               preferred_element_type=jnp.float32)


def _graph_kernel(f, s_arr, srh_arr, x_T, x_G, gid_col, gid_row,
                  wz, uz, bz, wg, ug, bg, wd1, wd2, bd1, a_t, a_g,
                  wd3, wd4, bd2, ud, bd3, *, n, d, b):
    nb = n // b

    def body(f_ref, s_ref, srh_ref, xt_ref, xg_ref, gc_ref, gr_ref,
             wz_ref, uz_ref, bz_ref, wg_ref, ug_ref, bg_ref,
             wd1_ref, wd2_ref, bd1_ref, at_ref, ag_ref,
             wd3_ref, wd4_ref, bd2_ref, ud_ref, bd3_ref, o_ref,
             hgsum_ref, cnt_ref, qt_ref, qg_ref,
             mxt_ref, mxg_ref, dent_ref, deng_ref, ctT_ref, cgT_ref):
        ph = pl.program_id(0)
        i = pl.program_id(1)
        iota_col = jax.lax.broadcasted_iota(jnp.int32, (M, 1), 0)
        iota_row = jax.lax.broadcasted_iota(jnp.int32, (1, M), 1)
        oh = (gc_ref[...] == iota_row).astype(jnp.float32)
        ohT = (iota_col == gr_ref[0]).astype(jnp.float32)

        @pl.when(ph == 0)
        def _():
            fb = f_ref[...]
            sb = s_ref[...]
            z = jax.nn.sigmoid(_dot(fb, wz_ref[...]) + _dot(sb, uz_ref[...])
                               + bz_ref[...])
            ht = jnp.tanh(_dot(fb, wg_ref[...]) + _dot(srh_ref[...],
                                                       ug_ref[...])
                          + bg_ref[...])
            hn = (1.0 - z) * sb + z * ht
            hd = jax.nn.relu(_dot(fb, wd1_ref[...]) + _dot(hn, wd2_ref[...])
                             + bd1_ref[...])

            @pl.when(i == 0)
            def _():
                hgsum_ref[...] = jnp.zeros_like(hgsum_ref)
                cnt_ref[...] = jnp.zeros_like(cnt_ref)

            hgsum_ref[...] += _dot(ohT, hd)
            cnt_ref[...] += _dot(ohT, jnp.ones((b, 1), jnp.float32))

        @pl.when(ph == 1)
        def _():
            @pl.when(i == 0)
            def _():
                hg = hgsum_ref[...] / jnp.maximum(cnt_ref[...], 1.0)
                qt_ref[...] = _dot(hg, at_ref[...])
                qg_ref[...] = _dot(hg, ag_ref[...])
                mxt_ref[...] = jnp.full_like(mxt_ref, NEG)
                mxg_ref[...] = jnp.full_like(mxg_ref, NEG)
                dent_ref[...] = jnp.zeros_like(dent_ref)
                deng_ref[...] = jnp.zeros_like(deng_ref)
                ctT_ref[...] = jnp.zeros_like(ctT_ref)
                cgT_ref[...] = jnp.zeros_like(cgT_ref)

            def one(x_ref, q_ref, mx_ref, den_ref, cT_ref):
                xb = x_ref[...]
                sc = jnp.sum(xb * _dot(oh, q_ref[...]), axis=1,
                             keepdims=True)
                bm = jnp.max(jnp.where(oh > 0.5, sc, NEG), axis=0,
                             keepdims=True)
                m_new = jnp.maximum(mx_ref[...], bm)
                scale = jnp.exp(mx_ref[...] - m_new)
                mx_ref[...] = m_new
                mxg = jnp.sum(oh * m_new, axis=1, keepdims=True)
                e = jnp.exp(sc - mxg)
                eoh = oh * e
                den_ref[...] = (den_ref[...] * scale +
                                jnp.sum(eoh, axis=0, keepdims=True))
                cT_ref[...] = cT_ref[...] * scale + _dot0(xb, eoh)
            one(xt_ref, qt_ref, mxt_ref, dent_ref, ctT_ref)
            one(xg_ref, qg_ref, mxg_ref, deng_ref, cgT_ref)

            @pl.when(i == nb - 1)
            def _():
                hg = hgsum_ref[...] / jnp.maximum(cnt_ref[...], 1.0)
                ctn = ctT_ref[...] / jnp.maximum(dent_ref[...], 1e-9)
                cgn = cgT_ref[...] / jnp.maximum(deng_ref[...], 1e-9)
                pre = jax.nn.relu(_dot(hg, wd3_ref[...]) +
                                  _dot0(ctn, wd4_ref[0:d, :]) +
                                  _dot0(cgn, wd4_ref[d:2 * d, :]) +
                                  bd2_ref[...])
                o_ref[...] = _dot(pre, ud_ref[...]) + bd3_ref[...]

    p0 = lambda ph, i: (jnp.where(ph == 0, i, 0), 0)
    p1 = lambda ph, i: (jnp.where(ph == 0, 0, i), 0)
    full = lambda r, c: pl.BlockSpec((r, c), lambda ph, i: (0, 0))
    return pl.pallas_call(
        body,
        grid=(2, nb),
        in_specs=[
            pl.BlockSpec((b, d), p0),
            pl.BlockSpec((b, d), p0),
            pl.BlockSpec((b, d), p0),
            pl.BlockSpec((b, d), p1),
            pl.BlockSpec((b, d), p1),
            pl.BlockSpec((b, 1), lambda ph, i: (i, 0)),
            pl.BlockSpec((1, 1, b), lambda ph, i: (i, 0, 0)),
            full(d, d), full(d, d), full(1, d),
            full(d, d), full(d, d), full(1, d),
            full(d, d), full(d, d), full(1, d),
            full(d, d), full(d, d),
            full(d, d), full(2 * d, d), full(1, d), full(d, 1), full(1, 1),
        ],
        out_specs=pl.BlockSpec((M, 1), lambda ph, i: (0, 0)),
        out_shape=jax.ShapeDtypeStruct((M, 1), jnp.float32),
        scratch_shapes=[
            pltpu.VMEM((M, d), jnp.float32),
            pltpu.VMEM((M, 1), jnp.float32),
            pltpu.VMEM((M, d), jnp.float32),
            pltpu.VMEM((M, d), jnp.float32),
            pltpu.VMEM((1, M), jnp.float32),
            pltpu.VMEM((1, M), jnp.float32),
            pltpu.VMEM((1, M), jnp.float32),
            pltpu.VMEM((1, M), jnp.float32),
            pltpu.VMEM((d, M), jnp.float32),
            pltpu.VMEM((d, M), jnp.float32),
        ],
    )(f, s_arr, srh_arr, x_T, x_G, gid_col, gid_row,
      wz, uz, bz, wg, ug, bg, wd1, wd2, bd1, a_t, a_g,
      wd3, wd4, bd2, ud, bd3)



def kernel(f, h, x_T, x_G, edge_index, graph_ids, wz, uz, bz, wr, ur, br,
           wg, ug, bg, wd1, wd2, bd1, a_t, a_g, wd3, wd4, bd2, ud, bd3):
    n, d = f.shape
    e = edge_index.shape[1]
    ns = 16
    k = 125
    nch = e // (ns * k)
    b = 2000
    src3 = edge_index[0].astype(jnp.int32).reshape(ns, nch // 16, 16, k)
    dst3 = edge_index[1].astype(jnp.int32).reshape(ns, nch // 16, 16, k)
    gid_col = graph_ids.astype(jnp.int32).reshape(n, 1)
    gid_row = graph_ids.astype(jnp.int32).reshape(n // b, 1, b)
    bd3_2d = bd3.reshape(1, 1)

    rh = _rh_kernel(f, h, wr, ur, br, n=n, d=d, b=b)
    s_arr, srh_arr = _sc_scatter(h, rh, src3, dst3, n=n, d=d, ns=ns,
                                 nch=nch, k=k)
    return _graph_kernel(f, s_arr, srh_arr, x_T, x_G, gid_col, gid_row,
                         wz, uz, bz, wg, ug, bg, wd1, wd2, bd1, a_t, a_g,
                         wd3, wd4, bd2, ud, bd3_2d, n=n, d=d, b=b)

# --- scband reference (transcript-rebuilt; emitter-appended) ---
"""Pipeline reference for scband-g2-gdecoder-30382598652171 (READ-ONLY COPY).

The authoritative reference and input builder live on the scoring server;
editing this copy changes nothing except your own understanding.
"""

import jax, jax.numpy as jnp
import numpy as np

N = 10000
E = 320000
D = 128
M = 256


def _forward(f, h, x_T, x_G, src, dst, gids, wz, uz, bz, wr, ur, br, wg, ug, bg, wd1, wd2, bd1, a_t, a_g, wd3, wd4, bd2, ud, bd3):
    Nn = f.shape[0]
    # TreeGRU (Eq. 20-24): gather h along edges, scatter-add into destinations
    h_src = h[src]
    s = jax.ops.segment_sum(h_src, dst, num_segments=Nn)
    z = jax.nn.sigmoid(f @ wz + s @ uz + bz)
    r = jax.nn.sigmoid(f[src] @ wr + h_src @ ur + br)
    srh = jax.ops.segment_sum(r * h_src, dst, num_segments=Nn)
    h_tilde = jnp.tanh(f @ wg + srh @ ug + bg)
    h_new = (1.0 - z) * s + z * h_tilde
    # decoder hidden h_t (Eq. 4)
    hd = jax.nn.relu(f @ wd1 + h_new @ wd2 + bd1)
    cnt = jax.ops.segment_sum(jnp.ones((Nn,), jnp.float32), gids, num_segments=M)
    hg = jax.ops.segment_sum(hd, gids, num_segments=M) / jnp.maximum(cnt, 1.0)[:, None]
    # Attention (Eq. 25): per-graph softmax over nodes via segment reductions
    def att(x, a):
        sc = jnp.sum(x * (hg @ a)[gids], axis=1)
        mx = jax.ops.segment_max(sc, gids, num_segments=M)
        mx = jnp.where(jnp.isfinite(mx), mx, 0.0)
        e = jnp.exp(sc - mx[gids])
        den = jax.ops.segment_sum(e, gids, num_segments=M)
        al = e / jnp.maximum(den[gids], 1e-9)
        return jax.ops.segment_sum(al[:, None] * x, gids, num_segments=M)
    cT = att(x_T, a_t)
    cG = att(x_G, a_g)
    # topological stop score (Eq. 5-7)
    score = jax.nn.relu(hg @ wd3 + jnp.concatenate([cT, cG], axis=1) @ wd4 + bd2) @ ud + bd3
    return score


def setup_inputs(seed: int = 0):
    key = jax.random.key(seed)
    ks = jax.random.split(key, 32)
    d_ndataT, d_msgT, d_h, d_xT, d_xG, d_ud = D, D, D, D, D, D
    inp = {}
    inp['f'] = jax.random.normal(ks[0], (N, d_ndataT), jnp.float32)
    inp['h'] = jax.random.normal(ks[1], (N, d_msgT), jnp.float32)
    inp['x_T'] = jax.random.normal(ks[2], (N, d_xT), jnp.float32)
    inp['x_G'] = jax.random.normal(ks[3], (N, d_xG), jnp.float32)
    inp['edge_index'] = jax.random.randint(ks[4], (2, E), 0, N)
    inp['graph_ids'] = jnp.sort(jax.random.randint(ks[5], (N,), 0, M))
    u = lambda k, shp: 0.001 * jax.random.uniform(k, shp, jnp.float32)
    inp['wz'] = u(ks[6], (d_ndataT, d_msgT)); inp['uz'] = u(ks[7], (d_msgT, d_msgT)); inp['bz'] = jnp.zeros((1, d_msgT), jnp.float32)
    inp['wr'] = u(ks[8], (d_ndataT, d_msgT)); inp['ur'] = u(ks[9], (d_msgT, d_msgT)); inp['br'] = jnp.zeros((1, d_msgT), jnp.float32)
    inp['wg'] = u(ks[10], (d_ndataT, d_msgT)); inp['ug'] = u(ks[11], (d_msgT, d_msgT)); inp['bg'] = jnp.zeros((1, d_msgT), jnp.float32)
    inp['wd1'] = u(ks[12], (d_ndataT, d_h)); inp['wd2'] = u(ks[13], (d_msgT, d_h)); inp['bd1'] = jnp.zeros((1, d_h), jnp.float32)
    inp['a_t'] = u(ks[14], (d_h, d_xT)); inp['a_g'] = u(ks[15], (d_h, d_xG))
    inp['wd3'] = u(ks[16], (d_h, d_ud)); inp['wd4'] = u(ks[17], (d_xT + d_xG, d_ud)); inp['bd2'] = jnp.zeros((1, d_ud), jnp.float32)
    inp['ud'] = u(ks[18], (d_ud, 1)); inp['bd3'] = jnp.zeros((1,), jnp.float32)
    return inp


def reference(f, h, x_T, x_G, edge_index, graph_ids, wz, uz, bz, wr, ur, br, wg, ug, bg, wd1, wd2, bd1, a_t, a_g, wd3, wd4, bd2, ud, bd3):
    src = edge_index[0]
    dst = edge_index[1]
    return _forward(f, h, x_T, x_G, src, dst, graph_ids, wz, uz, bz, wr, ur, br, wg, ug, bg, wd1, wd2, bd1, a_t, a_g, wd3, wd4, bd2, ud, bd3)

if __name__ == "__main__":
    import jax
    _d = setup_inputs()
    print(jax.jit(kernel)(*tuple(_d.values())))

</pallas_src>

<mosaic_0001>
#map = affine_map<(d0, d1) -> (0, 0)>
#map1 = affine_map<(d0, d1) -> (0, 0, 0, 0)>
module attributes {stable_mosaic.version = 14 : i64} {
  func.func @scatter_kernel(%arg0: i32, %arg1: i32, %arg2: memref<10000x128xf32, #tpu.memory_space<hbm>>, %arg3: memref<10000x128xf32, #tpu.memory_space<hbm>>, %arg4: memref<16x10x16x125xi32, #tpu.memory_space<hbm>>, %arg5: memref<16x10x16x125xi32, #tpu.memory_space<hbm>>, %arg6: memref<10240x128xf32, #tpu.memory_space<hbm>>, %arg7: memref<10240x128xf32, #tpu.memory_space<hbm>>, %arg8: memref<2x16x125xi32, #tpu.memory_space<vmem>>, %arg9: memref<2x16x125xi32, #tpu.memory_space<vmem>>, %arg10: memref<125x128xf32, #tpu.memory_space<vmem>>, %arg11: memref<125x128xf32, #tpu.memory_space<vmem>>, %arg12: memref<32x128xf32, #tpu.memory_space<vmem>>, %arg13: memref<10240x128xf32, #tpu.memory_space<vmem_shared>>, %arg14: memref<!tpu.dma_semaphore, #tpu.memory_space<semaphore_mem>>, %arg15: memref<!tpu.dma_semaphore, #tpu.memory_space<semaphore_mem>>, %arg16: memref<!tpu.dma_semaphore, #tpu.memory_space<semaphore_mem>>) attributes {dimension_semantics = [#tpu.dimension_semantics<core_parallel>, #tpu.dimension_semantics<subcore_parallel>], iteration_bounds = array<i64: 2, 16>, scalar_prefetch = 0 : i64, scratch_operands = 9 : i64, tpu.core_type = #tpu.core_type<sc_vector_subcore>, window_params = [{transform_indices = #map}, {transform_indices = #map}, {transform_indices = #map1}, {transform_indices = #map1}, {transform_indices = #map}, {transform_indices = #map}]} {
    %scan3A = arith.constant 0 : i32
    %scan3A_0 = arith.constant 0 : i32
    %scan3A_1 = arith.constant 256 : i32
    %scan3A_2 = arith.addi %scan3A_0, %scan3A_1 : i32
    %scan3A_3 = arith.constant 1 : i32
    scf.for %scan3A_29 = %scan3A_0 to %scan3A_2 step %scan3A_3  : i32 {
      %jit3A = arith.constant 8 : i32
      %div3A = arith.divsi %scan3A_29, %jit3A : i32
      %sign3A = arith.constant 0 : i32
      %sign3A_30 = arith.cmpi sgt, %scan3A_29, %sign3A : i32
      %sign3A_31 = arith.extui %sign3A_30 : i1 to i32
      %sign3A_32 = arith.constant 0 : i32
      %sign3A_33 = arith.cmpi slt, %scan3A_29, %sign3A_32 : i32
      %sign3A_34 = arith.extui %sign3A_33 : i1 to i32
      %sign3A_35 = arith.subi %sign3A_31, %sign3A_34 : i32
      %sign3A_36 = arith.constant 0 : i32
      %sign3A_37 = arith.cmpi sgt, %jit3A, %sign3A_36 : i32
      %sign3A_38 = arith.extui %sign3A_37 : i1 to i32
      %sign3A_39 = arith.constant 0 : i32
      %sign3A_40 = arith.cmpi slt, %jit3A, %sign3A_39 : i32
      %sign3A_41 = arith.extui %sign3A_40 : i1 to i32
      %sign3A_42 = arith.subi %sign3A_38, %sign3A_41 : i32
      %ne3A = arith.cmpi ne, %sign3A_35, %sign3A_42 : i32
      %rem3A = arith.remsi %scan3A_29, %jit3A : i32
      %ne3A_43 = arith.constant 0 : i32
      %ne3A_44 = arith.cmpi ne, %rem3A, %ne3A_43 : i32
      %and3A = arith.andi %ne3A, %ne3A_44 : i1
      %sub3A = arith.constant 1 : i32
      %sub3A_45 = arith.subi %div3A, %sub3A : i32
      %select_n3A = arith.select %and3A, %sub3A_45, %div3A : i32
      %jit3A_46 = arith.constant 8 : i32
      %eq3A_47 = arith.constant 0 : i32
      %eq3A_48 = arith.cmpi eq, %jit3A_46, %eq3A_47 : i32
      %jit3A_49 = arith.constant 1 : i32
      %select_n3A_50 = arith.select %eq3A_48, %jit3A_49, %jit3A_46 : i32
      %rem3A_51 = arith.remsi %scan3A_29, %select_n3A_50 : i32
      %ne3A_52 = arith.constant 0 : i32
      %ne3A_53 = arith.cmpi ne, %rem3A_51, %ne3A_52 : i32
      %lt3A = arith.constant 0 : i32
      %lt3A_54 = arith.cmpi slt, %rem3A_51, %lt3A : i32
      %lt3A_55 = arith.constant 0 : i32
      %lt3A_56 = arith.cmpi slt, %select_n3A_50, %lt3A_55 : i32
      %ne3A_57 = arith.xori %lt3A_54, %lt3A_56 : i1
      %and3A_58 = arith.andi %ne3A_57, %ne3A_53 : i1
      %add3A = arith.addi %rem3A_51, %select_n3A_50 : i32
      %select_n3A_59 = arith.select %and3A_58, %add3A, %rem3A_51 : i32
      %broadcast_in_dim3A = arith.constant 0.000000e+00 : f32
      %broadcast_in_dim3A_60 = vector.broadcast %broadcast_in_dim3A : f32 to vector<16xf32>
      %mul3A = arith.constant 16 : i32
      %mul3A_61 = arith.muli %select_n3A_59, %mul3A : i32
      %swap3A = arith.index_cast %select_n3A : i32 to index
      %swap3A_62 = arith.index_cast %mul3A_61 : i32 to index
      %swap3A_63 = tpu.vector_load %arg12[%swap3A, %swap3A_62] {strides = array<i32>} : memref<32x128xf32, #tpu.memory_space<vmem>>, vector<1x16xf32>,
      %swap3A_64 = vector.shape_cast %swap3A_63 : vector<1x16xf32> to vector<16xf32>
      %swap3A_65 = vector.shape_cast %broadcast_in_dim3A_60 : vector<16xf32> to vector<1x16xf32>
      tpu.vector_store %arg12[%swap3A, %swap3A_62], %swap3A_65 {strides = array<i32>} : memref<32x128xf32, #tpu.memory_space<vmem>>, vector<1x16xf32>,
    }
    %scan3A_4 = arith.constant 256 : i32
    %scan3A_5 = arith.constant 0 : i32
    %scan3A_6 = arith.constant 0 : i32
    %scan3A_7 = arith.constant 20 : i32
    %scan3A_8 = arith.addi %scan3A_6, %scan3A_7 : i32
    %scan3A_9 = arith.constant 1 : i32
    scf.for %scan3A_29 = %scan3A_6 to %scan3A_8 step %scan3A_9  : i32 {
      %mul3A = arith.constant 640 : i32
      %mul3A_30 = arith.muli %arg1, %mul3A : i32
      %mul3A_31 = arith.constant 32 : i32
      %mul3A_32 = arith.muli %scan3A_29, %mul3A_31 : i32
      %add3A = arith.addi %mul3A_30, %mul3A_32 : i32
      "tpu.region"() ({
        %run_scoped3A = tpu.sem_alloc : memref<!tpu.dma_semaphore, #tpu.memory_space<semaphore_mem>>
        %dma_start3A = arith.constant 0 : i32
        %dma_start3A_33 = tpu.memref_slice %arg13[%add3A, %dma_start3A] : memref<10240x128xf32, #tpu.memory_space<vmem_shared>> -> memref<32x128xf32, #tpu.memory_space<vmem_shared>>
        %dma_start3A_34 = arith.constant 0 : i32
        %dma_start3A_35 = tpu.memref_slice %arg13[%add3A, %dma_start3A_34] : memref<10240x128xf32, #tpu.memory_space<vmem_shared>> -> memref<32x128xf32, #tpu.memory_space<vmem_shared>>
        tpu.enqueue_dma source(%arg12 : memref<32x128xf32, #tpu.memory_space<vmem>>) target(%dma_start3A_35 : memref<32x128xf32, #tpu.memory_space<vmem_shared>>) target_semaphore(%run_scoped3A : memref<!tpu.dma_semaphore, #tpu.memory_space<semaphore_mem>>)
        %dma_wait3A = arith.constant 0 : i32
        %dma_wait3A_36 = tpu.memref_slice %arg13[%add3A, %dma_wait3A] : memref<10240x128xf32, #tpu.memory_space<vmem_shared>> -> memref<32x128xf32, #tpu.memory_space<vmem_shared>>
        %dma_wait3A_37 = arith.constant 0 : i32
        %dma_wait3A_38 = tpu.memref_slice %arg13[%add3A, %dma_wait3A_37] : memref<10240x128xf32, #tpu.memory_space<vmem_shared>> -> memref<32x128xf32, #tpu.memory_space<vmem_shared>>
        tpu.wait_dma2 semaphore(%run_scoped3A : memref<!tpu.dma_semaphore, #tpu.memory_space<semaphore_mem>>) src(%arg12 : memref<32x128xf32, #tpu.memory_space<vmem>>) dst(%dma_wait3A_38 : memref<32x128xf32, #tpu.memory_space<vmem_shared>>)
        tpu.yield
      }) : () -> ()
    }
    %scan3A_10 = arith.constant 20 : i32
    %barrier3A = arith.constant 0 : index
    tpu.barrier barrier_id(%barrier3A)
    %eq3A = arith.constant 0 : i32
    %eq3A_11 = arith.cmpi eq, %arg0, %eq3A : i32
    %convert_element_type3A = arith.extui %eq3A_11 : i1 to i32
    %cond3A = arith.constant 0 : i32
    %cond3A_12 = arith.cmpi ne, %convert_element_type3A, %cond3A : i32
    scf.if %cond3A_12 {
      %run_scoped3A = arith.constant 0 : i32
      %run_scoped3A_29 = arith.constant 0 : i32
      "tpu.region"() ({
        %run_scoped3A_38 = tpu.sem_alloc : memref<!tpu.dma_semaphore, #tpu.memory_space<semaphore_mem>>
        %dma_start3A = arith.constant 0 : i32
        %dma_start3A_39 = arith.constant 0 : i32
        %dma_start3A_40 = tpu.memref_slice %arg8[%run_scoped3A_29, %dma_start3A, %dma_start3A_39] : memref<2x16x125xi32, #tpu.memory_space<vmem>> -> memref<1x16x125xi32, #tpu.memory_space<vmem>>
        %dma_start3A_41 = tpu.memref_squeeze %dma_start3A_40 : memref<1x16x125xi32, #tpu.memory_space<vmem>> -> memref<16x125xi32, #tpu.memory_space<vmem>>
        %dma_start3A_42 = arith.constant 0 : i32
        %dma_start3A_43 = arith.constant 0 : i32
        %dma_start3A_44 = tpu.memref_slice %arg4[%arg1, %run_scoped3A, %dma_start3A_42, %dma_start3A_43] : memref<16x10x16x125xi32, #tpu.memory_space<hbm>> -> memref<1x1x16x125xi32, #tpu.memory_space<hbm>>
        %dma_start3A_45 = tpu.memref_squeeze %dma_start3A_44 : memref<1x1x16x125xi32, #tpu.memory_space<hbm>> -> memref<16x125xi32, #tpu.memory_space<hbm>>
        %dma_start3A_46 = arith.constant 0 : i32
        %dma_start3A_47 = arith.constant 0 : i32
        %dma_start3A_48 = tpu.memref_slice %arg8[%run_scoped3A_29, %dma_start3A_46, %dma_start3A_47] : memref<2x16x125xi32, #tpu.memory_space<vmem>> -> memref<1x16x125xi32, #tpu.memory_space<vmem>>
        %dma_start3A_49 = tpu.memref_squeeze %dma_start3A_48 : memref<1x16x125xi32, #tpu.memory_space<vmem>> -> memref<16x125xi32, #tpu.memory_space<vmem>>
        %dma_start3A_50 = arith.constant 0 : i32
        %dma_start3A_51 = arith.constant 0 : i32
        %dma_start3A_52 = tpu.memref_slice %arg4[%arg1, %run_scoped3A, %dma_start3A_50, %dma_start3A_51] : memref<16x10x16x125xi32, #tpu.memory_space<hbm>> -> memref<1x1x16x125xi32, #tpu.memory_space<hbm>>
        %dma_start3A_53 = tpu.memref_squeeze %dma_start3A_52 : memref<1x1x16x125xi32, #tpu.memory_space<hbm>> -> memref<16x125xi32, #tpu.memory_space<hbm>>
        tpu.enqueue_dma source(%dma_start3A_53 : memref<16x125xi32, #tpu.memory_space<hbm>>) target(%dma_start3A_49 : memref<16x125xi32, #tpu.memory_space<vmem>>) target_semaphore(%run_scoped3A_38 : memref<!tpu.dma_semaphore, #tpu.memory_space<semaphore_mem>>)
        %dma_wait3A = arith.constant 0 : i32
        %dma_wait3A_54 = arith.constant 0 : i32
        %dma_wait3A_55 = tpu.memref_slice %arg8[%run_scoped3A_29, %dma_wait3A, %dma_wait3A_54] : memref<2x16x125xi32, #tpu.memory_space<vmem>> -> memref<1x16x125xi32, #tpu.memory_space<vmem>>
        %dma_wait3A_56 = tpu.memref_squeeze %dma_wait3A_55 : memref<1x16x125xi32, #tpu.memory_space<vmem>> -> memref<16x125xi32, #tpu.memory_space<vmem>>
        %dma_wait3A_57 = arith.constant 0 : i32
        %dma_wait3A_58 = arith.constant 0 : i32
        %dma_wait3A_59 = tpu.memref_slice %arg4[%arg1, %run_scoped3A, %dma_wait3A_57, %dma_wait3A_58] : memref<16x10x16x125xi32, #tpu.memory_space<hbm>> -> memref<1x1x16x125xi32, #tpu.memory_space<hbm>>
        %dma_wait3A_60 = tpu.memref_squeeze %dma_wait3A_59 : memref<1x1x16x125xi32, #tpu.memory_space<hbm>> -> memref<16x125xi32, #tpu.memory_space<hbm>>
        %dma_wait3A_61 = arith.constant 0 : i32
        %dma_wait3A_62 = arith.constant 0 : i32
        %dma_wait3A_63 = tpu.memref_slice %arg8[%run_scoped3A_29, %dma_wait3A_61, %dma_wait3A_62] : memref<2x16x125xi32, #tpu.memory_space<vmem>> -> memref<1x16x125xi32, #tpu.memory_space<vmem>>
        %dma_wait3A_64 = tpu.memref_squeeze %dma_wait3A_63 : memref<1x16x125xi32, #tpu.memory_space<vmem>> -> memref<16x125xi32, #tpu.memory_space<vmem>>
        %dma_wait3A_65 = arith.constant 0 : i32
        %dma_wait3A_66 = arith.constant 0 : i32
        %dma_wait3A_67 = tpu.memref_slice %arg4[%arg1, %run_scoped3A, %dma_wait3A_65, %dma_wait3A_66] : memref<16x10x16x125xi32, #tpu.memory_space<hbm>> -> memref<1x1x16x125xi32, #tpu.memory_space<hbm>>
        %dma_wait3A_68 = tpu.memref_squeeze %dma_wait3A_67 : memref<1x1x16x125xi32, #tpu.memory_space<hbm>> -> memref<16x125xi32, #tpu.memory_space<hbm>>
        tpu.wait_dma2 semaphore(%run_scoped3A_38 : memref<!tpu.dma_semaphore, #tpu.memory_space<semaphore_mem>>) src(%dma_wait3A_68 : memref<16x125xi32, #tpu.memory_space<hbm>>) dst(%dma_wait3A_64 : memref<16x125xi32, #tpu.memory_space<vmem>>)
        tpu.yield
      }) : () -> ()
      %run_scoped3A_30 = arith.constant 0 : i32
      %run_scoped3A_31 = arith.constant 0 : i32
      "tpu.region"() ({
        %run_scoped3A_38 = tpu.sem_alloc : memref<!tpu.dma_semaphore, #tpu.memory_space<semaphore_mem>>
        %dma_start3A = arith.constant 0 : i32
        %dma_start3A_39 = arith.constant 0 : i32
        %dma_start3A_40 = tpu.memref_slice %arg9[%run_scoped3A_31, %dma_start3A, %dma_start3A_39] : memref<2x16x125xi32, #tpu.memory_space<vmem>> -> memref<1x16x125xi32, #tpu.memory_space<vmem>>
        %dma_start3A_41 = tpu.memref_squeeze %dma_start3A_40 : memref<1x16x125xi32, #tpu.memory_space<vmem>> -> memref<16x125xi32, #tpu.memory_space<vmem>>
        %dma_start3A_42 = arith.constant 0 : i32
        %dma_start3A_43 = arith.constant 0 : i32
        %dma_start3A_44 = tpu.memref_slice %arg5[%arg1, %run_scoped3A_30, %dma_start3A_42, %dma_start3A_43] : memref<16x10x16x125xi32, #tpu.memory_space<hbm>> -> memref<1x1x16x125xi32, #tpu.memory_space<hbm>>
        %dma_start3A_45 = tpu.memref_squeeze %dma_start3A_44 : memref<1x1x16x125xi32, #tpu.memory_space<hbm>> -> memref<16x125xi32, #tpu.memory_space<hbm>>
        %dma_start3A_46 = arith.constant 0 : i32
        %dma_start3A_47 = arith.constant 0 : i32
        %dma_start3A_48 = tpu.memref_slice %arg9[%run_scoped3A_31, %dma_start3A_46, %dma_start3A_47] : memref<2x16x125xi32, #tpu.memory_space<vmem>> -> memref<1x16x125xi32, #tpu.memory_space<vmem>>
        %dma_start3A_49 = tpu.memref_squeeze %dma_start3A_48 : memref<1x16x125xi32, #tpu.memory_space<vmem>> -> memref<16x125xi32, #tpu.memory_space<vmem>>
        %dma_start3A_50 = arith.constant 0 : i32
        %dma_start3A_51 = arith.constant 0 : i32
        %dma_start3A_52 = tpu.memref_slice %arg5[%arg1, %run_scoped3A_30, %dma_start3A_50, %dma_start3A_51] : memref<16x10x16x125xi32, #tpu.memory_space<hbm>> -> memref<1x1x16x125xi32, #tpu.memory_space<hbm>>
        %dma_start3A_53 = tpu.memref_squeeze %dma_start3A_52 : memref<1x1x16x125xi32, #tpu.memory_space<hbm>> -> memref<16x125xi32, #tpu.memory_space<hbm>>
        tpu.enqueue_dma source(%dma_start3A_53 : memref<16x125xi32, #tpu.memory_space<hbm>>) target(%dma_start3A_49 : memref<16x125xi32, #tpu.memory_space<vmem>>) target_semaphore(%run_scoped3A_38 : memref<!tpu.dma_semaphore, #tpu.memory_space<semaphore_mem>>)
        %dma_wait3A = arith.constant 0 : i32
        %dma_wait3A_54 = arith.constant 0 : i32
        %dma_wait3A_55 = tpu.memref_slice %arg9[%run_scoped3A_31, %dma_wait3A, %dma_wait3A_54] : memref<2x16x125xi32, #tpu.memory_space<vmem>> -> memref<1x16x125xi32, #tpu.memory_space<vmem>>
        %dma_wait3A_56 = tpu.memref_squeeze %dma_wait3A_55 : memref<1x16x125xi32, #tpu.memory_space<vmem>> -> memref<16x125xi32, #tpu.memory_space<vmem>>
        %dma_wait3A_57 = arith.constant 0 : i32
        %dma_wait3A_58 = arith.constant 0 : i32
        %dma_wait3A_59 = tpu.memref_slice %arg5[%arg1, %run_scoped3A_30, %dma_wait3A_57, %dma_wait3A_58] : memref<16x10x16x125xi32, #tpu.memory_space<hbm>> -> memref<1x1x16x125xi32, #tpu.memory_space<hbm>>
        %dma_wait3A_60 = tpu.memref_squeeze %dma_wait3A_59 : memref<1x1x16x125xi32, #tpu.memory_space<hbm>> -> memref<16x125xi32, #tpu.memory_space<hbm>>
        %dma_wait3A_61 = arith.constant 0 : i32
        %dma_wait3A_62 = arith.constant 0 : i32
        %dma_wait3A_63 = tpu.memref_slice %arg9[%run_scoped3A_31, %dma_wait3A_61, %dma_wait3A_62] : memref<2x16x125xi32, #tpu.memory_space<vmem>> -> memref<1x16x125xi32, #tpu.memory_space<vmem>>
        %dma_wait3A_64 = tpu.memref_squeeze %dma_wait3A_63 : memref<1x16x125xi32, #tpu.memory_space<vmem>> -> memref<16x125xi32, #tpu.memory_space<vmem>>
        %dma_wait3A_65 = arith.constant 0 : i32
        %dma_wait3A_66 = arith.constant 0 : i32
        %dma_wait3A_67 = tpu.memref_slice %arg5[%arg1, %run_scoped3A_30, %dma_wait3A_65, %dma_wait3A_66] : memref<16x10x16x125xi32, #tpu.memory_space<hbm>> -> memref<1x1x16x125xi32, #tpu.memory_space<hbm>>
        %dma_wait3A_68 = tpu.memref_squeeze %dma_wait3A_67 : memref<1x1x16x125xi32, #tpu.memory_space<hbm>> -> memref<16x125xi32, #tpu.memory_space<hbm>>
        tpu.wait_dma2 semaphore(%run_scoped3A_38 : memref<!tpu.dma_semaphore, #tpu.memory_space<semaphore_mem>>) src(%dma_wait3A_68 : memref<16x125xi32, #tpu.memory_space<hbm>>) dst(%dma_wait3A_64 : memref<16x125xi32, #tpu.memory_space<vmem>>)
        tpu.yield
      }) : () -> ()
      %scan3A_32 = arith.constant 0 : i32
      %scan3A_33 = arith.constant 0 : i32
      %scan3A_34 = arith.constant 10 : i32
      %scan3A_35 = arith.addi %scan3A_33, %scan3A_34 : i32
      %scan3A_36 = arith.constant 1 : i32
      scf.for %scan3A_38 = %scan3A_33 to %scan3A_35 step %scan3A_36  : i32 {
        %rem3A = arith.constant 2 : i32
        %rem3A_39 = arith.remsi %scan3A_38, %rem3A : i32
        %gt3A = arith.constant 0 : i32
        %gt3A_40 = arith.cmpi sgt, %scan3A_38, %gt3A : i32
        %convert_element_type3A_41 = arith.extui %gt3A_40 : i1 to i32
        %cond3A_42 = arith.constant 0 : i32
        %cond3A_43 = arith.cmpi ne, %convert_element_type3A_41, %cond3A_42 : i32
        scf.if %cond3A_43 {
          %dma_wait3A_287 = arith.constant 0 : i32
          %dma_wait3A_288 = arith.constant 0 : i32
          %dma_wait3A_289 = tpu.memref_slice %arg8[%rem3A_39, %dma_wait3A_287, %dma_wait3A_288] : memref<2x16x125xi32, #tpu.memory_space<vmem>> -> memref<1x16x125xi32, #tpu.memory_space<vmem>>
          %dma_wait3A_290 = tpu.memref_squeeze %dma_wait3A_289 : memref<1x16x125xi32, #tpu.memory_space<vmem>> -> memref<16x125xi32, #tpu.memory_space<vmem>>
          %dma_wait3A_291 = arith.constant 0 : i32
          %dma_wait3A_292 = arith.constant 0 : i32
          %dma_wait3A_293 = tpu.memref_slice %arg4[%arg1, %scan3A_38, %dma_wait3A_291, %dma_wait3A_292] : memref<16x10x16x125xi32, #tpu.memory_space<hbm>> -> memref<1x1x16x125xi32, #tpu.memory_space<hbm>>
          %dma_wait3A_294 = tpu.memref_squeeze %dma_wait3A_293 : memref<1x1x16x125xi32, #tpu.memory_space<hbm>> -> memref<16x125xi32, #tpu.memory_space<hbm>>
          %dma_wait3A_295 = arith.constant 0 : i32
          %dma_wait3A_296 = arith.constant 0 : i32
          %dma_wait3A_297 = tpu.memref_slice %arg8[%rem3A_39, %dma_wait3A_295, %dma_wait3A_296] : memref<2x16x125xi32, #tpu.memory_space<vmem>> -> memref<1x16x125xi32, #tpu.memory_space<vmem>>
          %dma_wait3A_298 = tpu.memref_squeeze %dma_wait3A_297 : memref<1x16x125xi32, #tpu.memory_space<vmem>> -> memref<16x125xi32, #tpu.memory_space<vmem>>
          %dma_wait3A_299 = arith.constant 0 : i32
          %dma_wait3A_300 = arith.constant 0 : i32
          %dma_wait3A_301 = tpu.memref_slice %arg4[%arg1, %scan3A_38, %dma_wait3A_299, %dma_wait3A_300] : memref<16x10x16x125xi32, #tpu.memory_space<hbm>> -> memref<1x1x16x125xi32, #tpu.memory_space<hbm>>
          %dma_wait3A_302 = tpu.memref_squeeze %dma_wait3A_301 : memref<1x1x16x125xi32, #tpu.memory_space<hbm>> -> memref<16x125xi32, #tpu.memory_space<hbm>>
          tpu.wait_dma2 semaphore(%arg16 : memref<!tpu.dma_semaphore, #tpu.memory_space<semaphore_mem>>) src(%dma_wait3A_302 : memref<16x125xi32, #tpu.memory_space<hbm>>) dst(%dma_wait3A_298 : memref<16x125xi32, #tpu.memory_space<vmem>>)
          %dma_wait3A_303 = arith.constant 0 : i32
          %dma_wait3A_304 = arith.constant 0 : i32
          %dma_wait3A_305 = tpu.memref_slice %arg9[%rem3A_39, %dma_wait3A_303, %dma_wait3A_304] : memref<2x16x125xi32, #tpu.memory_space<vmem>> -> memref<1x16x125xi32, #tpu.memory_space<vmem>>
          %dma_wait3A_306 = tpu.memref_squeeze %dma_wait3A_305 : memref<1x16x125xi32, #tpu.memory_space<vmem>> -> memref<16x125xi32, #tpu.memory_space<vmem>>
          %dma_wait3A_307 = arith.constant 0 : i32
          %dma_wait3A_308 = arith.constant 0 : i32
          %dma_wait3A_309 = tpu.memref_slice %arg5[%arg1, %scan3A_38, %dma_wait3A_307, %dma_wait3A_308] : memref<16x10x16x125xi32, #tpu.memory_space<hbm>> -> memref<1x1x16x125xi32, #tpu.memory_space<hbm>>
          %dma_wait3A_310 = tpu.memref_squeeze %dma_wait3A_309 : memref<1x1x16x125xi32, #tpu.memory_space<hbm>> -> memref<16x125xi32, #tpu.memory_space<hbm>>
          %dma_wait3A_311 = arith.constant 0 : i32
          %dma_wait3A_312 = arith.constant 0 : i32
          %dma_wait3A_313 = tpu.memref_slice %arg9[%rem3A_39, %dma_wait3A_311, %dma_wait3A_312] : memref<2x16x125xi32, #tpu.memory_space<vmem>> -> memref<1x16x125xi32, #tpu.memory_space<vmem>>
          %dma_wait3A_314 = tpu.memref_squeeze %dma_wait3A_313 : memref<1x16x125xi32, #tpu.memory_space<vmem>> -> memref<16x125xi32, #tpu.memory_space<vmem>>
          %dma_wait3A_315 = arith.constant 0 : i32
          %dma_wait3A_316 = arith.constant 0 : i32
          %dma_wait3A_317 = tpu.memref_slice %arg5[%arg1, %scan3A_38, %dma_wait3A_315, %dma_wait3A_316] : memref<16x10x16x125xi32, #tpu.memory_space<hbm>> -> memref<1x1x16x125xi32, #tpu.memory_space<hbm>>
          %dma_wait3A_318 = tpu.memref_squeeze %dma_wait3A_317 : memref<1x1x16x125xi32, #tpu.memory_space<hbm>> -> memref<16x125xi32, #tpu.memory_space<hbm>>
          tpu.wait_dma2 semaphore(%arg16 : memref<!tpu.dma_semaphore, #tpu.memory_space<semaphore_mem>>) src(%dma_wait3A_318 : memref<16x125xi32, #tpu.memory_space<hbm>>) dst(%dma_wait3A_314 : memref<16x125xi32, #tpu.memory_space<vmem>>)
        } else {
        }
        %add3A = arith.constant 1 : i32
        %add3A_44 = arith.addi %scan3A_38, %add3A : i32
        %lt3A = arith.constant 10 : i32
        %lt3A_45 = arith.cmpi slt, %add3A_44, %lt3A : i32
        %convert_element_type3A_46 = arith.extui %lt3A_45 : i1 to i32
        %cond3A_47 = arith.constant 0 : i32
        %cond3A_48 = arith.cmpi ne, %convert_element_type3A_46, %cond3A_47 : i32
        scf.if %cond3A_48 {
          %add3A_287 = arith.constant 1 : i32
          %add3A_288 = arith.addi %scan3A_38, %add3A_287 : i32
          %sub3A = arith.constant 1 : i32
          %sub3A_289 = arith.subi %sub3A, %rem3A_39 : i32
          %dma_start3A_290 = arith.constant 0 : i32
          %dma_start3A_291 = arith.constant 0 : i32
          %dma_start3A_292 = tpu.memref_slice %arg8[%sub3A_289, %dma_start3A_290, %dma_start3A_291] : memref<2x16x125xi32, #tpu.memory_space<vmem>> -> memref<1x16x125xi32, #tpu.memory_space<vmem>>
          %dma_start3A_293 = tpu.memref_squeeze %dma_start3A_292 : memref<1x16x125xi32, #tpu.memory_space<vmem>> -> memref<16x125xi32, #tpu.memory_space<vmem>>
          %dma_start3A_294 = arith.constant 0 : i32
          %dma_start3A_295 = arith.constant 0 : i32
          %dma_start3A_296 = tpu.memref_slice %arg4[%arg1, %add3A_288, %dma_start3A_294, %dma_start3A_295] : memref<16x10x16x125xi32, #tpu.memory_space<hbm>> -> memref<1x1x16x125xi32, #tpu.memory_space<hbm>>
          %dma_start3A_297 = tpu.memref_squeeze %dma_start3A_296 : memref<1x1x16x125xi32, #tpu.memory_space<hbm>> -> memref<16x125xi32, #tpu.memory_space<hbm>>
          %dma_start3A_298 = arith.constant 0 : i32
          %dma_start3A_299 = arith.constant 0 : i32
          %dma_start3A_300 = tpu.memref_slice %arg8[%sub3A_289, %dma_start3A_298, %dma_start3A_299] : memref<2x16x125xi32, #tpu.memory_space<vmem>> -> memref<1x16x125xi32, #tpu.memory_space<vmem>>
          %dma_start3A_301 = tpu.memref_squeeze %dma_start3A_300 : memref<1x16x125xi32, #tpu.memory_space<vmem>> -> memref<16x125xi32, #tpu.memory_space<vmem>>
          %dma_start3A_302 = arith.constant 0 : i32
          %dma_start3A_303 = arith.constant 0 : i32
          %dma_start3A_304 = tpu.memref_slice %arg4[%arg1, %add3A_288, %dma_start3A_302, %dma_start3A_303] : memref<16x10x16x125xi32, #tpu.memory_space<hbm>> -> memref<1x1x16x125xi32, #tpu.memory_space<hbm>>
          %dma_start3A_305 = tpu.memref_squeeze %dma_start3A_304 : memref<1x1x16x125xi32, #tpu.memory_space<hbm>> -> memref<16x125xi32, #tpu.memory_space<hbm>>
          tpu.enqueue_dma source(%dma_start3A_305 : memref<16x125xi32, #tpu.memory_space<hbm>>) target(%dma_start3A_301 : memref<16x125xi32, #tpu.memory_space<vmem>>) target_semaphore(%arg16 : memref<!tpu.dma_semaphore, #tpu.memory_space<semaphore_mem>>)
          %add3A_306 = arith.constant 1 : i32
          %add3A_307 = arith.addi %scan3A_38, %add3A_306 : i32
          %sub3A_308 = arith.constant 1 : i32
          %sub3A_309 = arith.subi %sub3A_308, %rem3A_39 : i32
          %dma_start3A_310 = arith.constant 0 : i32
          %dma_start3A_311 = arith.constant 0 : i32
          %dma_start3A_312 = tpu.memref_slice %arg9[%sub3A_309, %dma_start3A_310, %dma_start3A_311] : memref<2x16x125xi32, #tpu.memory_space<vmem>> -> memref<1x16x125xi32, #tpu.memory_space<vmem>>
          %dma_start3A_313 = tpu.memref_squeeze %dma_start3A_312 : memref<1x16x125xi32, #tpu.memory_space<vmem>> -> memref<16x125xi32, #tpu.memory_space<vmem>>
          %dma_start3A_314 = arith.constant 0 : i32
          %dma_start3A_315 = arith.constant 0 : i32
          %dma_start3A_316 = tpu.memref_slice %arg5[%arg1, %add3A_307, %dma_start3A_314, %dma_start3A_315] : memref<16x10x16x125xi32, #tpu.memory_space<hbm>> -> memref<1x1x16x125xi32, #tpu.memory_space<hbm>>
          %dma_start3A_317 = tpu.memref_squeeze %dma_start3A_316 : memref<1x1x16x125xi32, #tpu.memory_space<hbm>> -> memref<16x125xi32, #tpu.memory_space<hbm>>
          %dma_start3A_318 = arith.constant 0 : i32
          %dma_start3A_319 = arith.constant 0 : i32
          %dma_start3A_320 = tpu.memref_slice %arg9[%sub3A_309, %dma_start3A_318, %dma_start3A_319] : memref<2x16x125xi32, #tpu.memory_space<vmem>> -> memref<1x16x125xi32, #tpu.memory_space<vmem>>
          %dma_start3A_321 = tpu.memref_squeeze %dma_start3A_320 : memref<1x16x125xi32, #tpu.memory_space<vmem>> -> memref<16x125xi32, #tpu.memory_space<vmem>>
          %dma_start3A_322 = arith.constant 0 : i32
          %dma_start3A_323 = arith.constant 0 : i32
          %dma_start3A_324 = tpu.memref_slice %arg5[%arg1, %add3A_307, %dma_start3A_322, %dma_start3A_323] : memref<16x10x16x125xi32, #tpu.memory_space<hbm>> -> memref<1x1x16x125xi32, #tpu.memory_space<hbm>>
          %dma_start3A_325 = tpu.memref_squeeze %dma_start3A_324 : memref<1x1x16x125xi32, #tpu.memory_space<hbm>> -> memref<16x125xi32, #tpu.memory_space<hbm>>
          tpu.enqueue_dma source(%dma_start3A_325 : memref<16x125xi32, #tpu.memory_space<hbm>>) target(%dma_start3A_321 : memref<16x125xi32, #tpu.memory_space<vmem>>) target_semaphore(%arg16 : memref<!tpu.dma_semaphore, #tpu.memory_space<semaphore_mem>>)
        } else {
        }
        %dma_start3A = arith.constant 0 : i32
        %dma_start3A_49 = arith.constant 0 : i32
        %dma_start3A_50 = tpu.memref_slice %arg8[%rem3A_39, %dma_start3A, %dma_start3A_49] : memref<2x16x125xi32, #tpu.memory_space<vmem>> -> memref<1x1x125xi32, #tpu.memory_space<vmem>>
        %dma_start3A_51 = tpu.memref_squeeze %dma_start3A_50 : memref<1x1x125xi32, #tpu.memory_space<vmem>> -> memref<125xi32, #tpu.memory_space<vmem>>
        %dma_start3A_52 = arith.constant 0 : i32
        %dma_start3A_53 = arith.constant 0 : i32
        %dma_start3A_54 = tpu.memref_slice %arg2[%dma_start3A_52, %dma_start3A_53] : memref<10000x128xf32, #tpu.memory_space<hbm>> -> memref<10000x128xf32, #tpu.memory_space<hbm>>
        tpu.enqueue_indirect_dma source(%dma_start3A_54 : memref<10000x128xf32, #tpu.memory_space<hbm>>) target(%arg10 : memref<125x128xf32, #tpu.memory_space<vmem>>) offsets(%dma_start3A_51 : memref<125xi32, #tpu.memory_space<vmem>>) semaphore(%arg14 : memref<!tpu.dma_semaphore, #tpu.memory_space<semaphore_mem>>)
        %dma_start3A_55 = arith.constant 1 : i32
        %dma_start3A_56 = arith.constant 0 : i32
        %dma_start3A_57 = tpu.memref_slice %arg8[%rem3A_39, %dma_start3A_55, %dma_start3A_56] : memref<2x16x125xi32, #tpu.memory_space<vmem>> -> memref<1x1x125xi32, #tpu.memory_space<vmem>>
        %dma_start3A_58 = tpu.memref_squeeze %dma_start3A_57 : memref<1x1x125xi32, #tpu.memory_space<vmem>> -> memref<125xi32, #tpu.memory_space<vmem>>
        %dma_start3A_59 = arith.constant 0 : i32
        %dma_start3A_60 = arith.constant 0 : i32
        %dma_start3A_61 = tpu.memref_slice %arg2[%dma_start3A_59, %dma_start3A_60] : memref<10000x128xf32, #tpu.memory_space<hbm>> -> memref<10000x128xf32, #tpu.memory_space<hbm>>
        tpu.enqueue_indirect_dma source(%dma_start3A_61 : memref<10000x128xf32, #tpu.memory_space<hbm>>) target(%arg11 : memref<125x128xf32, #tpu.memory_space<vmem>>) offsets(%dma_start3A_58 : memref<125xi32, #tpu.memory_space<vmem>>) semaphore(%arg15 : memref<!tpu.dma_semaphore, #tpu.memory_space<semaphore_mem>>)
        %dma_wait3A = arith.constant 0 : i32
        %dma_wait3A_62 = arith.constant 0 : i32
        %dma_wait3A_63 = tpu.memref_slice %arg8[%rem3A_39, %dma_wait3A, %dma_wait3A_62] : memref<2x16x125xi32, #tpu.memory_space<vmem>> -> memref<1x1x125xi32, #tpu.memory_space<vmem>>
        %dma_wait3A_64 = tpu.memref_squeeze %dma_wait3A_63 : memref<1x1x125xi32, #tpu.memory_space<vmem>> -> memref<125xi32, #tpu.memory_space<vmem>>
        %dma_wait3A_65 = arith.constant 0 : i32
        %dma_wait3A_66 = arith.constant 0 : i32
        %dma_wait3A_67 = tpu.memref_slice %arg2[%dma_wait3A_65, %dma_wait3A_66] : memref<10000x128xf32, #tpu.memory_space<hbm>> -> memref<10000x128xf32, #tpu.memory_space<hbm>>
        tpu.wait_indirect_dma semaphore(%arg14 : memref<!tpu.dma_semaphore, #tpu.memory_space<semaphore_mem>>) src(%dma_wait3A_67 : memref<10000x128xf32, #tpu.memory_space<hbm>>) dst(%arg10 : memref<125x128xf32, #tpu.memory_space<vmem>>)
        %run_scoped3A_68 = arith.constant 0 : i32
        "tpu.region"() ({
          %run_scoped3A_287 = tpu.sem_alloc : memref<!tpu.dma_semaphore, #tpu.memory_space<semaphore_mem>>
          %dma_start3A_288 = arith.constant 0 : i32
          %dma_start3A_289 = tpu.memref_slice %arg9[%rem3A_39, %run_scoped3A_68, %dma_start3A_288] : memref<2x16x125xi32, #tpu.memory_space<vmem>> -> memref<1x1x125xi32, #tpu.memory_space<vmem>>
          %dma_start3A_290 = tpu.memref_squeeze %dma_start3A_289 : memref<1x1x125xi32, #tpu.memory_space<vmem>> -> memref<125xi32, #tpu.memory_space<vmem>>
          %dma_start3A_291 = arith.constant 0 : i32
          %dma_start3A_292 = arith.constant 0 : i32
          %dma_start3A_293 = tpu.memref_slice %arg13[%dma_start3A_291, %dma_start3A_292] : memref<10240x128xf32, #tpu.memory_space<vmem_shared>> -> memref<10240x128xf32, #tpu.memory_space<vmem_shared>>
          tpu.enqueue_indirect_dma source(%arg10 : memref<125x128xf32, #tpu.memory_space<vmem>>) target(%dma_start3A_293 : memref<10240x128xf32, #tpu.memory_space<vmem_shared>>) offsets(%dma_start3A_290 : memref<125xi32, #tpu.memory_space<vmem>>) semaphore(%run_scoped3A_287 : memref<!tpu.dma_semaphore, #tpu.memory_space<semaphore_mem>>) {add = true}
          %dma_wait3A_294 = arith.constant 0 : i32
          %dma_wait3A_295 = tpu.memref_slice %arg9[%rem3A_39, %run_scoped3A_68, %dma_wait3A_294] : memref<2x16x125xi32, #tpu.memory_space<vmem>> -> memref<1x1x125xi32, #tpu.memory_space<vmem>>
          %dma_wait3A_296 = tpu.memref_squeeze %dma_wait3A_295 : memref<1x1x125xi32, #tpu.memory_space<vmem>> -> memref<125xi32, #tpu.memory_space<vmem>>
          %dma_wait3A_297 = arith.constant 0 : i32
          %dma_wait3A_298 = arith.constant 0 : i32
          %dma_wait3A_299 = tpu.memref_slice %arg13[%dma_wait3A_297, %dma_wait3A_298] : memref<10240x128xf32, #tpu.memory_space<vmem_shared>> -> memref<10240x128xf32, #tpu.memory_space<vmem_shared>>
          tpu.wait_indirect_dma semaphore(%run_scoped3A_287 : memref<!tpu.dma_semaphore, #tpu.memory_space<semaphore_mem>>) src(%arg10 : memref<125x128xf32, #tpu.memory_space<vmem>>) dst(%dma_wait3A_299 : memref<10240x128xf32, #tpu.memory_space<vmem_shared>>)
          tpu.yield
        }) : () -> ()
        %dma_start3A_69 = arith.constant 2 : i32
        %dma_start3A_70 = arith.constant 0 : i32
        %dma_start3A_71 = tpu.memref_slice %arg8[%rem3A_39, %dma_start3A_69, %dma_start3A_70] : memref<2x16x125xi32, #tpu.memory_space<vmem>> -> memref<1x1x125xi32, #tpu.memory_space<vmem>>
        %dma_start3A_72 = tpu.memref_squeeze %dma_start3A_71 : memref<1x1x125xi32, #tpu.memory_space<vmem>> -> memref<125xi32, #tpu.memory_space<vmem>>
        %dma_start3A_73 = arith.constant 0 : i32
        %dma_start3A_74 = arith.constant 0 : i32
        %dma_start3A_75 = tpu.memref_slice %arg2[%dma_start3A_73, %dma_start3A_74] : memref<10000x128xf32, #tpu.memory_space<hbm>> -> memref<10000x128xf32, #tpu.memory_space<hbm>>
        tpu.enqueue_indirect_dma source(%dma_start3A_75 : memref<10000x128xf32, #tpu.memory_space<hbm>>) target(%arg10 : memref<125x128xf32, #tpu.memory_space<vmem>>) offsets(%dma_start3A_72 : memref<125xi32, #tpu.memory_space<vmem>>) semaphore(%arg14 : memref<!tpu.dma_semaphore, #tpu.memory_space<semaphore_mem>>)
        %dma_wait3A_76 = arith.constant 1 : i32
        %dma_wait3A_77 = arith.constant 0 : i32
        %dma_wait3A_78 = tpu.memref_slice %arg8[%rem3A_39, %dma_wait3A_76, %dma_wait3A_77] : memref<2x16x125xi32, #tpu.memory_space<vmem>> -> memref<1x1x125xi32, #tpu.memory_space<vmem>>
        %dma_wait3A_79 = tpu.memref_squeeze %dma_wait3A_78 : memref<1x1x125xi32, #tpu.memory_space<vmem>> -> memref<125xi32, #tpu.memory_space<vmem>>
        %dma_wait3A_80 = arith.constant 0 : i32
        %dma_wait3A_81 = arith.constant 0 : i32
        %dma_wait3A_82 = tpu.memref_slice %arg2[%dma_wait3A_80, %dma_wait3A_81] : memref<10000x128xf32, #tpu.memory_space<hbm>> -> memref<10000x128xf32, #tpu.memory_space<hbm>>
        tpu.wait_indirect_dma semaphore(%arg15 : memref<!tpu.dma_semaphore, #tpu.memory_space<semaphore_mem>>) src(%dma_wait3A_82 : memref<10000x128xf32, #tpu.memory_space<hbm>>) dst(%arg11 : memref<125x128xf32, #tpu.memory_space<vmem>>)
        %run_scoped3A_83 = arith.constant 1 : i32
        "tpu.region"() ({
          %run_scoped3A_287 = tpu.sem_alloc : memref<!tpu.dma_semaphore, #tpu.memory_space<semaphore_mem>>
          %dma_start3A_288 = arith.constant 0 : i32
          %dma_start3A_289 = tpu.memref_slice %arg9[%rem3A_39, %run_scoped3A_83, %dma_start3A_288] : memref<2x16x125xi32, #tpu.memory_space<vmem>> -> memref<1x1x125xi32, #tpu.memory_space<vmem>>
          %dma_start3A_290 = tpu.memref_squeeze %dma_start3A_289 : memref<1x1x125xi32, #tpu.memory_space<vmem>> -> memref<125xi32, #tpu.memory_space<vmem>>
          %dma_start3A_291 = arith.constant 0 : i32
          %dma_start3A_292 = arith.constant 0 : i32
          %dma_start3A_293 = tpu.memref_slice %arg13[%dma_start3A_291, %dma_start3A_292] : memref<10240x128xf32, #tpu.memory_space<vmem_shared>> -> memref<10240x128xf32, #tpu.memory_space<vmem_shared>>
          tpu.enqueue_indirect_dma source(%arg11 : memref<125x128xf32, #tpu.memory_space<vmem>>) target(%dma_start3A_293 : memref<10240x128xf32, #tpu.memory_space<vmem_shared>>) offsets(%dma_start3A_290 : memref<125xi32, #tpu.memory_space<vmem>>) semaphore(%run_scoped3A_287 : memref<!tpu.dma_semaphore, #tpu.memory_space<semaphore_mem>>) {add = true}
          %dma_wait3A_294 = arith.constant 0 : i32
          %dma_wait3A_295 = tpu.memref_slice %arg9[%rem3A_39, %run_scoped3A_83, %dma_wait3A_294] : memref<2x16x125xi32, #tpu.memory_space<vmem>> -> memref<1x1x125xi32, #tpu.memory_space<vmem>>
          %dma_wait3A_296 = tpu.memref_squeeze %dma_wait3A_295 : memref<1x1x125xi32, #tpu.memory_space<vmem>> -> memref<125xi32, #tpu.memory_space<vmem>>
          %dma_wait3A_297 = arith.constant 0 : i32
          %dma_wait3A_298 = arith.constant 0 : i32
          %dma_wait3A_299 = tpu.memref_slice %arg13[%dma_wait3A_297, %dma_wait3A_298] : memref<10240x128xf32, #tpu.memory_space<vmem_shared>> -> memref<10240x128xf32, #tpu.memory_space<vmem_shared>>
          tpu.wait_indirect_dma semaphore(%run_scoped3A_287 : memref<!tpu.dma_semaphore, #tpu.memory_space<semaphore_mem>>) src(%arg11 : memref<125x128xf32, #tpu.memory_space<vmem>>) dst(%dma_wait3A_299 : memref<10240x128xf32, #tpu.memory_space<vmem_shared>>)
          tpu.yield
        }) : () -> ()
        %dma_start3A_84 = arith.constant 3 : i32
        %dma_start3A_85 = arith.constant 0 : i32
        %dma_start3A_86 = tpu.memref_slice %arg8[%rem3A_39, %dma_start3A_84, %dma_start3A_85] : memref<2x16x125xi32, #tpu.memory_space<vmem>> -> memref<1x1x125xi32, #tpu.memory_space<vmem>>
        %dma_start3A_87 = tpu.memref_squeeze %dma_start3A_86 : memref<1x1x125xi32, #tpu.memory_space<vmem>> -> memref<125xi32, #tpu.memory_space<vmem>>
        %dma_start3A_88 = arith.constant 0 : i32
        %dma_start3A_89 = arith.constant 0 : i32
        %dma_start3A_90 = tpu.memref_slice %arg2[%dma_start3A_88, %dma_start3A_89] : memref<10000x128xf32, #tpu.memory_space<hbm>> -> memref<10000x128xf32, #tpu.memory_space<hbm>>
        tpu.enqueue_indirect_dma source(%dma_start3A_90 : memref<10000x128xf32, #tpu.memory_space<hbm>>) target(%arg11 : memref<125x128xf32, #tpu.memory_space<vmem>>) offsets(%dma_start3A_87 : memref<125xi32, #tpu.memory_space<vmem>>) semaphore(%arg15 : memref<!tpu.dma_semaphore, #tpu.memory_space<semaphore_mem>>)
        %dma_wait3A_91 = arith.constant 2 : i32
        %dma_wait3A_92 = arith.constant 0 : i32
        %dma_wait3A_93 = tpu.memref_slice %arg8[%rem3A_39, %dma_wait3A_91, %dma_wait3A_92] : memref<2x16x125xi32, #tpu.memory_space<vmem>> -> memref<1x1x125xi32, #tpu.memory_space<vmem>>
        %dma_wait3A_94 = tpu.memref_squeeze %dma_wait3A_93 : memref<1x1x125xi32, #tpu.memory_space<vmem>> -> memref<125xi32, #tpu.memory_space<vmem>>
        %dma_wait3A_95 = arith.constant 0 : i32
        %dma_wait3A_96 = arith.constant 0 : i32
        %dma_wait3A_97 = tpu.memref_slice %arg2[%dma_wait3A_95, %dma_wait3A_96] : memref<10000x128xf32, #tpu.memory_space<hbm>> -> memref<10000x128xf32, #tpu.memory_space<hbm>>
        tpu.wait_indirect_dma semaphore(%arg14 : memref<!tpu.dma_semaphore, #tpu.memory_space<semaphore_mem>>) src(%dma_wait3A_97 : memref<10000x128xf32, #tpu.memory_space<hbm>>) dst(%arg10 : memref<125x128xf32, #tpu.memory_space<vmem>>)
        %run_scoped3A_98 = arith.constant 2 : i32
        "tpu.region"() ({
          %run_scoped3A_287 = tpu.sem_alloc : memref<!tpu.dma_semaphore, #tpu.memory_space<semaphore_mem>>
          %dma_start3A_288 = arith.constant 0 : i32
          %dma_start3A_289 = tpu.memref_slice %arg9[%rem3A_39, %run_scoped3A_98, %dma_start3A_288] : memref<2x16x125xi32, #tpu.memory_space<vmem>> -> memref<1x1x125xi32, #tpu.memory_space<vmem>>
          %dma_start3A_290 = tpu.memref_squeeze %dma_start3A_289 : memref<1x1x125xi32, #tpu.memory_space<vmem>> -> memref<125xi32, #tpu.memory_space<vmem>>
          %dma_start3A_291 = arith.constant 0 : i32
          %dma_start3A_292 = arith.constant 0 : i32
          %dma_start3A_293 = tpu.memref_slice %arg13[%dma_start3A_291, %dma_start3A_292] : memref<10240x128xf32, #tpu.memory_space<vmem_shared>> -> memref<10240x128xf32, #tpu.memory_space<vmem_shared>>
          tpu.enqueue_indirect_dma source(%arg10 : memref<125x128xf32, #tpu.memory_space<vmem>>) target(%dma_start3A_293 : memref<10240x128xf32, #tpu.memory_space<vmem_shared>>) offsets(%dma_start3A_290 : memref<125xi32, #tpu.memory_space<vmem>>) semaphore(%run_scoped3A_287 : memref<!tpu.dma_semaphore, #tpu.memory_space<semaphore_mem>>) {add = true}
          %dma_wait3A_294 = arith.constant 0 : i32
          %dma_wait3A_295 = tpu.memref_slice %arg9[%rem3A_39, %run_scoped3A_98, %dma_wait3A_294] : memref<2x16x125xi32, #tpu.memory_space<vmem>> -> memref<1x1x125xi32, #tpu.memory_space<vmem>>
          %dma_wait3A_296 = tpu.memref_squeeze %dma_wait3A_295 : memref<1x1x125xi32, #tpu.memory_space<vmem>> -> memref<125xi32, #tpu.memory_space<vmem>>
          %dma_wait3A_297 = arith.constant 0 : i32
          %dma_wait3A_298 = arith.constant 0 : i32
          %dma_wait3A_299 = tpu.memref_slice %arg13[%dma_wait3A_297, %dma_wait3A_298] : memref<10240x128xf32, #tpu.memory_space<vmem_shared>> -> memref<10240x128xf32, #tpu.memory_space<vmem_shared>>
          tpu.wait_indirect_dma semaphore(%run_scoped3A_287 : memref<!tpu.dma_semaphore, #tpu.memory_space<semaphore_mem>>) src(%arg10 : memref<125x128xf32, #tpu.memory_space<vmem>>) dst(%dma_wait3A_299 : memref<10240x128xf32, #tpu.memory_space<vmem_shared>>)
          tpu.yield
        }) : () -> ()
        %dma_start3A_99 = arith.constant 4 : i32
        %dma_start3A_100 = arith.constant 0 : i32
        %dma_start3A_101 = tpu.memref_slice %arg8[%rem3A_39, %dma_start3A_99, %dma_start3A_100] : memref<2x16x125xi32, #tpu.memory_space<vmem>> -> memref<1x1x125xi32, #tpu.memory_space<vmem>>
        %dma_start3A_102 = tpu.memref_squeeze %dma_start3A_101 : memref<1x1x125xi32, #tpu.memory_space<vmem>> -> memref<125xi32, #tpu.memory_space<vmem>>
        %dma_start3A_103 = arith.constant 0 : i32
        %dma_start3A_104 = arith.constant 0 : i32
        %dma_start3A_105 = tpu.memref_slice %arg2[%dma_start3A_103, %dma_start3A_104] : memref<10000x128xf32, #tpu.memory_space<hbm>> -> memref<10000x128xf32, #tpu.memory_space<hbm>>
        tpu.enqueue_indirect_dma source(%dma_start3A_105 : memref<10000x128xf32, #tpu.memory_space<hbm>>) target(%arg10 : memref<125x128xf32, #tpu.memory_space<vmem>>) offsets(%dma_start3A_102 : memref<125xi32, #tpu.memory_space<vmem>>) semaphore(%arg14 : memref<!tpu.dma_semaphore, #tpu.memory_space<semaphore_mem>>)
        %dma_wait3A_106 = arith.constant 3 : i32
        %dma_wait3A_107 = arith.constant 0 : i32
        %dma_wait3A_108 = tpu.memref_slice %arg8[%rem3A_39, %dma_wait3A_106, %dma_wait3A_107] : memref<2x16x125xi32, #tpu.memory_space<vmem>> -> memref<1x1x125xi32, #tpu.memory_space<vmem>>
        %dma_wait3A_109 = tpu.memref_squeeze %dma_wait3A_108 : memref<1x1x125xi32, #tpu.memory_space<vmem>> -> memref<125xi32, #tpu.memory_space<vmem>>
        %dma_wait3A_110 = arith.constant 0 : i32
        %dma_wait3A_111 = arith.constant 0 : i32
        %dma_wait3A_112 = tpu.memref_slice %arg2[%dma_wait3A_110, %dma_wait3A_111] : memref<10000x128xf32, #tpu.memory_space<hbm>> -> memref<10000x128xf32, #tpu.memory_space<hbm>>
        tpu.wait_indirect_dma semaphore(%arg15 : memref<!tpu.dma_semaphore, #tpu.memory_space<semaphore_mem>>) src(%dma_wait3A_112 : memref<10000x128xf32, #tpu.memory_space<hbm>>) dst(%arg11 : memref<125x128xf32, #tpu.memory_space<vmem>>)
        %run_scoped3A_113 = arith.constant 3 : i32
        "tpu.region"() ({
          %run_scoped3A_287 = tpu.sem_alloc : memref<!tpu.dma_semaphore, #tpu.memory_space<semaphore_mem>>
          %dma_start3A_288 = arith.constant 0 : i32
          %dma_start3A_289 = tpu.memref_slice %arg9[%rem3A_39, %run_scoped3A_113, %dma_start3A_288] : memref<2x16x125xi32, #tpu.memory_space<vmem>> -> memref<1x1x125xi32, #tpu.memory_space<vmem>>
          %dma_start3A_290 = tpu.memref_squeeze %dma_start3A_289 : memref<1x1x125xi32, #tpu.memory_space<vmem>> -> memref<125xi32, #tpu.memory_space<vmem>>
          %dma_start3A_291 = arith.constant 0 : i32
          %dma_start3A_292 = arith.constant 0 : i32
          %dma_start3A_293 = tpu.memref_slice %arg13[%dma_start3A_291, %dma_start3A_292] : memref<10240x128xf32, #tpu.memory_space<vmem_shared>> -> memref<10240x128xf32, #tpu.memory_space<vmem_shared>>
          tpu.enqueue_indirect_dma source(%arg11 : memref<125x128xf32, #tpu.memory_space<vmem>>) target(%dma_start3A_293 : memref<10240x128xf32, #tpu.memory_space<vmem_shared>>) offsets(%dma_start3A_290 : memref<125xi32, #tpu.memory_space<vmem>>) semaphore(%run_scoped3A_287 : memref<!tpu.dma_semaphore, #tpu.memory_space<semaphore_mem>>) {add = true}
          %dma_wait3A_294 = arith.constant 0 : i32
          %dma_wait3A_295 = tpu.memref_slice %arg9[%rem3A_39, %run_scoped3A_113, %dma_wait3A_294] : memref<2x16x125xi32, #tpu.memory_space<vmem>> -> memref<1x1x125xi32, #tpu.memory_space<vmem>>
          %dma_wait3A_296 = tpu.memref_squeeze %dma_wait3A_295 : memref<1x1x125xi32, #tpu.memory_space<vmem>> -> memref<125xi32, #tpu.memory_space<vmem>>
          %dma_wait3A_297 = arith.constant 0 : i32
          %dma_wait3A_298 = arith.constant 0 : i32
          %dma_wait3A_299 = tpu.memref_slice %arg13[%dma_wait3A_297, %dma_wait3A_298] : memref<10240x128xf32, #tpu.memory_space<vmem_shared>> -> memref<10240x128xf32, #tpu.memory_space<vmem_shared>>
          tpu.wait_indirect_dma semaphore(%run_scoped3A_287 : memref<!tpu.dma_semaphore, #tpu.memory_space<semaphore_mem>>) src(%arg11 : memref<125x128xf32, #tpu.memory_space<vmem>>) dst(%dma_wait3A_299 : memref<10240x128xf32, #tpu.memory_space<vmem_shared>>)
          tpu.yield
        }) : () -> ()
        %dma_start3A_114 = arith.constant 5 : i32
        %dma_start3A_115 = arith.constant 0 : i32
        %dma_start3A_116 = tpu.memref_slice %arg8[%rem3A_39, %dma_start3A_114, %dma_start3A_115] : memref<2x16x125xi32, #tpu.memory_space<vmem>> -> memref<1x1x125xi32, #tpu.memory_space<vmem>>
        %dma_start3A_117 = tpu.memref_squeeze %dma_start3A_116 : memref<1x1x125xi32, #tpu.memory_space<vmem>> -> memref<125xi32, #tpu.memory_space<vmem>>
        %dma_start3A_118 = arith.constant 0 : i32
        %dma_start3A_119 = arith.constant 0 : i32
        %dma_start3A_120 = tpu.memref_slice %arg2[%dma_start3A_118, %dma_start3A_119] : memref<10000x128xf32, #tpu.memory_space<hbm>> -> memref<10000x128xf32, #tpu.memory_space<hbm>>
        tpu.enqueue_indirect_dma source(%dma_start3A_120 : memref<10000x128xf32, #tpu.memory_space<hbm>>) target(%arg11 : memref<125x128xf32, #tpu.memory_space<vmem>>) offsets(%dma_start3A_117 : memref<125xi32, #tpu.memory_space<vmem>>) semaphore(%arg15 : memref<!tpu.dma_semaphore, #tpu.memory_space<semaphore_mem>>)
        %dma_wait3A_121 = arith.constant 4 : i32
        %dma_wait3A_122 = arith.constant 0 : i32
        %dma_wait3A_123 = tpu.memref_slice %arg8[%rem3A_39, %dma_wait3A_121, %dma_wait3A_122] : memref<2x16x125xi32, #tpu.memory_space<vmem>> -> memref<1x1x125xi32, #tpu.memory_space<vmem>>
        %dma_wait3A_124 = tpu.memref_squeeze %dma_wait3A_123 : memref<1x1x125xi32, #tpu.memory_space<vmem>> -> memref<125xi32, #tpu.memory_space<vmem>>
        %dma_wait3A_125 = arith.constant 0 : i32
        %dma_wait3A_126 = arith.constant 0 : i32
        %dma_wait3A_127 = tpu.memref_slice %arg2[%dma_wait3A_125, %dma_wait3A_126] : memref<10000x128xf32, #tpu.memory_space<hbm>> -> memref<10000x128xf32, #tpu.memory_space<hbm>>
        tpu.wait_indirect_dma semaphore(%arg14 : memref<!tpu.dma_semaphore, #tpu.memory_space<semaphore_mem>>) src(%dma_wait3A_127 : memref<10000x128xf32, #tpu.memory_space<hbm>>) dst(%arg10 : memref<125x128xf32, #tpu.memory_space<vmem>>)
        %run_scoped3A_128 = arith.constant 4 : i32
        "tpu.region"() ({
          %run_scoped3A_287 = tpu.sem_alloc : memref<!tpu.dma_semaphore, #tpu.memory_space<semaphore_mem>>
          %dma_start3A_288 = arith.constant 0 : i32
          %dma_start3A_289 = tpu.memref_slice %arg9[%rem3A_39, %run_scoped3A_128, %dma_start3A_288] : memref<2x16x125xi32, #tpu.memory_space<vmem>> -> memref<1x1x125xi32, #tpu.memory_space<vmem>>
          %dma_start3A_290 = tpu.memref_squeeze %dma_start3A_289 : memref<1x1x125xi32, #tpu.memory_space<vmem>> -> memref<125xi32, #tpu.memory_space<vmem>>
          %dma_start3A_291 = arith.constant 0 : i32
          %dma_start3A_292 = arith.constant 0 : i32
          %dma_start3A_293 = tpu.memref_slice %arg13[%dma_start3A_291, %dma_start3A_292] : memref<10240x128xf32, #tpu.memory_space<vmem_shared>> -> memref<10240x128xf32, #tpu.memory_space<vmem_shared>>
          tpu.enqueue_indirect_dma source(%arg10 : memref<125x128xf32, #tpu.memory_space<vmem>>) target(%dma_start3A_293 : memref<10240x128xf32, #tpu.memory_space<vmem_shared>>) offsets(%dma_start3A_290 : memref<125xi32, #tpu.memory_space<vmem>>) semaphore(%run_scoped3A_287 : memref<!tpu.dma_semaphore, #tpu.memory_space<semaphore_mem>>) {add = true}
          %dma_wait3A_294 = arith.constant 0 : i32
          %dma_wait3A_295 = tpu.memref_slice %arg9[%rem3A_39, %run_scoped3A_128, %dma_wait3A_294] : memref<2x16x125xi32, #tpu.memory_space<vmem>> -> memref<1x1x125xi32, #tpu.memory_space<vmem>>
          %dma_wait3A_296 = tpu.memref_squeeze %dma_wait3A_295 : memref<1x1x125xi32, #tpu.memory_space<vmem>> -> memref<125xi32, #tpu.memory_space<vmem>>
          %dma_wait3A_297 = arith.constant 0 : i32
          %dma_wait3A_298 = arith.constant 0 : i32
          %dma_wait3A_299 = tpu.memref_slice %arg13[%dma_wait3A_297, %dma_wait3A_298] : memref<10240x128xf32, #tpu.memory_space<vmem_shared>> -> memref<10240x128xf32, #tpu.memory_space<vmem_shared>>
          tpu.wait_indirect_dma semaphore(%run_scoped3A_287 : memref<!tpu.dma_semaphore, #tpu.memory_space<semaphore_mem>>) src(%arg10 : memref<125x128xf32, #tpu.memory_space<vmem>>) dst(%dma_wait3A_299 : memref<10240x128xf32, #tpu.memory_space<vmem_shared>>)
          tpu.yield
        }) : () -> ()
        %dma_start3A_129 = arith.constant 6 : i32
        %dma_start3A_130 = arith.constant 0 : i32
        %dma_start3A_131 = tpu.memref_slice %arg8[%rem3A_39, %dma_start3A_129, %dma_start3A_130] : memref<2x16x125xi32, #tpu.memory_space<vmem>> -> memref<1x1x125xi32, #tpu.memory_space<vmem>>
        %dma_start3A_132 = tpu.memref_squeeze %dma_start3A_131 : memref<1x1x125xi32, #tpu.memory_space<vmem>> -> memref<125xi32, #tpu.memory_space<vmem>>
        %dma_start3A_133 = arith.constant 0 : i32
        %dma_start3A_134 = arith.constant 0 : i32
        %dma_start3A_135 = tpu.memref_slice %arg2[%dma_start3A_133, %dma_start3A_134] : memref<10000x128xf32, #tpu.memory_space<hbm>> -> memref<10000x128xf32, #tpu.memory_space<hbm>>
        tpu.enqueue_indirect_dma source(%dma_start3A_135 : memref<10000x128xf32, #tpu.memory_space<hbm>>) target(%arg10 : memref<125x128xf32, #tpu.memory_space<vmem>>) offsets(%dma_start3A_132 : memref<125xi32, #tpu.memory_space<vmem>>) semaphore(%arg14 : memref<!tpu.dma_semaphore, #tpu.memory_space<semaphore_mem>>)
        %dma_wait3A_136 = arith.constant 5 : i32
        %dma_wait3A_137 = arith.constant 0 : i32
        %dma_wait3A_138 = tpu.memref_slice %arg8[%rem3A_39, %dma_wait3A_136, %dma_wait3A_137] : memref<2x16x125xi32, #tpu.memory_space<vmem>> -> memref<1x1x125xi32, #tpu.memory_space<vmem>>
        %dma_wait3A_139 = tpu.memref_squeeze %dma_wait3A_138 : memref<1x1x125xi32, #tpu.memory_space<vmem>> -> memref<125xi32, #tpu.memory_space<vmem>>
        %dma_wait3A_140 = arith.constant 0 : i32
        %dma_wait3A_141 = arith.constant 0 : i32
        %dma_wait3A_142 = tpu.memref_slice %arg2[%dma_wait3A_140, %dma_wait3A_141] : memref<10000x128xf32, #tpu.memory_space<hbm>> -> memref<10000x128xf32, #tpu.memory_space<hbm>>
        tpu.wait_indirect_dma semaphore(%arg15 : memref<!tpu.dma_semaphore, #tpu.memory_space<semaphore_mem>>) src(%dma_wait3A_142 : memref<10000x128xf32, #tpu.memory_space<hbm>>) dst(%arg11 : memref<125x128xf32, #tpu.memory_space<vmem>>)
        %run_scoped3A_143 = arith.constant 5 : i32
        "tpu.region"() ({
          %run_scoped3A_287 = tpu.sem_alloc : memref<!tpu.dma_semaphore, #tpu.memory_space<semaphore_mem>>
          %dma_start3A_288 = arith.constant 0 : i32
          %dma_start3A_289 = tpu.memref_slice %arg9[%rem3A_39, %run_scoped3A_143, %dma_start3A_288] : memref<2x16x125xi32, #tpu.memory_space<vmem>> -> memref<1x1x125xi32, #tpu.memory_space<vmem>>
          %dma_start3A_290 = tpu.memref_squeeze %dma_start3A_289 : memref<1x1x125xi32, #tpu.memory_space<vmem>> -> memref<125xi32, #tpu.memory_space<vmem>>
          %dma_start3A_291 = arith.constant 0 : i32
          %dma_start3A_292 = arith.constant 0 : i32
          %dma_start3A_293 = tpu.memref_slice %arg13[%dma_start3A_291, %dma_start3A_292] : memref<10240x128xf32, #tpu.memory_space<vmem_shared>> -> memref<10240x128xf32, #tpu.memory_space<vmem_shared>>
          tpu.enqueue_indirect_dma source(%arg11 : memref<125x128xf32, #tpu.memory_space<vmem>>) target(%dma_start3A_293 : memref<10240x128xf32, #tpu.memory_space<vmem_shared>>) offsets(%dma_start3A_290 : memref<125xi32, #tpu.memory_space<vmem>>) semaphore(%run_scoped3A_287 : memref<!tpu.dma_semaphore, #tpu.memory_space<semaphore_mem>>) {add = true}
          %dma_wait3A_294 = arith.constant 0 : i32
          %dma_wait3A_295 = tpu.memref_slice %arg9[%rem3A_39, %run_scoped3A_143, %dma_wait3A_294] : memref<2x16x125xi32, #tpu.memory_space<vmem>> -> memref<1x1x125xi32, #tpu.memory_space<vmem>>
          %dma_wait3A_296 = tpu.memref_squeeze %dma_wait3A_295 : memref<1x1x125xi32, #tpu.memory_space<vmem>> -> memref<125xi32, #tpu.memory_space<vmem>>
          %dma_wait3A_297 = arith.constant 0 : i32
          %dma_wait3A_298 = arith.constant 0 : i32
          %dma_wait3A_299 = tpu.memref_slice %arg13[%dma_wait3A_297, %dma_wait3A_298] : memref<10240x128xf32, #tpu.memory_space<vmem_shared>> -> memref<10240x128xf32, #tpu.memory_space<vmem_shared>>
          tpu.wait_indirect_dma semaphore(%run_scoped3A_287 : memref<!tpu.dma_semaphore, #tpu.memory_space<semaphore_mem>>) src(%arg11 : memref<125x128xf32, #tpu.memory_space<vmem>>) dst(%dma_wait3A_299 : memref<10240x128xf32, #tpu.memory_space<vmem_shared>>)
          tpu.yield
        }) : () -> ()
        %dma_start3A_144 = arith.constant 7 : i32
        %dma_start3A_145 = arith.constant 0 : i32
        %dma_start3A_146 = tpu.memref_slice %arg8[%rem3A_39, %dma_start3A_144, %dma_start3A_145] : memref<2x16x125xi32, #tpu.memory_space<vmem>> -> memref<1x1x125xi32, #tpu.memory_space<vmem>>
        %dma_start3A_147 = tpu.memref_squeeze %dma_start3A_146 : memref<1x1x125xi32, #tpu.memory_space<vmem>> -> memref<125xi32, #tpu.memory_space<vmem>>
        %dma_start3A_148 = arith.constant 0 : i32
        %dma_start3A_149 = arith.constant 0 : i32
        %dma_start3A_150 = tpu.memref_slice %arg2[%dma_start3A_148, %dma_start3A_149] : memref<10000x128xf32, #tpu.memory_space<hbm>> -> memref<10000x128xf32, #tpu.memory_space<hbm>>
        tpu.enqueue_indirect_dma source(%dma_start3A_150 : memref<10000x128xf32, #tpu.memory_space<hbm>>) target(%arg11 : memref<125x128xf32, #tpu.memory_space<vmem>>) offsets(%dma_start3A_147 : memref<125xi32, #tpu.memory_space<vmem>>) semaphore(%arg15 : memref<!tpu.dma_semaphore, #tpu.memory_space<semaphore_mem>>)
        %dma_wait3A_151 = arith.constant 6 : i32
        %dma_wait3A_152 = arith.constant 0 : i32
        %dma_wait3A_153 = tpu.memref_slice %arg8[%rem3A_39, %dma_wait3A_151, %dma_wait3A_152] : memref<2x16x125xi32, #tpu.memory_space<vmem>> -> memref<1x1x125xi32, #tpu.memory_space<vmem>>
        %dma_wait3A_154 = tpu.memref_squeeze %dma_wait3A_153 : memref<1x1x125xi32, #tpu.memory_space<vmem>> -> memref<125xi32, #tpu.memory_space<vmem>>
        %dma_wait3A_155 = arith.constant 0 : i32
        %dma_wait3A_156 = arith.constant 0 : i32
        %dma_wait3A_157 = tpu.memref_slice %arg2[%dma_wait3A_155, %dma_wait3A_156] : memref<10000x128xf32, #tpu.memory_space<hbm>> -> memref<10000x128xf32, #tpu.memory_space<hbm>>
        tpu.wait_indirect_dma semaphore(%arg14 : memref<!tpu.dma_semaphore, #tpu.memory_space<semaphore_mem>>) src(%dma_wait3A_157 : memref<10000x128xf32, #tpu.memory_space<hbm>>) dst(%arg10 : memref<125x128xf32, #tpu.memory_space<vmem>>)
        %run_scoped3A_158 = arith.constant 6 : i32
        "tpu.region"() ({
          %run_scoped3A_287 = tpu.sem_alloc : memref<!tpu.dma_semaphore, #tpu.memory_space<semaphore_mem>>
          %dma_start3A_288 = arith.constant 0 : i32
          %dma_start3A_289 = tpu.memref_slice %arg9[%rem3A_39, %run_scoped3A_158, %dma_start3A_288] : memref<2x16x125xi32, #tpu.memory_space<vmem>> -> memref<1x1x125xi32, #tpu.memory_space<vmem>>
          %dma_start3A_290 = tpu.memref_squeeze %dma_start3A_289 : memref<1x1x125xi32, #tpu.memory_space<vmem>> -> memref<125xi32, #tpu.memory_space<vmem>>
          %dma_start3A_291 = arith.constant 0 : i32
          %dma_start3A_292 = arith.constant 0 : i32
          %dma_start3A_293 = tpu.memref_slice %arg13[%dma_start3A_291, %dma_start3A_292] : memref<10240x128xf32, #tpu.memory_space<vmem_shared>> -> memref<10240x128xf32, #tpu.memory_space<vmem_shared>>
          tpu.enqueue_indirect_dma source(%arg10 : memref<125x128xf32, #tpu.memory_space<vmem>>) target(%dma_start3A_293 : memref<10240x128xf32, #tpu.memory_space<vmem_shared>>) offsets(%dma_start3A_290 : memref<125xi32, #tpu.memory_space<vmem>>) semaphore(%run_scoped3A_287 : memref<!tpu.dma_semaphore, #tpu.memory_space<semaphore_mem>>) {add = true}
          %dma_wait3A_294 = arith.constant 0 : i32
          %dma_wait3A_295 = tpu.memref_slice %arg9[%rem3A_39, %run_scoped3A_158, %dma_wait3A_294] : memref<2x16x125xi32, #tpu.memory_space<vmem>> -> memref<1x1x125xi32, #tpu.memory_space<vmem>>
          %dma_wait3A_296 = tpu.memref_squeeze %dma_wait3A_295 : memref<1x1x125xi32, #tpu.memory_space<vmem>> -> memref<125xi32, #tpu.memory_space<vmem>>
          %dma_wait3A_297 = arith.constant 0 : i32
          %dma_wait3A_298 = arith.constant 0 : i32
          %dma_wait3A_299 = tpu.memref_slice %arg13[%dma_wait3A_297, %dma_wait3A_298] : memref<10240x128xf32, #tpu.memory_space<vmem_shared>> -> memref<10240x128xf32, #tpu.memory_space<vmem_shared>>
          tpu.wait_indirect_dma semaphore(%run_scoped3A_287 : memref<!tpu.dma_semaphore, #tpu.memory_space<semaphore_mem>>) src(%arg10 : memref<125x128xf32, #tpu.memory_space<vmem>>) dst(%dma_wait3A_299 : memref<10240x128xf32, #tpu.memory_space<vmem_shared>>)
          tpu.yield
        }) : () -> ()
        %dma_start3A_159 = arith.constant 8 : i32
        %dma_start3A_160 = arith.constant 0 : i32
        %dma_start3A_161 = tpu.memref_slice %arg8[%rem3A_39, %dma_start3A_159, %dma_start3A_160] : memref<2x16x125xi32, #tpu.memory_space<vmem>> -> memref<1x1x125xi32, #tpu.memory_space<vmem>>
        %dma_start3A_162 = tpu.memref_squeeze %dma_start3A_161 : memref<1x1x125xi32, #tpu.memory_space<vmem>> -> memref<125xi32, #tpu.memory_space<vmem>>
        %dma_start3A_163 = arith.constant 0 : i32
        %dma_start3A_164 = arith.constant 0 : i32
        %dma_start3A_165 = tpu.memref_slice %arg2[%dma_start3A_163, %dma_start3A_164] : memref<10000x128xf32, #tpu.memory_space<hbm>> -> memref<10000x128xf32, #tpu.memory_space<hbm>>
        tpu.enqueue_indirect_dma source(%dma_start3A_165 : memref<10000x128xf32, #tpu.memory_space<hbm>>) target(%arg10 : memref<125x128xf32, #tpu.memory_space<vmem>>) offsets(%dma_start3A_162 : memref<125xi32, #tpu.memory_space<vmem>>) semaphore(%arg14 : memref<!tpu.dma_semaphore, #tpu.memory_space<semaphore_mem>>)
        %dma_wait3A_166 = arith.constant 7 : i32
        %dma_wait3A_167 = arith.constant 0 : i32
        %dma_wait3A_168 = tpu.memref_slice %arg8[%rem3A_39, %dma_wait3A_166, %dma_wait3A_167] : memref<2x16x125xi32, #tpu.memory_space<vmem>> -> memref<1x1x125xi32, #tpu.memory_space<vmem>>
        %dma_wait3A_169 = tpu.memref_squeeze %dma_wait3A_168 : memref<1x1x125xi32, #tpu.memory_space<vmem>> -> memref<125xi32, #tpu.memory_space<vmem>>
        %dma_wait3A_170 = arith.constant 0 : i32
        %dma_wait3A_171 = arith.constant 0 : i32
        %dma_wait3A_172 = tpu.memref_slice %arg2[%dma_wait3A_170, %dma_wait3A_171] : memref<10000x128xf32, #tpu.memory_space<hbm>> -> memref<10000x128xf32, #tpu.memory_space<hbm>>
        tpu.wait_indirect_dma semaphore(%arg15 : memref<!tpu.dma_semaphore, #tpu.memory_space<semaphore_mem>>) src(%dma_wait3A_172 : memref<10000x128xf32, #tpu.memory_space<hbm>>) dst(%arg11 : memref<125x128xf32, #tpu.memory_space<vmem>>)
        %run_scoped3A_173 = arith.constant 7 : i32
        "tpu.region"() ({
          %run_scoped3A_287 = tpu.sem_alloc : memref<!tpu.dma_semaphore, #tpu.memory_space<semaphore_mem>>
          %dma_start3A_288 = arith.constant 0 : i32
          %dma_start3A_289 = tpu.memref_slice %arg9[%rem3A_39, %run_scoped3A_173, %dma_start3A_288] : memref<2x16x125xi32, #tpu.memory_space<vmem>> -> memref<1x1x125xi32, #tpu.memory_space<vmem>>
          %dma_start3A_290 = tpu.memref_squeeze %dma_start3A_289 : memref<1x1x125xi32, #tpu.memory_space<vmem>> -> memref<125xi32, #tpu.memory_space<vmem>>
          %dma_start3A_291 = arith.constant 0 : i32
          %dma_start3A_292 = arith.constant 0 : i32
          %dma_start3A_293 = tpu.memref_slice %arg13[%dma_start3A_291, %dma_start3A_292] : memref<10240x128xf32, #tpu.memory_space<vmem_shared>> -> memref<10240x128xf32, #tpu.memory_space<vmem_shared>>
          tpu.enqueue_indirect_dma source(%arg11 : memref<125x128xf32, #tpu.memory_space<vmem>>) target(%dma_start3A_293 : memref<10240x128xf32, #tpu.memory_space<vmem_shared>>) offsets(%dma_start3A_290 : memref<125xi32, #tpu.memory_space<vmem>>) semaphore(%run_scoped3A_287 : memref<!tpu.dma_semaphore, #tpu.memory_space<semaphore_mem>>) {add = true}
          %dma_wait3A_294 = arith.constant 0 : i32
          %dma_wait3A_295 = tpu.memref_slice %arg9[%rem3A_39, %run_scoped3A_173, %dma_wait3A_294] : memref<2x16x125xi32, #tpu.memory_space<vmem>> -> memref<1x1x125xi32, #tpu.memory_space<vmem>>
          %dma_wait3A_296 = tpu.memref_squeeze %dma_wait3A_295 : memref<1x1x125xi32, #tpu.memory_space<vmem>> -> memref<125xi32, #tpu.memory_space<vmem>>
          %dma_wait3A_297 = arith.constant 0 : i32
          %dma_wait3A_298 = arith.constant 0 : i32
          %dma_wait3A_299 = tpu.memref_slice %arg13[%dma_wait3A_297, %dma_wait3A_298] : memref<10240x128xf32, #tpu.memory_space<vmem_shared>> -> memref<10240x128xf32, #tpu.memory_space<vmem_shared>>
          tpu.wait_indirect_dma semaphore(%run_scoped3A_287 : memref<!tpu.dma_semaphore, #tpu.memory_space<semaphore_mem>>) src(%arg11 : memref<125x128xf32, #tpu.memory_space<vmem>>) dst(%dma_wait3A_299 : memref<10240x128xf32, #tpu.memory_space<vmem_shared>>)
          tpu.yield
        }) : () -> ()
        %dma_start3A_174 = arith.constant 9 : i32
        %dma_start3A_175 = arith.constant 0 : i32
        %dma_start3A_176 = tpu.memref_slice %arg8[%rem3A_39, %dma_start3A_174, %dma_start3A_175] : memref<2x16x125xi32, #tpu.memory_space<vmem>> -> memref<1x1x125xi32, #tpu.memory_space<vmem>>
        %dma_start3A_177 = tpu.memref_squeeze %dma_start3A_176 : memref<1x1x125xi32, #tpu.memory_space<vmem>> -> memref<125xi32, #tpu.memory_space<vmem>>
        %dma_start3A_178 = arith.constant 0 : i32
        %dma_start3A_179 = arith.constant 0 : i32
        %dma_start3A_180 = tpu.memref_slice %arg2[%dma_start3A_178, %dma_start3A_179] : memref<10000x128xf32, #tpu.memory_space<hbm>> -> memref<10000x128xf32, #tpu.memory_space<hbm>>
        tpu.enqueue_indirect_dma source(%dma_start3A_180 : memref<10000x128xf32, #tpu.memory_space<hbm>>) target(%arg11 : memref<125x128xf32, #tpu.memory_space<vmem>>) offsets(%dma_start3A_177 : memref<125xi32, #tpu.memory_space<vmem>>) semaphore(%arg15 : memref<!tpu.dma_semaphore, #tpu.memory_space<semaphore_mem>>)
        %dma_wait3A_181 = arith.constant 8 : i32
        %dma_wait3A_182 = arith.constant 0 : i32
        %dma_wait3A_183 = tpu.memref_slice %arg8[%rem3A_39, %dma_wait3A_181, %dma_wait3A_182] : memref<2x16x125xi32, #tpu.memory_space<vmem>> -> memref<1x1x125xi32, #tpu.memory_space<vmem>>
        %dma_wait3A_184 = tpu.memref_squeeze %dma_wait3A_183 : memref<1x1x125xi32, #tpu.memory_space<vmem>> -> memref<125xi32, #tpu.memory_space<vmem>>
        %dma_wait3A_185 = arith.constant 0 : i32
        %dma_wait3A_186 = arith.constant 0 : i32
        %dma_wait3A_187 = tpu.memref_slice %arg2[%dma_wait3A_185, %dma_wait3A_186] : memref<10000x128xf32, #tpu.memory_space<hbm>> -> memref<10000x128xf32, #tpu.memory_space<hbm>>
        tpu.wait_indirect_dma semaphore(%arg14 : memref<!tpu.dma_semaphore, #tpu.memory_space<semaphore_mem>>) src(%dma_wait3A_187 : memref<10000x128xf32, #tpu.memory_space<hbm>>) dst(%arg10 : memref<125x128xf32, #tpu.memory_space<vmem>>)
        %run_scoped3A_188 = arith.constant 8 : i32
        "tpu.region"() ({
          %run_scoped3A_287 = tpu.sem_alloc : memref<!tpu.dma_semaphore, #tpu.memory_space<semaphore_mem>>
          %dma_start3A_288 = arith.constant 0 : i32
          %dma_start3A_289 = tpu.memref_slice %arg9[%rem3A_39, %run_scoped3A_188, %dma_start3A_288] : memref<2x16x125xi32, #tpu.memory_space<vmem>> -> memref<1x1x125xi32, #tpu.memory_space<vmem>>
          %dma_start3A_290 = tpu.memref_squeeze %dma_start3A_289 : memref<1x1x125xi32, #tpu.memory_space<vmem>> -> memref<125xi32, #tpu.memory_space<vmem>>
          %dma_start3A_291 = arith.constant 0 : i32
          %dma_start3A_292 = arith.constant 0 : i32
          %dma_start3A_293 = tpu.memref_slice %arg13[%dma_start3A_291, %dma_start3A_292] : memref<10240x128xf32, #tpu.memory_space<vmem_shared>> -> memref<10240x128xf32, #tpu.memory_space<vmem_shared>>
          tpu.enqueue_indirect_dma source(%arg10 : memref<125x128xf32, #tpu.memory_space<vmem>>) target(%dma_start3A_293 : memref<10240x128xf32, #tpu.memory_space<vmem_shared>>) offsets(%dma_start3A_290 : memref<125xi32, #tpu.memory_space<vmem>>) semaphore(%run_scoped3A_287 : memref<!tpu.dma_semaphore, #tpu.memory_space<semaphore_mem>>) {add = true}
          %dma_wait3A_294 = arith.constant 0 : i32
          %dma_wait3A_295 = tpu.memref_slice %arg9[%rem3A_39, %run_scoped3A_188, %dma_wait3A_294] : memref<2x16x125xi32, #tpu.memory_space<vmem>> -> memref<1x1x125xi32, #tpu.memory_space<vmem>>
          %dma_wait3A_296 = tpu.memref_squeeze %dma_wait3A_295 : memref<1x1x125xi32, #tpu.memory_space<vmem>> -> memref<125xi32, #tpu.memory_space<vmem>>
          %dma_wait3A_297 = arith.constant 0 : i32
          %dma_wait3A_298 = arith.constant 0 : i32
          %dma_wait3A_299 = tpu.memref_slice %arg13[%dma_wait3A_297, %dma_wait3A_298] : memref<10240x128xf32, #tpu.memory_space<vmem_shared>> -> memref<10240x128xf32, #tpu.memory_space<vmem_shared>>
          tpu.wait_indirect_dma semaphore(%run_scoped3A_287 : memref<!tpu.dma_semaphore, #tpu.memory_space<semaphore_mem>>) src(%arg10 : memref<125x128xf32, #tpu.memory_space<vmem>>) dst(%dma_wait3A_299 : memref<10240x128xf32, #tpu.memory_space<vmem_shared>>)
          tpu.yield
        }) : () -> ()
        %dma_start3A_189 = arith.constant 10 : i32
        %dma_start3A_190 = arith.constant 0 : i32
        %dma_start3A_191 = tpu.memref_slice %arg8[%rem3A_39, %dma_start3A_189, %dma_start3A_190] : memref<2x16x125xi32, #tpu.memory_space<vmem>> -> memref<1x1x125xi32, #tpu.memory_space<vmem>>
        %dma_start3A_192 = tpu.memref_squeeze %dma_start3A_191 : memref<1x1x125xi32, #tpu.memory_space<vmem>> -> memref<125xi32, #tpu.memory_space<vmem>>
        %dma_start3A_193 = arith.constant 0 : i32
        %dma_start3A_194 = arith.constant 0 : i32
        %dma_start3A_195 = tpu.memref_slice %arg2[%dma_start3A_193, %dma_start3A_194] : memref<10000x128xf32, #tpu.memory_space<hbm>> -> memref<10000x128xf32, #tpu.memory_space<hbm>>
        tpu.enqueue_indirect_dma source(%dma_start3A_195 : memref<10000x128xf32, #tpu.memory_space<hbm>>) target(%arg10 : memref<125x128xf32, #tpu.memory_space<vmem>>) offsets(%dma_start3A_192 : memref<125xi32, #tpu.memory_space<vmem>>) semaphore(%arg14 : memref<!tpu.dma_semaphore, #tpu.memory_space<semaphore_mem>>)
        %dma_wait3A_196 = arith.constant 9 : i32
        %dma_wait3A_197 = arith.constant 0 : i32
        %dma_wait3A_198 = tpu.memref_slice %arg8[%rem3A_39, %dma_wait3A_196, %dma_wait3A_197] : memref<2x16x125xi32, #tpu.memory_space<vmem>> -> memref<1x1x125xi32, #tpu.memory_space<vmem>>
        %dma_wait3A_199 = tpu.memref_squeeze %dma_wait3A_198 : memref<1x1x125xi32, #tpu.memory_space<vmem>> -> memref<125xi32, #tpu.memory_space<vmem>>
        %dma_wait3A_200 = arith.constant 0 : i32
        %dma_wait3A_201 = arith.constant 0 : i32
        %dma_wait3A_202 = tpu.memref_slice %arg2[%dma_wait3A_200, %dma_wait3A_201] : memref<10000x128xf32, #tpu.memory_space<hbm>> -> memref<10000x128xf32, #tpu.memory_space<hbm>>
        tpu.wait_indirect_dma semaphore(%arg15 : memref<!tpu.dma_semaphore, #tpu.memory_space<semaphore_mem>>) src(%dma_wait3A_202 : memref<10000x128xf32, #tpu.memory_space<hbm>>) dst(%arg11 : memref<125x128xf32, #tpu.memory_space<vmem>>)
        %run_scoped3A_203 = arith.constant 9 : i32
        "tpu.region"() ({
          %run_scoped3A_287 = tpu.sem_alloc : memref<!tpu.dma_semaphore, #tpu.memory_space<semaphore_mem>>
          %dma_start3A_288 = arith.constant 0 : i32
          %dma_start3A_289 = tpu.memref_slice %arg9[%rem3A_39, %run_scoped3A_203, %dma_start3A_288] : memref<2x16x125xi32, #tpu.memory_space<vmem>> -> memref<1x1x125xi32, #tpu.memory_space<vmem>>
          %dma_start3A_290 = tpu.memref_squeeze %dma_start3A_289 : memref<1x1x125xi32, #tpu.memory_space<vmem>> -> memref<125xi32, #tpu.memory_space<vmem>>
          %dma_start3A_291 = arith.constant 0 : i32
          %dma_start3A_292 = arith.constant 0 : i32
          %dma_start3A_293 = tpu.memref_slice %arg13[%dma_start3A_291, %dma_start3A_292] : memref<10240x128xf32, #tpu.memory_space<vmem_shared>> -> memref<10240x128xf32, #tpu.memory_space<vmem_shared>>
          tpu.enqueue_indirect_dma source(%arg11 : memref<125x128xf32, #tpu.memory_space<vmem>>) target(%dma_start3A_293 : memref<10240x128xf32, #tpu.memory_space<vmem_shared>>) offsets(%dma_start3A_290 : memref<125xi32, #tpu.memory_space<vmem>>) semaphore(%run_scoped3A_287 : memref<!tpu.dma_semaphore, #tpu.memory_space<semaphore_mem>>) {add = true}
          %dma_wait3A_294 = arith.constant 0 : i32
          %dma_wait3A_295 = tpu.memref_slice %arg9[%rem3A_39, %run_scoped3A_203, %dma_wait3A_294] : memref<2x16x125xi32, #tpu.memory_space<vmem>> -> memref<1x1x125xi32, #tpu.memory_space<vmem>>
          %dma_wait3A_296 = tpu.memref_squeeze %dma_wait3A_295 : memref<1x1x125xi32, #tpu.memory_space<vmem>> -> memref<125xi32, #tpu.memory_space<vmem>>
          %dma_wait3A_297 = arith.constant 0 : i32
          %dma_wait3A_298 = arith.constant 0 : i32
          %dma_wait3A_299 = tpu.memref_slice %arg13[%dma_wait3A_297, %dma_wait3A_298] : memref<10240x128xf32, #tpu.memory_space<vmem_shared>> -> memref<10240x128xf32, #tpu.memory_space<vmem_shared>>
          tpu.wait_indirect_dma semaphore(%run_scoped3A_287 : memref<!tpu.dma_semaphore, #tpu.memory_space<semaphore_mem>>) src(%arg11 : memref<125x128xf32, #tpu.memory_space<vmem>>) dst(%dma_wait3A_299 : memref<10240x128xf32, #tpu.memory_space<vmem_shared>>)
          tpu.yield
        }) : () -> ()
        %dma_start3A_204 = arith.constant 11 : i32
        %dma_start3A_205 = arith.constant 0 : i32
        %dma_start3A_206 = tpu.memref_slice %arg8[%rem3A_39, %dma_start3A_204, %dma_start3A_205] : memref<2x16x125xi32, #tpu.memory_space<vmem>> -> memref<1x1x125xi32, #tpu.memory_space<vmem>>
        %dma_start3A_207 = tpu.memref_squeeze %dma_start3A_206 : memref<1x1x125xi32, #tpu.memory_space<vmem>> -> memref<125xi32, #tpu.memory_space<vmem>>
        %dma_start3A_208 = arith.constant 0 : i32
        %dma_start3A_209 = arith.constant 0 : i32
        %dma_start3A_210 = tpu.memref_slice %arg2[%dma_start3A_208, %dma_start3A_209] : memref<10000x128xf32, #tpu.memory_space<hbm>> -> memref<10000x128xf32, #tpu.memory_space<hbm>>
        tpu.enqueue_indirect_dma source(%dma_start3A_210 : memref<10000x128xf32, #tpu.memory_space<hbm>>) target(%arg11 : memref<125x128xf32, #tpu.memory_space<vmem>>) offsets(%dma_start3A_207 : memref<125xi32, #tpu.memory_space<vmem>>) semaphore(%arg15 : memref<!tpu.dma_semaphore, #tpu.memory_space<semaphore_mem>>)
        %dma_wait3A_211 = arith.constant 10 : i32
        %dma_wait3A_212 = arith.constant 0 : i32
        %dma_wait3A_213 = tpu.memref_slice %arg8[%rem3A_39, %dma_wait3A_211, %dma_wait3A_212] : memref<2x16x125xi32, #tpu.memory_space<vmem>> -> memref<1x1x125xi32, #tpu.memory_space<vmem>>
        %dma_wait3A_214 = tpu.memref_squeeze %dma_wait3A_213 : memref<1x1x125xi32, #tpu.memory_space<vmem>> -> memref<125xi32, #tpu.memory_space<vmem>>
        %dma_wait3A_215 = arith.constant 0 : i32
        %dma_wait3A_216 = arith.constant 0 : i32
        %dma_wait3A_217 = tpu.memref_slice %arg2[%dma_wait3A_215, %dma_wait3A_216] : memref<10000x128xf32, #tpu.memory_space<hbm>> -> memref<10000x128xf32, #tpu.memory_space<hbm>>
        tpu.wait_indirect_dma semaphore(%arg14 : memref<!tpu.dma_semaphore, #tpu.memory_space<semaphore_mem>>) src(%dma_wait3A_217 : memref<10000x128xf32, #tpu.memory_space<hbm>>) dst(%arg10 : memref<125x128xf32, #tpu.memory_space<vmem>>)
        %run_scoped3A_218 = arith.constant 10 : i32
        "tpu.region"() ({
          %run_scoped3A_287 = tpu.sem_alloc : memref<!tpu.dma_semaphore, #tpu.memory_space<semaphore_mem>>
          %dma_start3A_288 = arith.constant 0 : i32
          %dma_start3A_289 = tpu.memref_slice %arg9[%rem3A_39, %run_scoped3A_218, %dma_start3A_288] : memref<2x16x125xi32, #tpu.memory_space<vmem>> -> memref<1x1x125xi32, #tpu.memory_space<vmem>>
          %dma_start3A_290 = tpu.memref_squeeze %dma_start3A_289 : memref<1x1x125xi32, #tpu.memory_space<vmem>> -> memref<125xi32, #tpu.memory_space<vmem>>
          %dma_start3A_291 = arith.constant 0 : i32
          %dma_start3A_292 = arith.constant 0 : i32
          %dma_start3A_293 = tpu.memref_slice %arg13[%dma_start3A_291, %dma_start3A_292] : memref<10240x128xf32, #tpu.memory_space<vmem_shared>> -> memref<10240x128xf32, #tpu.memory_space<vmem_shared>>
          tpu.enqueue_indirect_dma source(%arg10 : memref<125x128xf32, #tpu.memory_space<vmem>>) target(%dma_start3A_293 : memref<10240x128xf32, #tpu.memory_space<vmem_shared>>) offsets(%dma_start3A_290 : memref<125xi32, #tpu.memory_space<vmem>>) semaphore(%run_scoped3A_287 : memref<!tpu.dma_semaphore, #tpu.memory_space<semaphore_mem>>) {add = true}
          %dma_wait3A_294 = arith.constant 0 : i32
          %dma_wait3A_295 = tpu.memref_slice %arg9[%rem3A_39, %run_scoped3A_218, %dma_wait3A_294] : memref<2x16x125xi32, #tpu.memory_space<vmem>> -> memref<1x1x125xi32, #tpu.memory_space<vmem>>
          %dma_wait3A_296 = tpu.memref_squeeze %dma_wait3A_295 : memref<1x1x125xi32, #tpu.memory_space<vmem>> -> memref<125xi32, #tpu.memory_space<vmem>>
          %dma_wait3A_297 = arith.constant 0 : i32
          %dma_wait3A_298 = arith.constant 0 : i32
          %dma_wait3A_299 = tpu.memref_slice %arg13[%dma_wait3A_297, %dma_wait3A_298] : memref<10240x128xf32, #tpu.memory_space<vmem_shared>> -> memref<10240x128xf32, #tpu.memory_space<vmem_shared>>
          tpu.wait_indirect_dma semaphore(%run_scoped3A_287 : memref<!tpu.dma_semaphore, #tpu.memory_space<semaphore_mem>>) src(%arg10 : memref<125x128xf32, #tpu.memory_space<vmem>>) dst(%dma_wait3A_299 : memref<10240x128xf32, #tpu.memory_space<vmem_shared>>)
          tpu.yield
        }) : () -> ()
        %dma_start3A_219 = arith.constant 12 : i32
        %dma_start3A_220 = arith.constant 0 : i32
        %dma_start3A_221 = tpu.memref_slice %arg8[%rem3A_39, %dma_start3A_219, %dma_start3A_220] : memref<2x16x125xi32, #tpu.memory_space<vmem>> -> memref<1x1x125xi32, #tpu.memory_space<vmem>>
        %dma_start3A_222 = tpu.memref_squeeze %dma_start3A_221 : memref<1x1x125xi32, #tpu.memory_space<vmem>> -> memref<125xi32, #tpu.memory_space<vmem>>
        %dma_start3A_223 = arith.constant 0 : i32
        %dma_start3A_224 = arith.constant 0 : i32
        %dma_start3A_225 = tpu.memref_slice %arg2[%dma_start3A_223, %dma_start3A_224] : memref<10000x128xf32, #tpu.memory_space<hbm>> -> memref<10000x128xf32, #tpu.memory_space<hbm>>
        tpu.enqueue_indirect_dma source(%dma_start3A_225 : memref<10000x128xf32, #tpu.memory_space<hbm>>) target(%arg10 : memref<125x128xf32, #tpu.memory_space<vmem>>) offsets(%dma_start3A_222 : memref<125xi32, #tpu.memory_space<vmem>>) semaphore(%arg14 : memref<!tpu.dma_semaphore, #tpu.memory_space<semaphore_mem>>)
        %dma_wait3A_226 = arith.constant 11 : i32
        %dma_wait3A_227 = arith.constant 0 : i32
        %dma_wait3A_228 = tpu.memref_slice %arg8[%rem3A_39, %dma_wait3A_226, %dma_wait3A_227] : memref<2x16x125xi32, #tpu.memory_space<vmem>> -> memref<1x1x125xi32, #tpu.memory_space<vmem>>
        %dma_wait3A_229 = tpu.memref_squeeze %dma_wait3A_228 : memref<1x1x125xi32, #tpu.memory_space<vmem>> -> memref<125xi32, #tpu.memory_space<vmem>>
        %dma_wait3A_230 = arith.constant 0 : i32
        %dma_wait3A_231 = arith.constant 0 : i32
        %dma_wait3A_232 = tpu.memref_slice %arg2[%dma_wait3A_230, %dma_wait3A_231] : memref<10000x128xf32, #tpu.memory_space<hbm>> -> memref<10000x128xf32, #tpu.memory_space<hbm>>
        tpu.wait_indirect_dma semaphore(%arg15 : memref<!tpu.dma_semaphore, #tpu.memory_space<semaphore_mem>>) src(%dma_wait3A_232 : memref<10000x128xf32, #tpu.memory_space<hbm>>) dst(%arg11 : memref<125x128xf32, #tpu.memory_space<vmem>>)
        %run_scoped3A_233 = arith.constant 11 : i32
        "tpu.region"() ({
          %run_scoped3A_287 = tpu.sem_alloc : memref<!tpu.dma_semaphore, #tpu.memory_space<semaphore_mem>>
          %dma_start3A_288 = arith.constant 0 : i32
          %dma_start3A_289 = tpu.memref_slice %arg9[%rem3A_39, %run_scoped3A_233, %dma_start3A_288] : memref<2x16x125xi32, #tpu.memory_space<vmem>> -> memref<1x1x125xi32, #tpu.memory_space<vmem>>
          %dma_start3A_290 = tpu.memref_squeeze %dma_start3A_289 : memref<1x1x125xi32, #tpu.memory_space<vmem>> -> memref<125xi32, #tpu.memory_space<vmem>>
          %dma_start3A_291 = arith.constant 0 : i32
          %dma_start3A_292 = arith.constant 0 : i32
          %dma_start3A_293 = tpu.memref_slice %arg13[%dma_start3A_291, %dma_start3A_292] : memref<10240x128xf32, #tpu.memory_space<vmem_shared>> -> memref<10240x128xf32, #tpu.memory_space<vmem_shared>>
          tpu.enqueue_indirect_dma source(%arg11 : memref<125x128xf32, #tpu.memory_space<vmem>>) target(%dma_start3A_293 : memref<10240x128xf32, #tpu.memory_space<vmem_shared>>) offsets(%dma_start3A_290 : memref<125xi32, #tpu.memory_space<vmem>>) semaphore(%run_scoped3A_287 : memref<!tpu.dma_semaphore, #tpu.memory_space<semaphore_mem>>) {add = true}
          %dma_wait3A_294 = arith.constant 0 : i32
          %dma_wait3A_295 = tpu.memref_slice %arg9[%rem3A_39, %run_scoped3A_233, %dma_wait3A_294] : memref<2x16x125xi32, #tpu.memory_space<vmem>> -> memref<1x1x125xi32, #tpu.memory_space<vmem>>
          %dma_wait3A_296 = tpu.memref_squeeze %dma_wait3A_295 : memref<1x1x125xi32, #tpu.memory_space<vmem>> -> memref<125xi32, #tpu.memory_space<vmem>>
          %dma_wait3A_297 = arith.constant 0 : i32
          %dma_wait3A_298 = arith.constant 0 : i32
          %dma_wait3A_299 = tpu.memref_slice %arg13[%dma_wait3A_297, %dma_wait3A_298] : memref<10240x128xf32, #tpu.memory_space<vmem_shared>> -> memref<10240x128xf32, #tpu.memory_space<vmem_shared>>
          tpu.wait_indirect_dma semaphore(%run_scoped3A_287 : memref<!tpu.dma_semaphore, #tpu.memory_space<semaphore_mem>>) src(%arg11 : memref<125x128xf32, #tpu.memory_space<vmem>>) dst(%dma_wait3A_299 : memref<10240x128xf32, #tpu.memory_space<vmem_shared>>)
          tpu.yield
        }) : () -> ()
        %dma_start3A_234 = arith.constant 13 : i32
        %dma_start3A_235 = arith.constant 0 : i32
        %dma_start3A_236 = tpu.memref_slice %arg8[%rem3A_39, %dma_start3A_234, %dma_start3A_235] : memref<2x16x125xi32, #tpu.memory_space<vmem>> -> memref<1x1x125xi32, #tpu.memory_space<vmem>>
        %dma_start3A_237 = tpu.memref_squeeze %dma_start3A_236 : memref<1x1x125xi32, #tpu.memory_space<vmem>> -> memref<125xi32, #tpu.memory_space<vmem>>
        %dma_start3A_238 = arith.constant 0 : i32
        %dma_start3A_239 = arith.constant 0 : i32
        %dma_start3A_240 = tpu.memref_slice %arg2[%dma_start3A_238, %dma_start3A_239] : memref<10000x128xf32, #tpu.memory_space<hbm>> -> memref<10000x128xf32, #tpu.memory_space<hbm>>
        tpu.enqueue_indirect_dma source(%dma_start3A_240 : memref<10000x128xf32, #tpu.memory_space<hbm>>) target(%arg11 : memref<125x128xf32, #tpu.memory_space<vmem>>) offsets(%dma_start3A_237 : memref<125xi32, #tpu.memory_space<vmem>>) semaphore(%arg15 : memref<!tpu.dma_semaphore, #tpu.memory_space<semaphore_mem>>)
        %dma_wait3A_241 = arith.constant 12 : i32
        %dma_wait3A_242 = arith.constant 0 : i32
        %dma_wait3A_243 = tpu.memref_slice %arg8[%rem3A_39, %dma_wait3A_241, %dma_wait3A_242] : memref<2x16x125xi32, #tpu.memory_space<vmem>> -> memref<1x1x125xi32, #tpu.memory_space<vmem>>
        %dma_wait3A_244 = tpu.memref_squeeze %dma_wait3A_243 : memref<1x1x125xi32, #tpu.memory_space<vmem>> -> memref<125xi32, #tpu.memory_space<vmem>>
        %dma_wait3A_245 = arith.constant 0 : i32
        %dma_wait3A_246 = arith.constant 0 : i32
        %dma_wait3A_247 = tpu.memref_slice %arg2[%dma_wait3A_245, %dma_wait3A_246] : memref<10000x128xf32, #tpu.memory_space<hbm>> -> memref<10000x128xf32, #tpu.memory_space<hbm>>
        tpu.wait_indirect_dma semaphore(%arg14 : memref<!tpu.dma_semaphore, #tpu.memory_space<semaphore_mem>>) src(%dma_wait3A_247 : memref<10000x128xf32, #tpu.memory_space<hbm>>) dst(%arg10 : memref<125x128xf32, #tpu.memory_space<vmem>>)
        %run_scoped3A_248 = arith.constant 12 : i32
        "tpu.region"() ({
          %run_scoped3A_287 = tpu.sem_alloc : memref<!tpu.dma_semaphore, #tpu.memory_space<semaphore_mem>>
          %dma_start3A_288 = arith.constant 0 : i32
          %dma_start3A_289 = tpu.memref_slice %arg9[%rem3A_39, %run_scoped3A_248, %dma_start3A_288] : memref<2x16x125xi32, #tpu.memory_space<vmem>> -> memref<1x1x125xi32, #tpu.memory_space<vmem>>
          %dma_start3A_290 = tpu.memref_squeeze %dma_start3A_289 : memref<1x1x125xi32, #tpu.memory_space<vmem>> -> memref<125xi32, #tpu.memory_space<vmem>>
          %dma_start3A_291 = arith.constant 0 : i32
          %dma_start3A_292 = arith.constant 0 : i32
          %dma_start3A_293 = tpu.memref_slice %arg13[%dma_start3A_291, %dma_start3A_292] : memref<10240x128xf32, #tpu.memory_space<vmem_shared>> -> memref<10240x128xf32, #tpu.memory_space<vmem_shared>>
          tpu.enqueue_indirect_dma source(%arg10 : memref<125x128xf32, #tpu.memory_space<vmem>>) target(%dma_start3A_293 : memref<10240x128xf32, #tpu.memory_space<vmem_shared>>) offsets(%dma_start3A_290 : memref<125xi32, #tpu.memory_space<vmem>>) semaphore(%run_scoped3A_287 : memref<!tpu.dma_semaphore, #tpu.memory_space<semaphore_mem>>) {add = true}
          %dma_wait3A_294 = arith.constant 0 : i32
          %dma_wait3A_295 = tpu.memref_slice %arg9[%rem3A_39, %run_scoped3A_248, %dma_wait3A_294] : memref<2x16x125xi32, #tpu.memory_space<vmem>> -> memref<1x1x125xi32, #tpu.memory_space<vmem>>
          %dma_wait3A_296 = tpu.memref_squeeze %dma_wait3A_295 : memref<1x1x125xi32, #tpu.memory_space<vmem>> -> memref<125xi32, #tpu.memory_space<vmem>>
          %dma_wait3A_297 = arith.constant 0 : i32
          %dma_wait3A_298 = arith.constant 0 : i32
          %dma_wait3A_299 = tpu.memref_slice %arg13[%dma_wait3A_297, %dma_wait3A_298] : memref<10240x128xf32, #tpu.memory_space<vmem_shared>> -> memref<10240x128xf32, #tpu.memory_space<vmem_shared>>
          tpu.wait_indirect_dma semaphore(%run_scoped3A_287 : memref<!tpu.dma_semaphore, #tpu.memory_space<semaphore_mem>>) src(%arg10 : memref<125x128xf32, #tpu.memory_space<vmem>>) dst(%dma_wait3A_299 : memref<10240x128xf32, #tpu.memory_space<vmem_shared>>)
          tpu.yield
        }) : () -> ()
        %dma_start3A_249 = arith.constant 14 : i32
        %dma_start3A_250 = arith.constant 0 : i32
        %dma_start3A_251 = tpu.memref_slice %arg8[%rem3A_39, %dma_start3A_249, %dma_start3A_250] : memref<2x16x125xi32, #tpu.memory_space<vmem>> -> memref<1x1x125xi32, #tpu.memory_space<vmem>>
        %dma_start3A_252 = tpu.memref_squeeze %dma_start3A_251 : memref<1x1x125xi32, #tpu.memory_space<vmem>> -> memref<125xi32, #tpu.memory_space<vmem>>
        %dma_start3A_253 = arith.constant 0 : i32
        %dma_start3A_254 = arith.constant 0 : i32
        %dma_start3A_255 = tpu.memref_slice %arg2[%dma_start3A_253, %dma_start3A_254] : memref<10000x128xf32, #tpu.memory_space<hbm>> -> memref<10000x128xf32, #tpu.memory_space<hbm>>
        tpu.enqueue_indirect_dma source(%dma_start3A_255 : memref<10000x128xf32, #tpu.memory_space<hbm>>) target(%arg10 : memref<125x128xf32, #tpu.memory_space<vmem>>) offsets(%dma_start3A_252 : memref<125xi32, #tpu.memory_space<vmem>>) semaphore(%arg14 : memref<!tpu.dma_semaphore, #tpu.memory_space<semaphore_mem>>)
        %dma_wait3A_256 = arith.constant 13 : i32
        %dma_wait3A_257 = arith.constant 0 : i32
        %dma_wait3A_258 = tpu.memref_slice %arg8[%rem3A_39, %dma_wait3A_256, %dma_wait3A_257] : memref<2x16x125xi32, #tpu.memory_space<vmem>> -> memref<1x1x125xi32, #tpu.memory_space<vmem>>
        %dma_wait3A_259 = tpu.memref_squeeze %dma_wait3A_258 : memref<1x1x125xi32, #tpu.memory_space<vmem>> -> memref<125xi32, #tpu.memory_space<vmem>>
        %dma_wait3A_260 = arith.constant 0 : i32
        %dma_wait3A_261 = arith.constant 0 : i32
        %dma_wait3A_262 = tpu.memref_slice %arg2[%dma_wait3A_260, %dma_wait3A_261] : memref<10000x128xf32, #tpu.memory_space<hbm>> -> memref<10000x128xf32, #tpu.memory_space<hbm>>
        tpu.wait_indirect_dma semaphore(%arg15 : memref<!tpu.dma_semaphore, #tpu.memory_space<semaphore_mem>>) src(%dma_wait3A_262 : memref<10000x128xf32, #tpu.memory_space<hbm>>) dst(%arg11 : memref<125x128xf32, #tpu.memory_space<vmem>>)
        %run_scoped3A_263 = arith.constant 13 : i32
        "tpu.region"() ({
          %run_scoped3A_287 = tpu.sem_alloc : memref<!tpu.dma_semaphore, #tpu.memory_space<semaphore_mem>>
          %dma_start3A_288 = arith.constant 0 : i32
          %dma_start3A_289 = tpu.memref_slice %arg9[%rem3A_39, %run_scoped3A_263, %dma_start3A_288] : memref<2x16x125xi32, #tpu.memory_space<vmem>> -> memref<1x1x125xi32, #tpu.memory_space<vmem>>
          %dma_start3A_290 = tpu.memref_squeeze %dma_start3A_289 : memref<1x1x125xi32, #tpu.memory_space<vmem>> -> memref<125xi32, #tpu.memory_space<vmem>>
          %dma_start3A_291 = arith.constant 0 : i32
          %dma_start3A_292 = arith.constant 0 : i32
          %dma_start3A_293 = tpu.memref_slice %arg13[%dma_start3A_291, %dma_start3A_292] : memref<10240x128xf32, #tpu.memory_space<vmem_shared>> -> memref<10240x128xf32, #tpu.memory_space<vmem_shared>>
          tpu.enqueue_indirect_dma source(%arg11 : memref<125x128xf32, #tpu.memory_space<vmem>>) target(%dma_start3A_293 : memref<10240x128xf32, #tpu.memory_space<vmem_shared>>) offsets(%dma_start3A_290 : memref<125xi32, #tpu.memory_space<vmem>>) semaphore(%run_scoped3A_287 : memref<!tpu.dma_semaphore, #tpu.memory_space<semaphore_mem>>) {add = true}
          %dma_wait3A_294 = arith.constant 0 : i32
          %dma_wait3A_295 = tpu.memref_slice %arg9[%rem3A_39, %run_scoped3A_263, %dma_wait3A_294] : memref<2x16x125xi32, #tpu.memory_space<vmem>> -> memref<1x1x125xi32, #tpu.memory_space<vmem>>
          %dma_wait3A_296 = tpu.memref_squeeze %dma_wait3A_295 : memref<1x1x125xi32, #tpu.memory_space<vmem>> -> memref<125xi32, #tpu.memory_space<vmem>>
          %dma_wait3A_297 = arith.constant 0 : i32
          %dma_wait3A_298 = arith.constant 0 : i32
          %dma_wait3A_299 = tpu.memref_slice %arg13[%dma_wait3A_297, %dma_wait3A_298] : memref<10240x128xf32, #tpu.memory_space<vmem_shared>> -> memref<10240x128xf32, #tpu.memory_space<vmem_shared>>
          tpu.wait_indirect_dma semaphore(%run_scoped3A_287 : memref<!tpu.dma_semaphore, #tpu.memory_space<semaphore_mem>>) src(%arg11 : memref<125x128xf32, #tpu.memory_space<vmem>>) dst(%dma_wait3A_299 : memref<10240x128xf32, #tpu.memory_space<vmem_shared>>)
          tpu.yield
        }) : () -> ()
        %dma_start3A_264 = arith.constant 15 : i32
        %dma_start3A_265 = arith.constant 0 : i32
        %dma_start3A_266 = tpu.memref_slice %arg8[%rem3A_39, %dma_start3A_264, %dma_start3A_265] : memref<2x16x125xi32, #tpu.memory_space<vmem>> -> memref<1x1x125xi32, #tpu.memory_space<vmem>>
        %dma_start3A_267 = tpu.memref_squeeze %dma_start3A_266 : memref<1x1x125xi32, #tpu.memory_space<vmem>> -> memref<125xi32, #tpu.memory_space<vmem>>
        %dma_start3A_268 = arith.constant 0 : i32
        %dma_start3A_269 = arith.constant 0 : i32
        %dma_start3A_270 = tpu.memref_slice %arg2[%dma_start3A_268, %dma_start3A_269] : memref<10000x128xf32, #tpu.memory_space<hbm>> -> memref<10000x128xf32, #tpu.memory_space<hbm>>
        tpu.enqueue_indirect_dma source(%dma_start3A_270 : memref<10000x128xf32, #tpu.memory_space<hbm>>) target(%arg11 : memref<125x128xf32, #tpu.memory_space<vmem>>) offsets(%dma_start3A_267 : memref<125xi32, #tpu.memory_space<vmem>>) semaphore(%arg15 : memref<!tpu.dma_semaphore, #tpu.memory_space<semaphore_mem>>)
        %dma_wait3A_271 = arith.constant 14 : i32
        %dma_wait3A_272 = arith.constant 0 : i32
        %dma_wait3A_273 = tpu.memref_slice %arg8[%rem3A_39, %dma_wait3A_271, %dma_wait3A_272] : memref<2x16x125xi32, #tpu.memory_space<vmem>> -> memref<1x1x125xi32, #tpu.memory_space<vmem>>
        %dma_wait3A_274 = tpu.memref_squeeze %dma_wait3A_273 : memref<1x1x125xi32, #tpu.memory_space<vmem>> -> memref<125xi32, #tpu.memory_space<vmem>>
        %dma_wait3A_275 = arith.constant 0 : i32
        %dma_wait3A_276 = arith.constant 0 : i32
        %dma_wait3A_277 = tpu.memref_slice %arg2[%dma_wait3A_275, %dma_wait3A_276] : memref<10000x128xf32, #tpu.memory_space<hbm>> -> memref<10000x128xf32, #tpu.memory_space<hbm>>
        tpu.wait_indirect_dma semaphore(%arg14 : memref<!tpu.dma_semaphore, #tpu.memory_space<semaphore_mem>>) src(%dma_wait3A_277 : memref<10000x128xf32, #tpu.memory_space<hbm>>) dst(%arg10 : memref<125x128xf32, #tpu.memory_space<vmem>>)
        %run_scoped3A_278 = arith.constant 14 : i32
        "tpu.region"() ({
          %run_scoped3A_287 = tpu.sem_alloc : memref<!tpu.dma_semaphore, #tpu.memory_space<semaphore_mem>>
          %dma_start3A_288 = arith.constant 0 : i32
          %dma_start3A_289 = tpu.memref_slice %arg9[%rem3A_39, %run_scoped3A_278, %dma_start3A_288] : memref<2x16x125xi32, #tpu.memory_space<vmem>> -> memref<1x1x125xi32, #tpu.memory_space<vmem>>
          %dma_start3A_290 = tpu.memref_squeeze %dma_start3A_289 : memref<1x1x125xi32, #tpu.memory_space<vmem>> -> memref<125xi32, #tpu.memory_space<vmem>>
          %dma_start3A_291 = arith.constant 0 : i32
          %dma_start3A_292 = arith.constant 0 : i32
          %dma_start3A_293 = tpu.memref_slice %arg13[%dma_start3A_291, %dma_start3A_292] : memref<10240x128xf32, #tpu.memory_space<vmem_shared>> -> memref<10240x128xf32, #tpu.memory_space<vmem_shared>>
          tpu.enqueue_indirect_dma source(%arg10 : memref<125x128xf32, #tpu.memory_space<vmem>>) target(%dma_start3A_293 : memref<10240x128xf32, #tpu.memory_space<vmem_shared>>) offsets(%dma_start3A_290 : memref<125xi32, #tpu.memory_space<vmem>>) semaphore(%run_scoped3A_287 : memref<!tpu.dma_semaphore, #tpu.memory_space<semaphore_mem>>) {add = true}
          %dma_wait3A_294 = arith.constant 0 : i32
          %dma_wait3A_295 = tpu.memref_slice %arg9[%rem3A_39, %run_scoped3A_278, %dma_wait3A_294] : memref<2x16x125xi32, #tpu.memory_space<vmem>> -> memref<1x1x125xi32, #tpu.memory_space<vmem>>
          %dma_wait3A_296 = tpu.memref_squeeze %dma_wait3A_295 : memref<1x1x125xi32, #tpu.memory_space<vmem>> -> memref<125xi32, #tpu.memory_space<vmem>>
          %dma_wait3A_297 = arith.constant 0 : i32
          %dma_wait3A_298 = arith.constant 0 : i32
          %dma_wait3A_299 = tpu.memref_slice %arg13[%dma_wait3A_297, %dma_wait3A_298] : memref<10240x128xf32, #tpu.memory_space<vmem_shared>> -> memref<10240x128xf32, #tpu.memory_space<vmem_shared>>
          tpu.wait_indirect_dma semaphore(%run_scoped3A_287 : memref<!tpu.dma_semaphore, #tpu.memory_space<semaphore_mem>>) src(%arg10 : memref<125x128xf32, #tpu.memory_space<vmem>>) dst(%dma_wait3A_299 : memref<10240x128xf32, #tpu.memory_space<vmem_shared>>)
          tpu.yield
        }) : () -> ()
        %dma_wait3A_279 = arith.constant 15 : i32
        %dma_wait3A_280 = arith.constant 0 : i32
        %dma_wait3A_281 = tpu.memref_slice %arg8[%rem3A_39, %dma_wait3A_279, %dma_wait3A_280] : memref<2x16x125xi32, #tpu.memory_space<vmem>> -> memref<1x1x125xi32, #tpu.memory_space<vmem>>
        %dma_wait3A_282 = tpu.memref_squeeze %dma_wait3A_281 : memref<1x1x125xi32, #tpu.memory_space<vmem>> -> memref<125xi32, #tpu.memory_space<vmem>>
        %dma_wait3A_283 = arith.constant 0 : i32
        %dma_wait3A_284 = arith.constant 0 : i32
        %dma_wait3A_285 = tpu.memref_slice %arg2[%dma_wait3A_283, %dma_wait3A_284] : memref<10000x128xf32, #tpu.memory_space<hbm>> -> memref<10000x128xf32, #tpu.memory_space<hbm>>
        tpu.wait_indirect_dma semaphore(%arg15 : memref<!tpu.dma_semaphore, #tpu.memory_space<semaphore_mem>>) src(%dma_wait3A_285 : memref<10000x128xf32, #tpu.memory_space<hbm>>) dst(%arg11 : memref<125x128xf32, #tpu.memory_space<vmem>>)
        %run_scoped3A_286 = arith.constant 15 : i32
        "tpu.region"() ({
          %run_scoped3A_287 = tpu.sem_alloc : memref<!tpu.dma_semaphore, #tpu.memory_space<semaphore_mem>>
          %dma_start3A_288 = arith.constant 0 : i32
          %dma_start3A_289 = tpu.memref_slice %arg9[%rem3A_39, %run_scoped3A_286, %dma_start3A_288] : memref<2x16x125xi32, #tpu.memory_space<vmem>> -> memref<1x1x125xi32, #tpu.memory_space<vmem>>
          %dma_start3A_290 = tpu.memref_squeeze %dma_start3A_289 : memref<1x1x125xi32, #tpu.memory_space<vmem>> -> memref<125xi32, #tpu.memory_space<vmem>>
          %dma_start3A_291 = arith.constant 0 : i32
          %dma_start3A_292 = arith.constant 0 : i32
          %dma_start3A_293 = tpu.memref_slice %arg13[%dma_start3A_291, %dma_start3A_292] : memref<10240x128xf32, #tpu.memory_space<vmem_shared>> -> memref<10240x128xf32, #tpu.memory_space<vmem_shared>>
          tpu.enqueue_indirect_dma source(%arg11 : memref<125x128xf32, #tpu.memory_space<vmem>>) target(%dma_start3A_293 : memref<10240x128xf32, #tpu.memory_space<vmem_shared>>) offsets(%dma_start3A_290 : memref<125xi32, #tpu.memory_space<vmem>>) semaphore(%run_scoped3A_287 : memref<!tpu.dma_semaphore, #tpu.memory_space<semaphore_mem>>) {add = true}
          %dma_wait3A_294 = arith.constant 0 : i32
          %dma_wait3A_295 = tpu.memref_slice %arg9[%rem3A_39, %run_scoped3A_286, %dma_wait3A_294] : memref<2x16x125xi32, #tpu.memory_space<vmem>> -> memref<1x1x125xi32, #tpu.memory_space<vmem>>
          %dma_wait3A_296 = tpu.memref_squeeze %dma_wait3A_295 : memref<1x1x125xi32, #tpu.memory_space<vmem>> -> memref<125xi32, #tpu.memory_space<vmem>>
          %dma_wait3A_297 = arith.constant 0 : i32
          %dma_wait3A_298 = arith.constant 0 : i32
          %dma_wait3A_299 = tpu.memref_slice %arg13[%dma_wait3A_297, %dma_wait3A_298] : memref<10240x128xf32, #tpu.memory_space<vmem_shared>> -> memref<10240x128xf32, #tpu.memory_space<vmem_shared>>
          tpu.wait_indirect_dma semaphore(%run_scoped3A_287 : memref<!tpu.dma_semaphore, #tpu.memory_space<semaphore_mem>>) src(%arg11 : memref<125x128xf32, #tpu.memory_space<vmem>>) dst(%dma_wait3A_299 : memref<10240x128xf32, #tpu.memory_space<vmem_shared>>)
          tpu.yield
        }) : () -> ()
      }
      %scan3A_37 = arith.constant 10 : i32
    } else {
    }
    %eq3A_13 = arith.constant 1 : i32
    %eq3A_14 = arith.cmpi eq, %arg0, %eq3A_13 : i32
    %convert_element_type3A_15 = arith.extui %eq3A_14 : i1 to i32
    %cond3A_16 = arith.constant 0 : i32
    %cond3A_17 = arith.cmpi ne, %convert_element_type3A_15, %cond3A_16 : i32
    scf.if %cond3A_17 {
      %run_scoped3A = arith.constant 0 : i32
      %run_scoped3A_29 = arith.constant 0 : i32
      "tpu.region"() ({
        %run_scoped3A_38 = tpu.sem_alloc : memref<!tpu.dma_semaphore, #tpu.memory_space<semaphore_mem>>
        %dma_start3A = arith.constant 0 : i32
        %dma_start3A_39 = arith.constant 0 : i32
        %dma_start3A_40 = tpu.memref_slice %arg8[%run_scoped3A_29, %dma_start3A, %dma_start3A_39] : memref<2x16x125xi32, #tpu.memory_space<vmem>> -> memref<1x16x125xi32, #tpu.memory_space<vmem>>
        %dma_start3A_41 = tpu.memref_squeeze %dma_start3A_40 : memref<1x16x125xi32, #tpu.memory_space<vmem>> -> memref<16x125xi32, #tpu.memory_space<vmem>>
        %dma_start3A_42 = arith.constant 0 : i32
        %dma_start3A_43 = arith.constant 0 : i32
        %dma_start3A_44 = tpu.memref_slice %arg4[%arg1, %run_scoped3A, %dma_start3A_42, %dma_start3A_43] : memref<16x10x16x125xi32, #tpu.memory_space<hbm>> -> memref<1x1x16x125xi32, #tpu.memory_space<hbm>>
        %dma_start3A_45 = tpu.memref_squeeze %dma_start3A_44 : memref<1x1x16x125xi32, #tpu.memory_space<hbm>> -> memref<16x125xi32, #tpu.memory_space<hbm>>
        %dma_start3A_46 = arith.constant 0 : i32
        %dma_start3A_47 = arith.constant 0 : i32
        %dma_start3A_48 = tpu.memref_slice %arg8[%run_scoped3A_29, %dma_start3A_46, %dma_start3A_47] : memref<2x16x125xi32, #tpu.memory_space<vmem>> -> memref<1x16x125xi32, #tpu.memory_space<vmem>>
        %dma_start3A_49 = tpu.memref_squeeze %dma_start3A_48 : memref<1x16x125xi32, #tpu.memory_space<vmem>> -> memref<16x125xi32, #tpu.memory_space<vmem>>
        %dma_start3A_50 = arith.constant 0 : i32
        %dma_start3A_51 = arith.constant 0 : i32
        %dma_start3A_52 = tpu.memref_slice %arg4[%arg1, %run_scoped3A, %dma_start3A_50, %dma_start3A_51] : memref<16x10x16x125xi32, #tpu.memory_space<hbm>> -> memref<1x1x16x125xi32, #tpu.memory_space<hbm>>
        %dma_start3A_53 = tpu.memref_squeeze %dma_start3A_52 : memref<1x1x16x125xi32, #tpu.memory_space<hbm>> -> memref<16x125xi32, #tpu.memory_space<hbm>>
        tpu.enqueue_dma source(%dma_start3A_53 : memref<16x125xi32, #tpu.memory_space<hbm>>) target(%dma_start3A_49 : memref<16x125xi32, #tpu.memory_space<vmem>>) target_semaphore(%run_scoped3A_38 : memref<!tpu.dma_semaphore, #tpu.memory_space<semaphore_mem>>)
        %dma_wait3A = arith.constant 0 : i32
        %dma_wait3A_54 = arith.constant 0 : i32
        %dma_wait3A_55 = tpu.memref_slice %arg8[%run_scoped3A_29, %dma_wait3A, %dma_wait3A_54] : memref<2x16x125xi32, #tpu.memory_space<vmem>> -> memref<1x16x125xi32, #tpu.memory_space<vmem>>
        %dma_wait3A_56 = tpu.memref_squeeze %dma_wait3A_55 : memref<1x16x125xi32, #tpu.memory_space<vmem>> -> memref<16x125xi32, #tpu.memory_space<vmem>>
        %dma_wait3A_57 = arith.constant 0 : i32
        %dma_wait3A_58 = arith.constant 0 : i32
        %dma_wait3A_59 = tpu.memref_slice %arg4[%arg1, %run_scoped3A, %dma_wait3A_57, %dma_wait3A_58] : memref<16x10x16x125xi32, #tpu.memory_space<hbm>> -> memref<1x1x16x125xi32, #tpu.memory_space<hbm>>
        %dma_wait3A_60 = tpu.memref_squeeze %dma_wait3A_59 : memref<1x1x16x125xi32, #tpu.memory_space<hbm>> -> memref<16x125xi32, #tpu.memory_space<hbm>>
        %dma_wait3A_61 = arith.constant 0 : i32
        %dma_wait3A_62 = arith.constant 0 : i32
        %dma_wait3A_63 = tpu.memref_slice %arg8[%run_scoped3A_29, %dma_wait3A_61, %dma_wait3A_62] : memref<2x16x125xi32, #tpu.memory_space<vmem>> -> memref<1x16x125xi32, #tpu.memory_space<vmem>>
        %dma_wait3A_64 = tpu.memref_squeeze %dma_wait3A_63 : memref<1x16x125xi32, #tpu.memory_space<vmem>> -> memref<16x125xi32, #tpu.memory_space<vmem>>
        %dma_wait3A_65 = arith.constant 0 : i32
        %dma_wait3A_66 = arith.constant 0 : i32
        %dma_wait3A_67 = tpu.memref_slice %arg4[%arg1, %run_scoped3A, %dma_wait3A_65, %dma_wait3A_66] : memref<16x10x16x125xi32, #tpu.memory_space<hbm>> -> memref<1x1x16x125xi32, #tpu.memory_space<hbm>>
        %dma_wait3A_68 = tpu.memref_squeeze %dma_wait3A_67 : memref<1x1x16x125xi32, #tpu.memory_space<hbm>> -> memref<16x125xi32, #tpu.memory_space<hbm>>
        tpu.wait_dma2 semaphore(%run_scoped3A_38 : memref<!tpu.dma_semaphore, #tpu.memory_space<semaphore_mem>>) src(%dma_wait3A_68 : memref<16x125xi32, #tpu.memory_space<hbm>>) dst(%dma_wait3A_64 : memref<16x125xi32, #tpu.memory_space<vmem>>)
        tpu.yield
      }) : () -> ()
      %run_scoped3A_30 = arith.constant 0 : i32
      %run_scoped3A_31 = arith.constant 0 : i32
      "tpu.region"() ({
        %run_scoped3A_38 = tpu.sem_alloc : memref<!tpu.dma_semaphore, #tpu.memory_space<semaphore_mem>>
        %dma_start3A = arith.constant 0 : i32
        %dma_start3A_39 = arith.constant 0 : i32
        %dma_start3A_40 = tpu.memref_slice %arg9[%run_scoped3A_31, %dma_start3A, %dma_start3A_39] : memref<2x16x125xi32, #tpu.memory_space<vmem>> -> memref<1x16x125xi32, #tpu.memory_space<vmem>>
        %dma_start3A_41 = tpu.memref_squeeze %dma_start3A_40 : memref<1x16x125xi32, #tpu.memory_space<vmem>> -> memref<16x125xi32, #tpu.memory_space<vmem>>
        %dma_start3A_42 = arith.constant 0 : i32
        %dma_start3A_43 = arith.constant 0 : i32
        %dma_start3A_44 = tpu.memref_slice %arg5[%arg1, %run_scoped3A_30, %dma_start3A_42, %dma_start3A_43] : memref<16x10x16x125xi32, #tpu.memory_space<hbm>> -> memref<1x1x16x125xi32, #tpu.memory_space<hbm>>
        %dma_start3A_45 = tpu.memref_squeeze %dma_start3A_44 : memref<1x1x16x125xi32, #tpu.memory_space<hbm>> -> memref<16x125xi32, #tpu.memory_space<hbm>>
        %dma_start3A_46 = arith.constant 0 : i32
        %dma_start3A_47 = arith.constant 0 : i32
        %dma_start3A_48 = tpu.memref_slice %arg9[%run_scoped3A_31, %dma_start3A_46, %dma_start3A_47] : memref<2x16x125xi32, #tpu.memory_space<vmem>> -> memref<1x16x125xi32, #tpu.memory_space<vmem>>
        %dma_start3A_49 = tpu.memref_squeeze %dma_start3A_48 : memref<1x16x125xi32, #tpu.memory_space<vmem>> -> memref<16x125xi32, #tpu.memory_space<vmem>>
        %dma_start3A_50 = arith.constant 0 : i32
        %dma_start3A_51 = arith.constant 0 : i32
        %dma_start3A_52 = tpu.memref_slice %arg5[%arg1, %run_scoped3A_30, %dma_start3A_50, %dma_start3A_51] : memref<16x10x16x125xi32, #tpu.memory_space<hbm>> -> memref<1x1x16x125xi32, #tpu.memory_space<hbm>>
        %dma_start3A_53 = tpu.memref_squeeze %dma_start3A_52 : memref<1x1x16x125xi32, #tpu.memory_space<hbm>> -> memref<16x125xi32, #tpu.memory_space<hbm>>
        tpu.enqueue_dma source(%dma_start3A_53 : memref<16x125xi32, #tpu.memory_space<hbm>>) target(%dma_start3A_49 : memref<16x125xi32, #tpu.memory_space<vmem>>) target_semaphore(%run_scoped3A_38 : memref<!tpu.dma_semaphore, #tpu.memory_space<semaphore_mem>>)
        %dma_wait3A = arith.constant 0 : i32
        %dma_wait3A_54 = arith.constant 0 : i32
        %dma_wait3A_55 = tpu.memref_slice %arg9[%run_scoped3A_31, %dma_wait3A, %dma_wait3A_54] : memref<2x16x125xi32, #tpu.memory_space<vmem>> -> memref<1x16x125xi32, #tpu.memory_space<vmem>>
        %dma_wait3A_56 = tpu.memref_squeeze %dma_wait3A_55 : memref<1x16x125xi32, #tpu.memory_space<vmem>> -> memref<16x125xi32, #tpu.memory_space<vmem>>
        %dma_wait3A_57 = arith.constant 0 : i32
        %dma_wait3A_58 = arith.constant 0 : i32
        %dma_wait3A_59 = tpu.memref_slice %arg5[%arg1, %run_scoped3A_30, %dma_wait3A_57, %dma_wait3A_58] : memref<16x10x16x125xi32, #tpu.memory_space<hbm>> -> memref<1x1x16x125xi32, #tpu.memory_space<hbm>>
        %dma_wait3A_60 = tpu.memref_squeeze %dma_wait3A_59 : memref<1x1x16x125xi32, #tpu.memory_space<hbm>> -> memref<16x125xi32, #tpu.memory_space<hbm>>
        %dma_wait3A_61 = arith.constant 0 : i32
        %dma_wait3A_62 = arith.constant 0 : i32
        %dma_wait3A_63 = tpu.memref_slice %arg9[%run_scoped3A_31, %dma_wait3A_61, %dma_wait3A_62] : memref<2x16x125xi32, #tpu.memory_space<vmem>> -> memref<1x16x125xi32, #tpu.memory_space<vmem>>
        %dma_wait3A_64 = tpu.memref_squeeze %dma_wait3A_63 : memref<1x16x125xi32, #tpu.memory_space<vmem>> -> memref<16x125xi32, #tpu.memory_space<vmem>>
        %dma_wait3A_65 = arith.constant 0 : i32
        %dma_wait3A_66 = arith.constant 0 : i32
        %dma_wait3A_67 = tpu.memref_slice %arg5[%arg1, %run_scoped3A_30, %dma_wait3A_65, %dma_wait3A_66] : memref<16x10x16x125xi32, #tpu.memory_space<hbm>> -> memref<1x1x16x125xi32, #tpu.memory_space<hbm>>
        %dma_wait3A_68 = tpu.memref_squeeze %dma_wait3A_67 : memref<1x1x16x125xi32, #tpu.memory_space<hbm>> -> memref<16x125xi32, #tpu.memory_space<hbm>>
        tpu.wait_dma2 semaphore(%run_scoped3A_38 : memref<!tpu.dma_semaphore, #tpu.memory_space<semaphore_mem>>) src(%dma_wait3A_68 : memref<16x125xi32, #tpu.memory_space<hbm>>) dst(%dma_wait3A_64 : memref<16x125xi32, #tpu.memory_space<vmem>>)
        tpu.yield
      }) : () -> ()
      %scan3A_32 = arith.constant 0 : i32
      %scan3A_33 = arith.constant 0 : i32
      %scan3A_34 = arith.constant 10 : i32
      %scan3A_35 = arith.addi %scan3A_33, %scan3A_34 : i32
      %scan3A_36 = arith.constant 1 : i32
      scf.for %scan3A_38 = %scan3A_33 to %scan3A_35 step %scan3A_36  : i32 {
        %rem3A = arith.constant 2 : i32
        %rem3A_39 = arith.remsi %scan3A_38, %rem3A : i32
        %gt3A = arith.constant 0 : i32
        %gt3A_40 = arith.cmpi sgt, %scan3A_38, %gt3A : i32
        %convert_element_type3A_41 = arith.extui %gt3A_40 : i1 to i32
        %cond3A_42 = arith.constant 0 : i32
        %cond3A_43 = arith.cmpi ne, %convert_element_type3A_41, %cond3A_42 : i32
        scf.if %cond3A_43 {
          %dma_wait3A_287 = arith.constant 0 : i32
          %dma_wait3A_288 = arith.constant 0 : i32
          %dma_wait3A_289 = tpu.memref_slice %arg8[%rem3A_39, %dma_wait3A_287, %dma_wait3A_288] : memref<2x16x125xi32, #tpu.memory_space<vmem>> -> memref<1x16x125xi32, #tpu.memory_space<vmem>>
          %dma_wait3A_290 = tpu.memref_squeeze %dma_wait3A_289 : memref<1x16x125xi32, #tpu.memory_space<vmem>> -> memref<16x125xi32, #tpu.memory_space<vmem>>
          %dma_wait3A_291 = arith.constant 0 : i32
          %dma_wait3A_292 = arith.constant 0 : i32
          %dma_wait3A_293 = tpu.memref_slice %arg4[%arg1, %scan3A_38, %dma_wait3A_291, %dma_wait3A_292] : memref<16x10x16x125xi32, #tpu.memory_space<hbm>> -> memref<1x1x16x125xi32, #tpu.memory_space<hbm>>
          %dma_wait3A_294 = tpu.memref_squeeze %dma_wait3A_293 : memref<1x1x16x125xi32, #tpu.memory_space<hbm>> -> memref<16x125xi32, #tpu.memory_space<hbm>>
          %dma_wait3A_295 = arith.constant 0 : i32
          %dma_wait3A_296 = arith.constant 0 : i32
          %dma_wait3A_297 = tpu.memref_slice %arg8[%rem3A_39, %dma_wait3A_295, %dma_wait3A_296] : memref<2x16x125xi32, #tpu.memory_space<vmem>> -> memref<1x16x125xi32, #tpu.memory_space<vmem>>
          %dma_wait3A_298 = tpu.memref_squeeze %dma_wait3A_297 : memref<1x16x125xi32, #tpu.memory_space<vmem>> -> memref<16x125xi32, #tpu.memory_space<vmem>>
          %dma_wait3A_299 = arith.constant 0 : i32
          %dma_wait3A_300 = arith.constant 0 : i32
          %dma_wait3A_301 = tpu.memref_slice %arg4[%arg1, %scan3A_38, %dma_wait3A_299, %dma_wait3A_300] : memref<16x10x16x125xi32, #tpu.memory_space<hbm>> -> memref<1x1x16x125xi32, #tpu.memory_space<hbm>>
          %dma_wait3A_302 = tpu.memref_squeeze %dma_wait3A_301 : memref<1x1x16x125xi32, #tpu.memory_space<hbm>> -> memref<16x125xi32, #tpu.memory_space<hbm>>
          tpu.wait_dma2 semaphore(%arg16 : memref<!tpu.dma_semaphore, #tpu.memory_space<semaphore_mem>>) src(%dma_wait3A_302 : memref<16x125xi32, #tpu.memory_space<hbm>>) dst(%dma_wait3A_298 : memref<16x125xi32, #tpu.memory_space<vmem>>)
          %dma_wait3A_303 = arith.constant 0 : i32
          %dma_wait3A_304 = arith.constant 0 : i32
          %dma_wait3A_305 = tpu.memref_slice %arg9[%rem3A_39, %dma_wait3A_303, %dma_wait3A_304] : memref<2x16x125xi32, #tpu.memory_space<vmem>> -> memref<1x16x125xi32, #tpu.memory_space<vmem>>
          %dma_wait3A_306 = tpu.memref_squeeze %dma_wait3A_305 : memref<1x16x125xi32, #tpu.memory_space<vmem>> -> memref<16x125xi32, #tpu.memory_space<vmem>>
          %dma_wait3A_307 = arith.constant 0 : i32
          %dma_wait3A_308 = arith.constant 0 : i32
          %dma_wait3A_309 = tpu.memref_slice %arg5[%arg1, %scan3A_38, %dma_wait3A_307, %dma_wait3A_308] : memref<16x10x16x125xi32, #tpu.memory_space<hbm>> -> memref<1x1x16x125xi32, #tpu.memory_space<hbm>>
          %dma_wait3A_310 = tpu.memref_squeeze %dma_wait3A_309 : memref<1x1x16x125xi32, #tpu.memory_space<hbm>> -> memref<16x125xi32, #tpu.memory_space<hbm>>
          %dma_wait3A_311 = arith.constant 0 : i32
          %dma_wait3A_312 = arith.constant 0 : i32
          %dma_wait3A_313 = tpu.memref_slice %arg9[%rem3A_39, %dma_wait3A_311, %dma_wait3A_312] : memref<2x16x125xi32, #tpu.memory_space<vmem>> -> memref<1x16x125xi32, #tpu.memory_space<vmem>>
          %dma_wait3A_314 = tpu.memref_squeeze %dma_wait3A_313 : memref<1x16x125xi32, #tpu.memory_space<vmem>> -> memref<16x125xi32, #tpu.memory_space<vmem>>
          %dma_wait3A_315 = arith.constant 0 : i32
          %dma_wait3A_316 = arith.constant 0 : i32
          %dma_wait3A_317 = tpu.memref_slice %arg5[%arg1, %scan3A_38, %dma_wait3A_315, %dma_wait3A_316] : memref<16x10x16x125xi32, #tpu.memory_space<hbm>> -> memref<1x1x16x125xi32, #tpu.memory_space<hbm>>
          %dma_wait3A_318 = tpu.memref_squeeze %dma_wait3A_317 : memref<1x1x16x125xi32, #tpu.memory_space<hbm>> -> memref<16x125xi32, #tpu.memory_space<hbm>>
          tpu.wait_dma2 semaphore(%arg16 : memref<!tpu.dma_semaphore, #tpu.memory_space<semaphore_mem>>) src(%dma_wait3A_318 : memref<16x125xi32, #tpu.memory_space<hbm>>) dst(%dma_wait3A_314 : memref<16x125xi32, #tpu.memory_space<vmem>>)
        } else {
        }
        %add3A = arith.constant 1 : i32
        %add3A_44 = arith.addi %scan3A_38, %add3A : i32
        %lt3A = arith.constant 10 : i32
        %lt3A_45 = arith.cmpi slt, %add3A_44, %lt3A : i32
        %convert_element_type3A_46 = arith.extui %lt3A_45 : i1 to i32
        %cond3A_47 = arith.constant 0 : i32
        %cond3A_48 = arith.cmpi ne, %convert_element_type3A_46, %cond3A_47 : i32
        scf.if %cond3A_48 {
          %add3A_287 = arith.constant 1 : i32
          %add3A_288 = arith.addi %scan3A_38, %add3A_287 : i32
          %sub3A = arith.constant 1 : i32
          %sub3A_289 = arith.subi %sub3A, %rem3A_39 : i32
          %dma_start3A_290 = arith.constant 0 : i32
          %dma_start3A_291 = arith.constant 0 : i32
          %dma_start3A_292 = tpu.memref_slice %arg8[%sub3A_289, %dma_start3A_290, %dma_start3A_291] : memref<2x16x125xi32, #tpu.memory_space<vmem>> -> memref<1x16x125xi32, #tpu.memory_space<vmem>>
          %dma_start3A_293 = tpu.memref_squeeze %dma_start3A_292 : memref<1x16x125xi32, #tpu.memory_space<vmem>> -> memref<16x125xi32, #tpu.memory_space<vmem>>
          %dma_start3A_294 = arith.constant 0 : i32
          %dma_start3A_295 = arith.constant 0 : i32
          %dma_start3A_296 = tpu.memref_slice %arg4[%arg1, %add3A_288, %dma_start3A_294, %dma_start3A_295] : memref<16x10x16x125xi32, #tpu.memory_space<hbm>> -> memref<1x1x16x125xi32, #tpu.memory_space<hbm>>
          %dma_start3A_297 = tpu.memref_squeeze %dma_start3A_296 : memref<1x1x16x125xi32, #tpu.memory_space<hbm>> -> memref<16x125xi32, #tpu.memory_space<hbm>>
          %dma_start3A_298 = arith.constant 0 : i32
          %dma_start3A_299 = arith.constant 0 : i32
          %dma_start3A_300 = tpu.memref_slice %arg8[%sub3A_289, %dma_start3A_298, %dma_start3A_299] : memref<2x16x125xi32, #tpu.memory_space<vmem>> -> memref<1x16x125xi32, #tpu.memory_space<vmem>>
          %dma_start3A_301 = tpu.memref_squeeze %dma_start3A_300 : memref<1x16x125xi32, #tpu.memory_space<vmem>> -> memref<16x125xi32, #tpu.memory_space<vmem>>
          %dma_start3A_302 = arith.constant 0 : i32
          %dma_start3A_303 = arith.constant 0 : i32
          %dma_start3A_304 = tpu.memref_slice %arg4[%arg1, %add3A_288, %dma_start3A_302, %dma_start3A_303] : memref<16x10x16x125xi32, #tpu.memory_space<hbm>> -> memref<1x1x16x125xi32, #tpu.memory_space<hbm>>
          %dma_start3A_305 = tpu.memref_squeeze %dma_start3A_304 : memref<1x1x16x125xi32, #tpu.memory_space<hbm>> -> memref<16x125xi32, #tpu.memory_space<hbm>>
          tpu.enqueue_dma source(%dma_start3A_305 : memref<16x125xi32, #tpu.memory_space<hbm>>) target(%dma_start3A_301 : memref<16x125xi32, #tpu.memory_space<vmem>>) target_semaphore(%arg16 : memref<!tpu.dma_semaphore, #tpu.memory_space<semaphore_mem>>)
          %add3A_306 = arith.constant 1 : i32
          %add3A_307 = arith.addi %scan3A_38, %add3A_306 : i32
          %sub3A_308 = arith.constant 1 : i32
          %sub3A_309 = arith.subi %sub3A_308, %rem3A_39 : i32
          %dma_start3A_310 = arith.constant 0 : i32
          %dma_start3A_311 = arith.constant 0 : i32
          %dma_start3A_312 = tpu.memref_slice %arg9[%sub3A_309, %dma_start3A_310, %dma_start3A_311] : memref<2x16x125xi32, #tpu.memory_space<vmem>> -> memref<1x16x125xi32, #tpu.memory_space<vmem>>
          %dma_start3A_313 = tpu.memref_squeeze %dma_start3A_312 : memref<1x16x125xi32, #tpu.memory_space<vmem>> -> memref<16x125xi32, #tpu.memory_space<vmem>>
          %dma_start3A_314 = arith.constant 0 : i32
          %dma_start3A_315 = arith.constant 0 : i32
          %dma_start3A_316 = tpu.memref_slice %arg5[%arg1, %add3A_307, %dma_start3A_314, %dma_start3A_315] : memref<16x10x16x125xi32, #tpu.memory_space<hbm>> -> memref<1x1x16x125xi32, #tpu.memory_space<hbm>>
          %dma_start3A_317 = tpu.memref_squeeze %dma_start3A_316 : memref<1x1x16x125xi32, #tpu.memory_space<hbm>> -> memref<16x125xi32, #tpu.memory_space<hbm>>
          %dma_start3A_318 = arith.constant 0 : i32
          %dma_start3A_319 = arith.constant 0 : i32
          %dma_start3A_320 = tpu.memref_slice %arg9[%sub3A_309, %dma_start3A_318, %dma_start3A_319] : memref<2x16x125xi32, #tpu.memory_space<vmem>> -> memref<1x16x125xi32, #tpu.memory_space<vmem>>
          %dma_start3A_321 = tpu.memref_squeeze %dma_start3A_320 : memref<1x16x125xi32, #tpu.memory_space<vmem>> -> memref<16x125xi32, #tpu.memory_space<vmem>>
          %dma_start3A_322 = arith.constant 0 : i32
          %dma_start3A_323 = arith.constant 0 : i32
          %dma_start3A_324 = tpu.memref_slice %arg5[%arg1, %add3A_307, %dma_start3A_322, %dma_start3A_323] : memref<16x10x16x125xi32, #tpu.memory_space<hbm>> -> memref<1x1x16x125xi32, #tpu.memory_space<hbm>>
          %dma_start3A_325 = tpu.memref_squeeze %dma_start3A_324 : memref<1x1x16x125xi32, #tpu.memory_space<hbm>> -> memref<16x125xi32, #tpu.memory_space<hbm>>
          tpu.enqueue_dma source(%dma_start3A_325 : memref<16x125xi32, #tpu.memory_space<hbm>>) target(%dma_start3A_321 : memref<16x125xi32, #tpu.memory_space<vmem>>) target_semaphore(%arg16 : memref<!tpu.dma_semaphore, #tpu.memory_space<semaphore_mem>>)
        } else {
        }
        %dma_start3A = arith.constant 0 : i32
        %dma_start3A_49 = arith.constant 0 : i32
        %dma_start3A_50 = tpu.memref_slice %arg8[%rem3A_39, %dma_start3A, %dma_start3A_49] : memref<2x16x125xi32, #tpu.memory_space<vmem>> -> memref<1x1x125xi32, #tpu.memory_space<vmem>>
        %dma_start3A_51 = tpu.memref_squeeze %dma_start3A_50 : memref<1x1x125xi32, #tpu.memory_space<vmem>> -> memref<125xi32, #tpu.memory_space<vmem>>
        %dma_start3A_52 = arith.constant 0 : i32
        %dma_start3A_53 = arith.constant 0 : i32
        %dma_start3A_54 = tpu.memref_slice %arg3[%dma_start3A_52, %dma_start3A_53] : memref<10000x128xf32, #tpu.memory_space<hbm>> -> memref<10000x128xf32, #tpu.memory_space<hbm>>
        tpu.enqueue_indirect_dma source(%dma_start3A_54 : memref<10000x128xf32, #tpu.memory_space<hbm>>) target(%arg10 : memref<125x128xf32, #tpu.memory_space<vmem>>) offsets(%dma_start3A_51 : memref<125xi32, #tpu.memory_space<vmem>>) semaphore(%arg14 : memref<!tpu.dma_semaphore, #tpu.memory_space<semaphore_mem>>)
        %dma_start3A_55 = arith.constant 1 : i32
        %dma_start3A_56 = arith.constant 0 : i32
        %dma_start3A_57 = tpu.memref_slice %arg8[%rem3A_39, %dma_start3A_55, %dma_start3A_56] : memref<2x16x125xi32, #tpu.memory_space<vmem>> -> memref<1x1x125xi32, #tpu.memory_space<vmem>>
        %dma_start3A_58 = tpu.memref_squeeze %dma_start3A_57 : memref<1x1x125xi32, #tpu.memory_space<vmem>> -> memref<125xi32, #tpu.memory_space<vmem>>
        %dma_start3A_59 = arith.constant 0 : i32
        %dma_start3A_60 = arith.constant 0 : i32
        %dma_start3A_61 = tpu.memref_slice %arg3[%dma_start3A_59, %dma_start3A_60] : memref<10000x128xf32, #tpu.memory_space<hbm>> -> memref<10000x128xf32, #tpu.memory_space<hbm>>
        tpu.enqueue_indirect_dma source(%dma_start3A_61 : memref<10000x128xf32, #tpu.memory_space<hbm>>) target(%arg11 : memref<125x128xf32, #tpu.memory_space<vmem>>) offsets(%dma_start3A_58 : memref<125xi32, #tpu.memory_space<vmem>>) semaphore(%arg15 : memref<!tpu.dma_semaphore, #tpu.memory_space<semaphore_mem>>)
        %dma_wait3A = arith.constant 0 : i32
        %dma_wait3A_62 = arith.constant 0 : i32
        %dma_wait3A_63 = tpu.memref_slice %arg8[%rem3A_39, %dma_wait3A, %dma_wait3A_62] : memref<2x16x125xi32, #tpu.memory_space<vmem>> -> memref<1x1x125xi32, #tpu.memory_space<vmem>>
        %dma_wait3A_64 = tpu.memref_squeeze %dma_wait3A_63 : memref<1x1x125xi32, #tpu.memory_space<vmem>> -> memref<125xi32, #tpu.memory_space<vmem>>
        %dma_wait3A_65 = arith.constant 0 : i32
        %dma_wait3A_66 = arith.constant 0 : i32
        %dma_wait3A_67 = tpu.memref_slice %arg3[%dma_wait3A_65, %dma_wait3A_66] : memref<10000x128xf32, #tpu.memory_space<hbm>> -> memref<10000x128xf32, #tpu.memory_space<hbm>>
        tpu.wait_indirect_dma semaphore(%arg14 : memref<!tpu.dma_semaphore, #tpu.memory_space<semaphore_mem>>) src(%dma_wait3A_67 : memref<10000x128xf32, #tpu.memory_space<hbm>>) dst(%arg10 : memref<125x128xf32, #tpu.memory_space<vmem>>)
        %run_scoped3A_68 = arith.constant 0 : i32
        "tpu.region"() ({
          %run_scoped3A_287 = tpu.sem_alloc : memref<!tpu.dma_semaphore, #tpu.memory_space<semaphore_mem>>
          %dma_start3A_288 = arith.constant 0 : i32
          %dma_start3A_289 = tpu.memref_slice %arg9[%rem3A_39, %run_scoped3A_68, %dma_start3A_288] : memref<2x16x125xi32, #tpu.memory_space<vmem>> -> memref<1x1x125xi32, #tpu.memory_space<vmem>>
          %dma_start3A_290 = tpu.memref_squeeze %dma_start3A_289 : memref<1x1x125xi32, #tpu.memory_space<vmem>> -> memref<125xi32, #tpu.memory_space<vmem>>
          %dma_start3A_291 = arith.constant 0 : i32
          %dma_start3A_292 = arith.constant 0 : i32
          %dma_start3A_293 = tpu.memref_slice %arg13[%dma_start3A_291, %dma_start3A_292] : memref<10240x128xf32, #tpu.memory_space<vmem_shared>> -> memref<10240x128xf32, #tpu.memory_space<vmem_shared>>
          tpu.enqueue_indirect_dma source(%arg10 : memref<125x128xf32, #tpu.memory_space<vmem>>) target(%dma_start3A_293 : memref<10240x128xf32, #tpu.memory_space<vmem_shared>>) offsets(%dma_start3A_290 : memref<125xi32, #tpu.memory_space<vmem>>) semaphore(%run_scoped3A_287 : memref<!tpu.dma_semaphore, #tpu.memory_space<semaphore_mem>>) {add = true}
          %dma_wait3A_294 = arith.constant 0 : i32
          %dma_wait3A_295 = tpu.memref_slice %arg9[%rem3A_39, %run_scoped3A_68, %dma_wait3A_294] : memref<2x16x125xi32, #tpu.memory_space<vmem>> -> memref<1x1x125xi32, #tpu.memory_space<vmem>>
          %dma_wait3A_296 = tpu.memref_squeeze %dma_wait3A_295 : memref<1x1x125xi32, #tpu.memory_space<vmem>> -> memref<125xi32, #tpu.memory_space<vmem>>
          %dma_wait3A_297 = arith.constant 0 : i32
          %dma_wait3A_298 = arith.constant 0 : i32
          %dma_wait3A_299 = tpu.memref_slice %arg13[%dma_wait3A_297, %dma_wait3A_298] : memref<10240x128xf32, #tpu.memory_space<vmem_shared>> -> memref<10240x128xf32, #tpu.memory_space<vmem_shared>>
          tpu.wait_indirect_dma semaphore(%run_scoped3A_287 : memref<!tpu.dma_semaphore, #tpu.memory_space<semaphore_mem>>) src(%arg10 : memref<125x128xf32, #tpu.memory_space<vmem>>) dst(%dma_wait3A_299 : memref<10240x128xf32, #tpu.memory_space<vmem_shared>>)
          tpu.yield
        }) : () -> ()
        %dma_start3A_69 = arith.constant 2 : i32
        %dma_start3A_70 = arith.constant 0 : i32
        %dma_start3A_71 = tpu.memref_slice %arg8[%rem3A_39, %dma_start3A_69, %dma_start3A_70] : memref<2x16x125xi32, #tpu.memory_space<vmem>> -> memref<1x1x125xi32, #tpu.memory_space<vmem>>
        %dma_start3A_72 = tpu.memref_squeeze %dma_start3A_71 : memref<1x1x125xi32, #tpu.memory_space<vmem>> -> memref<125xi32, #tpu.memory_space<vmem>>
        %dma_start3A_73 = arith.constant 0 : i32
        %dma_start3A_74 = arith.constant 0 : i32
        %dma_start3A_75 = tpu.memref_slice %arg3[%dma_start3A_73, %dma_start3A_74] : memref<10000x128xf32, #tpu.memory_space<hbm>> -> memref<10000x128xf32, #tpu.memory_space<hbm>>
        tpu.enqueue_indirect_dma source(%dma_start3A_75 : memref<10000x128xf32, #tpu.memory_space<hbm>>) target(%arg10 : memref<125x128xf32, #tpu.memory_space<vmem>>) offsets(%dma_start3A_72 : memref<125xi32, #tpu.memory_space<vmem>>) semaphore(%arg14 : memref<!tpu.dma_semaphore, #tpu.memory_space<semaphore_mem>>)
        %dma_wait3A_76 = arith.constant 1 : i32
        %dma_wait3A_77 = arith.constant 0 : i32
        %dma_wait3A_78 = tpu.memref_slice %arg8[%rem3A_39, %dma_wait3A_76, %dma_wait3A_77] : memref<2x16x125xi32, #tpu.memory_space<vmem>> -> memref<1x1x125xi32, #tpu.memory_space<vmem>>
        %dma_wait3A_79 = tpu.memref_squeeze %dma_wait3A_78 : memref<1x1x125xi32, #tpu.memory_space<vmem>> -> memref<125xi32, #tpu.memory_space<vmem>>
        %dma_wait3A_80 = arith.constant 0 : i32
        %dma_wait3A_81 = arith.constant 0 : i32
        %dma_wait3A_82 = tpu.memref_slice %arg3[%dma_wait3A_80, %dma_wait3A_81] : memref<10000x128xf32, #tpu.memory_space<hbm>> -> memref<10000x128xf32, #tpu.memory_space<hbm>>
        tpu.wait_indirect_dma semaphore(%arg15 : memref<!tpu.dma_semaphore, #tpu.memory_space<semaphore_mem>>) src(%dma_wait3A_82 : memref<10000x128xf32, #tpu.memory_space<hbm>>) dst(%arg11 : memref<125x128xf32, #tpu.memory_space<vmem>>)
        %run_scoped3A_83 = arith.constant 1 : i32
        "tpu.region"() ({
          %run_scoped3A_287 = tpu.sem_alloc : memref<!tpu.dma_semaphore, #tpu.memory_space<semaphore_mem>>
          %dma_start3A_288 = arith.constant 0 : i32
          %dma_start3A_289 = tpu.memref_slice %arg9[%rem3A_39, %run_scoped3A_83, %dma_start3A_288] : memref<2x16x125xi32, #tpu.memory_space<vmem>> -> memref<1x1x125xi32, #tpu.memory_space<vmem>>
          %dma_start3A_290 = tpu.memref_squeeze %dma_start3A_289 : memref<1x1x125xi32, #tpu.memory_space<vmem>> -> memref<125xi32, #tpu.memory_space<vmem>>
          %dma_start3A_291 = arith.constant 0 : i32
          %dma_start3A_292 = arith.constant 0 : i32
          %dma_start3A_293 = tpu.memref_slice %arg13[%dma_start3A_291, %dma_start3A_292] : memref<10240x128xf32, #tpu.memory_space<vmem_shared>> -> memref<10240x128xf32, #tpu.memory_space<vmem_shared>>
          tpu.enqueue_indirect_dma source(%arg11 : memref<125x128xf32, #tpu.memory_space<vmem>>) target(%dma_start3A_293 : memref<10240x128xf32, #tpu.memory_space<vmem_shared>>) offsets(%dma_start3A_290 : memref<125xi32, #tpu.memory_space<vmem>>) semaphore(%run_scoped3A_287 : memref<!tpu.dma_semaphore, #tpu.memory_space<semaphore_mem>>) {add = true}
          %dma_wait3A_294 = arith.constant 0 : i32
          %dma_wait3A_295 = tpu.memref_slice %arg9[%rem3A_39, %run_scoped3A_83, %dma_wait3A_294] : memref<2x16x125xi32, #tpu.memory_space<vmem>> -> memref<1x1x125xi32, #tpu.memory_space<vmem>>
          %dma_wait3A_296 = tpu.memref_squeeze %dma_wait3A_295 : memref<1x1x125xi32, #tpu.memory_space<vmem>> -> memref<125xi32, #tpu.memory_space<vmem>>
          %dma_wait3A_297 = arith.constant 0 : i32
          %dma_wait3A_298 = arith.constant 0 : i32
          %dma_wait3A_299 = tpu.memref_slice %arg13[%dma_wait3A_297, %dma_wait3A_298] : memref<10240x128xf32, #tpu.memory_space<vmem_shared>> -> memref<10240x128xf32, #tpu.memory_space<vmem_shared>>
          tpu.wait_indirect_dma semaphore(%run_scoped3A_287 : memref<!tpu.dma_semaphore, #tpu.memory_space<semaphore_mem>>) src(%arg11 : memref<125x128xf32, #tpu.memory_space<vmem>>) dst(%dma_wait3A_299 : memref<10240x128xf32, #tpu.memory_space<vmem_shared>>)
          tpu.yield
        }) : () -> ()
        %dma_start3A_84 = arith.constant 3 : i32
        %dma_start3A_85 = arith.constant 0 : i32
        %dma_start3A_86 = tpu.memref_slice %arg8[%rem3A_39, %dma_start3A_84, %dma_start3A_85] : memref<2x16x125xi32, #tpu.memory_space<vmem>> -> memref<1x1x125xi32, #tpu.memory_space<vmem>>
        %dma_start3A_87 = tpu.memref_squeeze %dma_start3A_86 : memref<1x1x125xi32, #tpu.memory_space<vmem>> -> memref<125xi32, #tpu.memory_space<vmem>>
        %dma_start3A_88 = arith.constant 0 : i32
        %dma_start3A_89 = arith.constant 0 : i32
        %dma_start3A_90 = tpu.memref_slice %arg3[%dma_start3A_88, %dma_start3A_89] : memref<10000x128xf32, #tpu.memory_space<hbm>> -> memref<10000x128xf32, #tpu.memory_space<hbm>>
        tpu.enqueue_indirect_dma source(%dma_start3A_90 : memref<10000x128xf32, #tpu.memory_space<hbm>>) target(%arg11 : memref<125x128xf32, #tpu.memory_space<vmem>>) offsets(%dma_start3A_87 : memref<125xi32, #tpu.memory_space<vmem>>) semaphore(%arg15 : memref<!tpu.dma_semaphore, #tpu.memory_space<semaphore_mem>>)
        %dma_wait3A_91 = arith.constant 2 : i32
        %dma_wait3A_92 = arith.constant 0 : i32
        %dma_wait3A_93 = tpu.memref_slice %arg8[%rem3A_39, %dma_wait3A_91, %dma_wait3A_92] : memref<2x16x125xi32, #tpu.memory_space<vmem>> -> memref<1x1x125xi32, #tpu.memory_space<vmem>>
        %dma_wait3A_94 = tpu.memref_squeeze %dma_wait3A_93 : memref<1x1x125xi32, #tpu.memory_space<vmem>> -> memref<125xi32, #tpu.memory_space<vmem>>
        %dma_wait3A_95 = arith.constant 0 : i32
        %dma_wait3A_96 = arith.constant 0 : i32
        %dma_wait3A_97 = tpu.memref_slice %arg3[%dma_wait3A_95, %dma_wait3A_96] : memref<10000x128xf32, #tpu.memory_space<hbm>> -> memref<10000x128xf32, #tpu.memory_space<hbm>>
        tpu.wait_indirect_dma semaphore(%arg14 : memref<!tpu.dma_semaphore, #tpu.memory_space<semaphore_mem>>) src(%dma_wait3A_97 : memref<10000x128xf32, #tpu.memory_space<hbm>>) dst(%arg10 : memref<125x128xf32, #tpu.memory_space<vmem>>)
        %run_scoped3A_98 = arith.constant 2 : i32
        "tpu.region"() ({
          %run_scoped3A_287 = tpu.sem_alloc : memref<!tpu.dma_semaphore, #tpu.memory_space<semaphore_mem>>
          %dma_start3A_288 = arith.constant 0 : i32
          %dma_start3A_289 = tpu.memref_slice %arg9[%rem3A_39, %run_scoped3A_98, %dma_start3A_288] : memref<2x16x125xi32, #tpu.memory_space<vmem>> -> memref<1x1x125xi32, #tpu.memory_space<vmem>>
          %dma_start3A_290 = tpu.memref_squeeze %dma_start3A_289 : memref<1x1x125xi32, #tpu.memory_space<vmem>> -> memref<125xi32, #tpu.memory_space<vmem>>
          %dma_start3A_291 = arith.constant 0 : i32
          %dma_start3A_292 = arith.constant 0 : i32
          %dma_start3A_293 = tpu.memref_slice %arg13[%dma_start3A_291, %dma_start3A_292] : memref<10240x128xf32, #tpu.memory_space<vmem_shared>> -> memref<10240x128xf32, #tpu.memory_space<vmem_shared>>
          tpu.enqueue_indirect_dma source(%arg10 : memref<125x128xf32, #tpu.memory_space<vmem>>) target(%dma_start3A_293 : memref<10240x128xf32, #tpu.memory_space<vmem_shared>>) offsets(%dma_start3A_290 : memref<125xi32, #tpu.memory_space<vmem>>) semaphore(%run_scoped3A_287 : memref<!tpu.dma_semaphore, #tpu.memory_space<semaphore_mem>>) {add = true}
          %dma_wait3A_294 = arith.constant 0 : i32
          %dma_wait3A_295 = tpu.memref_slice %arg9[%rem3A_39, %run_scoped3A_98, %dma_wait3A_294] : memref<2x16x125xi32, #tpu.memory_space<vmem>> -> memref<1x1x125xi32, #tpu.memory_space<vmem>>
          %dma_wait3A_296 = tpu.memref_squeeze %dma_wait3A_295 : memref<1x1x125xi32, #tpu.memory_space<vmem>> -> memref<125xi32, #tpu.memory_space<vmem>>
          %dma_wait3A_297 = arith.constant 0 : i32
          %dma_wait3A_298 = arith.constant 0 : i32
          %dma_wait3A_299 = tpu.memref_slice %arg13[%dma_wait3A_297, %dma_wait3A_298] : memref<10240x128xf32, #tpu.memory_space<vmem_shared>> -> memref<10240x128xf32, #tpu.memory_space<vmem_shared>>
          tpu.wait_indirect_dma semaphore(%run_scoped3A_287 : memref<!tpu.dma_semaphore, #tpu.memory_space<semaphore_mem>>) src(%arg10 : memref<125x128xf32, #tpu.memory_space<vmem>>) dst(%dma_wait3A_299 : memref<10240x128xf32, #tpu.memory_space<vmem_shared>>)
          tpu.yield
        }) : () -> ()
        %dma_start3A_99 = arith.constant 4 : i32
        %dma_start3A_100 = arith.constant 0 : i32
        %dma_start3A_101 = tpu.memref_slice %arg8[%rem3A_39, %dma_start3A_99, %dma_start3A_100] : memref<2x16x125xi32, #tpu.memory_space<vmem>> -> memref<1x1x125xi32, #tpu.memory_space<vmem>>
        %dma_start3A_102 = tpu.memref_squeeze %dma_start3A_101 : memref<1x1x125xi32, #tpu.memory_space<vmem>> -> memref<125xi32, #tpu.memory_space<vmem>>
        %dma_start3A_103 = arith.constant 0 : i32
        %dma_start3A_104 = arith.constant 0 : i32
        %dma_start3A_105 = tpu.memref_slice %arg3[%dma_start3A_103, %dma_start3A_104] : memref<10000x128xf32, #tpu.memory_space<hbm>> -> memref<10000x128xf32, #tpu.memory_space<hbm>>
        tpu.enqueue_indirect_dma source(%dma_start3A_105 : memref<10000x128xf32, #tpu.memory_space<hbm>>) target(%arg10 : memref<125x128xf32, #tpu.memory_space<vmem>>) offsets(%dma_start3A_102 : memref<125xi32, #tpu.memory_space<vmem>>) semaphore(%arg14 : memref<!tpu.dma_semaphore, #tpu.memory_space<semaphore_mem>>)
        %dma_wait3A_106 = arith.constant 3 : i32
        %dma_wait3A_107 = arith.constant 0 : i32
        %dma_wait3A_108 = tpu.memref_slice %arg8[%rem3A_39, %dma_wait3A_106, %dma_wait3A_107] : memref<2x16x125xi32, #tpu.memory_space<vmem>> -> memref<1x1x125xi32, #tpu.memory_space<vmem>>
        %dma_wait3A_109 = tpu.memref_squeeze %dma_wait3A_108 : memref<1x1x125xi32, #tpu.memory_space<vmem>> -> memref<125xi32, #tpu.memory_space<vmem>>
        %dma_wait3A_110 = arith.constant 0 : i32
        %dma_wait3A_111 = arith.constant 0 : i32
        %dma_wait3A_112 = tpu.memref_slice %arg3[%dma_wait3A_110, %dma_wait3A_111] : memref<10000x128xf32, #tpu.memory_space<hbm>> -> memref<10000x128xf32, #tpu.memory_space<hbm>>
        tpu.wait_indirect_dma semaphore(%arg15 : memref<!tpu.dma_semaphore, #tpu.memory_space<semaphore_mem>>) src(%dma_wait3A_112 : memref<10000x128xf32, #tpu.memory_space<hbm>>) dst(%arg11 : memref<125x128xf32, #tpu.memory_space<vmem>>)
        %run_scoped3A_113 = arith.constant 3 : i32
        "tpu.region"() ({
          %run_scoped3A_287 = tpu.sem_alloc : memref<!tpu.dma_semaphore, #tpu.memory_space<semaphore_mem>>
          %dma_start3A_288 = arith.constant 0 : i32
          %dma_start3A_289 = tpu.memref_slice %arg9[%rem3A_39, %run_scoped3A_113, %dma_start3A_288] : memref<2x16x125xi32, #tpu.memory_space<vmem>> -> memref<1x1x125xi32, #tpu.memory_space<vmem>>
          %dma_start3A_290 = tpu.memref_squeeze %dma_start3A_289 : memref<1x1x125xi32, #tpu.memory_space<vmem>> -> memref<125xi32, #tpu.memory_space<vmem>>
          %dma_start3A_291 = arith.constant 0 : i32
          %dma_start3A_292 = arith.constant 0 : i32
          %dma_start3A_293 = tpu.memref_slice %arg13[%dma_start3A_291, %dma_start3A_292] : memref<10240x128xf32, #tpu.memory_space<vmem_shared>> -> memref<10240x128xf32, #tpu.memory_space<vmem_shared>>
          tpu.enqueue_indirect_dma source(%arg11 : memref<125x128xf32, #tpu.memory_space<vmem>>) target(%dma_start3A_293 : memref<10240x128xf32, #tpu.memory_space<vmem_shared>>) offsets(%dma_start3A_290 : memref<125xi32, #tpu.memory_space<vmem>>) semaphore(%run_scoped3A_287 : memref<!tpu.dma_semaphore, #tpu.memory_space<semaphore_mem>>) {add = true}
          %dma_wait3A_294 = arith.constant 0 : i32
          %dma_wait3A_295 = tpu.memref_slice %arg9[%rem3A_39, %run_scoped3A_113, %dma_wait3A_294] : memref<2x16x125xi32, #tpu.memory_space<vmem>> -> memref<1x1x125xi32, #tpu.memory_space<vmem>>
          %dma_wait3A_296 = tpu.memref_squeeze %dma_wait3A_295 : memref<1x1x125xi32, #tpu.memory_space<vmem>> -> memref<125xi32, #tpu.memory_space<vmem>>
          %dma_wait3A_297 = arith.constant 0 : i32
          %dma_wait3A_298 = arith.constant 0 : i32
          %dma_wait3A_299 = tpu.memref_slice %arg13[%dma_wait3A_297, %dma_wait3A_298] : memref<10240x128xf32, #tpu.memory_space<vmem_shared>> -> memref<10240x128xf32, #tpu.memory_space<vmem_shared>>
          tpu.wait_indirect_dma semaphore(%run_scoped3A_287 : memref<!tpu.dma_semaphore, #tpu.memory_space<semaphore_mem>>) src(%arg11 : memref<125x128xf32, #tpu.memory_space<vmem>>) dst(%dma_wait3A_299 : memref<10240x128xf32, #tpu.memory_space<vmem_shared>>)
          tpu.yield
        }) : () -> ()
        %dma_start3A_114 = arith.constant 5 : i32
        %dma_start3A_115 = arith.constant 0 : i32
        %dma_start3A_116 = tpu.memref_slice %arg8[%rem3A_39, %dma_start3A_114, %dma_start3A_115] : memref<2x16x125xi32, #tpu.memory_space<vmem>> -> memref<1x1x125xi32, #tpu.memory_space<vmem>>
        %dma_start3A_117 = tpu.memref_squeeze %dma_start3A_116 : memref<1x1x125xi32, #tpu.memory_space<vmem>> -> memref<125xi32, #tpu.memory_space<vmem>>
        %dma_start3A_118 = arith.constant 0 : i32
        %dma_start3A_119 = arith.constant 0 : i32
        %dma_start3A_120 = tpu.memref_slice %arg3[%dma_start3A_118, %dma_start3A_119] : memref<10000x128xf32, #tpu.memory_space<hbm>> -> memref<10000x128xf32, #tpu.memory_space<hbm>>
        tpu.enqueue_indirect_dma source(%dma_start3A_120 : memref<10000x128xf32, #tpu.memory_space<hbm>>) target(%arg11 : memref<125x128xf32, #tpu.memory_space<vmem>>) offsets(%dma_start3A_117 : memref<125xi32, #tpu.memory_space<vmem>>) semaphore(%arg15 : memref<!tpu.dma_semaphore, #tpu.memory_space<semaphore_mem>>)
        %dma_wait3A_121 = arith.constant 4 : i32
        %dma_wait3A_122 = arith.constant 0 : i32
        %dma_wait3A_123 = tpu.memref_slice %arg8[%rem3A_39, %dma_wait3A_121, %dma_wait3A_122] : memref<2x16x125xi32, #tpu.memory_space<vmem>> -> memref<1x1x125xi32, #tpu.memory_space<vmem>>
        %dma_wait3A_124 = tpu.memref_squeeze %dma_wait3A_123 : memref<1x1x125xi32, #tpu.memory_space<vmem>> -> memref<125xi32, #tpu.memory_space<vmem>>
        %dma_wait3A_125 = arith.constant 0 : i32
        %dma_wait3A_126 = arith.constant 0 : i32
        %dma_wait3A_127 = tpu.memref_slice %arg3[%dma_wait3A_125, %dma_wait3A_126] : memref<10000x128xf32, #tpu.memory_space<hbm>> -> memref<10000x128xf32, #tpu.memory_space<hbm>>
        tpu.wait_indirect_dma semaphore(%arg14 : memref<!tpu.dma_semaphore, #tpu.memory_space<semaphore_mem>>) src(%dma_wait3A_127 : memref<10000x128xf32, #tpu.memory_space<hbm>>) dst(%arg10 : memref<125x128xf32, #tpu.memory_space<vmem>>)
        %run_scoped3A_128 = arith.constant 4 : i32
        "tpu.region"() ({
          %run_scoped3A_287 = tpu.sem_alloc : memref<!tpu.dma_semaphore, #tpu.memory_space<semaphore_mem>>
          %dma_start3A_288 = arith.constant 0 : i32
          %dma_start3A_289 = tpu.memref_slice %arg9[%rem3A_39, %run_scoped3A_128, %dma_start3A_288] : memref<2x16x125xi32, #tpu.memory_space<vmem>> -> memref<1x1x125xi32, #tpu.memory_space<vmem>>
          %dma_start3A_290 = tpu.memref_squeeze %dma_start3A_289 : memref<1x1x125xi32, #tpu.memory_space<vmem>> -> memref<125xi32, #tpu.memory_space<vmem>>
          %dma_start3A_291 = arith.constant 0 : i32
          %dma_start3A_292 = arith.constant 0 : i32
          %dma_start3A_293 = tpu.memref_slice %arg13[%dma_start3A_291, %dma_start3A_292] : memref<10240x128xf32, #tpu.memory_space<vmem_shared>> -> memref<10240x128xf32, #tpu.memory_space<vmem_shared>>
          tpu.enqueue_indirect_dma source(%arg10 : memref<125x128xf32, #tpu.memory_space<vmem>>) target(%dma_start3A_293 : memref<10240x128xf32, #tpu.memory_space<vmem_shared>>) offsets(%dma_start3A_290 : memref<125xi32, #tpu.memory_space<vmem>>) semaphore(%run_scoped3A_287 : memref<!tpu.dma_semaphore, #tpu.memory_space<semaphore_mem>>) {add = true}
          %dma_wait3A_294 = arith.constant 0 : i32
          %dma_wait3A_295 = tpu.memref_slice %arg9[%rem3A_39, %run_scoped3A_128, %dma_wait3A_294] : memref<2x16x125xi32, #tpu.memory_space<vmem>> -> memref<1x1x125xi32, #tpu.memory_space<vmem>>
          %dma_wait3A_296 = tpu.memref_squeeze %dma_wait3A_295 : memref<1x1x125xi32, #tpu.memory_space<vmem>> -> memref<125xi32, #tpu.memory_space<vmem>>
          %dma_wait3A_297 = arith.constant 0 : i32
          %dma_wait3A_298 = arith.constant 0 : i32
          %dma_wait3A_299 = tpu.memref_slice %arg13[%dma_wait3A_297, %dma_wait3A_298] : memref<10240x128xf32, #tpu.memory_space<vmem_shared>> -> memref<10240x128xf32, #tpu.memory_space<vmem_shared>>
          tpu.wait_indirect_dma semaphore(%run_scoped3A_287 : memref<!tpu.dma_semaphore, #tpu.memory_space<semaphore_mem>>) src(%arg10 : memref<125x128xf32, #tpu.memory_space<vmem>>) dst(%dma_wait3A_299 : memref<10240x128xf32, #tpu.memory_space<vmem_shared>>)
          tpu.yield
        }) : () -> ()
        %dma_start3A_129 = arith.constant 6 : i32
        %dma_start3A_130 = arith.constant 0 : i32
        %dma_start3A_131 = tpu.memref_slice %arg8[%rem3A_39, %dma_start3A_129, %dma_start3A_130] : memref<2x16x125xi32, #tpu.memory_space<vmem>> -> memref<1x1x125xi32, #tpu.memory_space<vmem>>
        %dma_start3A_132 = tpu.memref_squeeze %dma_start3A_131 : memref<1x1x125xi32, #tpu.memory_space<vmem>> -> memref<125xi32, #tpu.memory_space<vmem>>
        %dma_start3A_133 = arith.constant 0 : i32
        %dma_start3A_134 = arith.constant 0 : i32
        %dma_start3A_135 = tpu.memref_slice %arg3[%dma_start3A_133, %dma_start3A_134] : memref<10000x128xf32, #tpu.memory_space<hbm>> -> memref<10000x128xf32, #tpu.memory_space<hbm>>
        tpu.enqueue_indirect_dma source(%dma_start3A_135 : memref<10000x128xf32, #tpu.memory_space<hbm>>) target(%arg10 : memref<125x128xf32, #tpu.memory_space<vmem>>) offsets(%dma_start3A_132 : memref<125xi32, #tpu.memory_space<vmem>>) semaphore(%arg14 : memref<!tpu.dma_semaphore, #tpu.memory_space<semaphore_mem>>)
        %dma_wait3A_136 = arith.constant 5 : i32
        %dma_wait3A_137 = arith.constant 0 : i32
        %dma_wait3A_138 = tpu.memref_slice %arg8[%rem3A_39, %dma_wait3A_136, %dma_wait3A_137] : memref<2x16x125xi32, #tpu.memory_space<vmem>> -> memref<1x1x125xi32, #tpu.memory_space<vmem>>
        %dma_wait3A_139 = tpu.memref_squeeze %dma_wait3A_138 : memref<1x1x125xi32, #tpu.memory_space<vmem>> -> memref<125xi32, #tpu.memory_space<vmem>>
        %dma_wait3A_140 = arith.constant 0 : i32
        %dma_wait3A_141 = arith.constant 0 : i32
        %dma_wait3A_142 = tpu.memref_slice %arg3[%dma_wait3A_140, %dma_wait3A_141] : memref<10000x128xf32, #tpu.memory_space<hbm>> -> memref<10000x128xf32, #tpu.memory_space<hbm>>
        tpu.wait_indirect_dma semaphore(%arg15 : memref<!tpu.dma_semaphore, #tpu.memory_space<semaphore_mem>>) src(%dma_wait3A_142 : memref<10000x128xf32, #tpu.memory_space<hbm>>) dst(%arg11 : memref<125x128xf32, #tpu.memory_space<vmem>>)
        %run_scoped3A_143 = arith.constant 5 : i32
        "tpu.region"() ({
          %run_scoped3A_287 = tpu.sem_alloc : memref<!tpu.dma_semaphore, #tpu.memory_space<semaphore_mem>>
          %dma_start3A_288 = arith.constant 0 : i32
          %dma_start3A_289 = tpu.memref_slice %arg9[%rem3A_39, %run_scoped3A_143, %dma_start3A_288] : memref<2x16x125xi32, #tpu.memory_space<vmem>> -> memref<1x1x125xi32, #tpu.memory_space<vmem>>
          %dma_start3A_290 = tpu.memref_squeeze %dma_start3A_289 : memref<1x1x125xi32, #tpu.memory_space<vmem>> -> memref<125xi32, #tpu.memory_space<vmem>>
          %dma_start3A_291 = arith.constant 0 : i32
          %dma_start3A_292 = arith.constant 0 : i32
          %dma_start3A_293 = tpu.memref_slice %arg13[%dma_start3A_291, %dma_start3A_292] : memref<10240x128xf32, #tpu.memory_space<vmem_shared>> -> memref<10240x128xf32, #tpu.memory_space<vmem_shared>>
          tpu.enqueue_indirect_dma source(%arg11 : memref<125x128xf32, #tpu.memory_space<vmem>>) target(%dma_start3A_293 : memref<10240x128xf32, #tpu.memory_space<vmem_shared>>) offsets(%dma_start3A_290 : memref<125xi32, #tpu.memory_space<vmem>>) semaphore(%run_scoped3A_287 : memref<!tpu.dma_semaphore, #tpu.memory_space<semaphore_mem>>) {add = true}
          %dma_wait3A_294 = arith.constant 0 : i32
          %dma_wait3A_295 = tpu.memref_slice %arg9[%rem3A_39, %run_scoped3A_143, %dma_wait3A_294] : memref<2x16x125xi32, #tpu.memory_space<vmem>> -> memref<1x1x125xi32, #tpu.memory_space<vmem>>
          %dma_wait3A_296 = tpu.memref_squeeze %dma_wait3A_295 : memref<1x1x125xi32, #tpu.memory_space<vmem>> -> memref<125xi32, #tpu.memory_space<vmem>>
          %dma_wait3A_297 = arith.constant 0 : i32
          %dma_wait3A_298 = arith.constant 0 : i32
          %dma_wait3A_299 = tpu.memref_slice %arg13[%dma_wait3A_297, %dma_wait3A_298] : memref<10240x128xf32, #tpu.memory_space<vmem_shared>> -> memref<10240x128xf32, #tpu.memory_space<vmem_shared>>
          tpu.wait_indirect_dma semaphore(%run_scoped3A_287 : memref<!tpu.dma_semaphore, #tpu.memory_space<semaphore_mem>>) src(%arg11 : memref<125x128xf32, #tpu.memory_space<vmem>>) dst(%dma_wait3A_299 : memref<10240x128xf32, #tpu.memory_space<vmem_shared>>)
          tpu.yield
        }) : () -> ()
        %dma_start3A_144 = arith.constant 7 : i32
        %dma_start3A_145 = arith.constant 0 : i32
        %dma_start3A_146 = tpu.memref_slice %arg8[%rem3A_39, %dma_start3A_144, %dma_start3A_145] : memref<2x16x125xi32, #tpu.memory_space<vmem>> -> memref<1x1x125xi32, #tpu.memory_space<vmem>>
        %dma_start3A_147 = tpu.memref_squeeze %dma_start3A_146 : memref<1x1x125xi32, #tpu.memory_space<vmem>> -> memref<125xi32, #tpu.memory_space<vmem>>
        %dma_start3A_148 = arith.constant 0 : i32
        %dma_start3A_149 = arith.constant 0 : i32
        %dma_start3A_150 = tpu.memref_slice %arg3[%dma_start3A_148, %dma_start3A_149] : memref<10000x128xf32, #tpu.memory_space<hbm>> -> memref<10000x128xf32, #tpu.memory_space<hbm>>
        tpu.enqueue_indirect_dma source(%dma_start3A_150 : memref<10000x128xf32, #tpu.memory_space<hbm>>) target(%arg11 : memref<125x128xf32, #tpu.memory_space<vmem>>) offsets(%dma_start3A_147 : memref<125xi32, #tpu.memory_space<vmem>>) semaphore(%arg15 : memref<!tpu.dma_semaphore, #tpu.memory_space<semaphore_mem>>)
        %dma_wait3A_151 = arith.constant 6 : i32
        %dma_wait3A_152 = arith.constant 0 : i32
        %dma_wait3A_153 = tpu.memref_slice %arg8[%rem3A_39, %dma_wait3A_151, %dma_wait3A_152] : memref<2x16x125xi32, #tpu.memory_space<vmem>> -> memref<1x1x125xi32, #tpu.memory_space<vmem>>
        %dma_wait3A_154 = tpu.memref_squeeze %dma_wait3A_153 : memref<1x1x125xi32, #tpu.memory_space<vmem>> -> memref<125xi32, #tpu.memory_space<vmem>>
        %dma_wait3A_155 = arith.constant 0 : i32
        %dma_wait3A_156 = arith.constant 0 : i32
        %dma_wait3A_157 = tpu.memref_slice %arg3[%dma_wait3A_155, %dma_wait3A_156] : memref<10000x128xf32, #tpu.memory_space<hbm>> -> memref<10000x128xf32, #tpu.memory_space<hbm>>
        tpu.wait_indirect_dma semaphore(%arg14 : memref<!tpu.dma_semaphore, #tpu.memory_space<semaphore_mem>>) src(%dma_wait3A_157 : memref<10000x128xf32, #tpu.memory_space<hbm>>) dst(%arg10 : memref<125x128xf32, #tpu.memory_space<vmem>>)
        %run_scoped3A_158 = arith.constant 6 : i32
        "tpu.region"() ({
          %run_scoped3A_287 = tpu.sem_alloc : memref<!tpu.dma_semaphore, #tpu.memory_space<semaphore_mem>>
          %dma_start3A_288 = arith.constant 0 : i32
          %dma_start3A_289 = tpu.memref_slice %arg9[%rem3A_39, %run_scoped3A_158, %dma_start3A_288] : memref<2x16x125xi32, #tpu.memory_space<vmem>> -> memref<1x1x125xi32, #tpu.memory_space<vmem>>
          %dma_start3A_290 = tpu.memref_squeeze %dma_start3A_289 : memref<1x1x125xi32, #tpu.memory_space<vmem>> -> memref<125xi32, #tpu.memory_space<vmem>>
          %dma_start3A_291 = arith.constant 0 : i32
          %dma_start3A_292 = arith.constant 0 : i32
          %dma_start3A_293 = tpu.memref_slice %arg13[%dma_start3A_291, %dma_start3A_292] : memref<10240x128xf32, #tpu.memory_space<vmem_shared>> -> memref<10240x128xf32, #tpu.memory_space<vmem_shared>>
          tpu.enqueue_indirect_dma source(%arg10 : memref<125x128xf32, #tpu.memory_space<vmem>>) target(%dma_start3A_293 : memref<10240x128xf32, #tpu.memory_space<vmem_shared>>) offsets(%dma_start3A_290 : memref<125xi32, #tpu.memory_space<vmem>>) semaphore(%run_scoped3A_287 : memref<!tpu.dma_semaphore, #tpu.memory_space<semaphore_mem>>) {add = true}
          %dma_wait3A_294 = arith.constant 0 : i32
          %dma_wait3A_295 = tpu.memref_slice %arg9[%rem3A_39, %run_scoped3A_158, %dma_wait3A_294] : memref<2x16x125xi32, #tpu.memory_space<vmem>> -> memref<1x1x125xi32, #tpu.memory_space<vmem>>
          %dma_wait3A_296 = tpu.memref_squeeze %dma_wait3A_295 : memref<1x1x125xi32, #tpu.memory_space<vmem>> -> memref<125xi32, #tpu.memory_space<vmem>>
          %dma_wait3A_297 = arith.constant 0 : i32
          %dma_wait3A_298 = arith.constant 0 : i32
          %dma_wait3A_299 = tpu.memref_slice %arg13[%dma_wait3A_297, %dma_wait3A_298] : memref<10240x128xf32, #tpu.memory_space<vmem_shared>> -> memref<10240x128xf32, #tpu.memory_space<vmem_shared>>
          tpu.wait_indirect_dma semaphore(%run_scoped3A_287 : memref<!tpu.dma_semaphore, #tpu.memory_space<semaphore_mem>>) src(%arg10 : memref<125x128xf32, #tpu.memory_space<vmem>>) dst(%dma_wait3A_299 : memref<10240x128xf32, #tpu.memory_space<vmem_shared>>)
          tpu.yield
        }) : () -> ()
        %dma_start3A_159 = arith.constant 8 : i32
        %dma_start3A_160 = arith.constant 0 : i32
        %dma_start3A_161 = tpu.memref_slice %arg8[%rem3A_39, %dma_start3A_159, %dma_start3A_160] : memref<2x16x125xi32, #tpu.memory_space<vmem>> -> memref<1x1x125xi32, #tpu.memory_space<vmem>>
        %dma_start3A_162 = tpu.memref_squeeze %dma_start3A_161 : memref<1x1x125xi32, #tpu.memory_space<vmem>> -> memref<125xi32, #tpu.memory_space<vmem>>
        %dma_start3A_163 = arith.constant 0 : i32
        %dma_start3A_164 = arith.constant 0 : i32
        %dma_start3A_165 = tpu.memref_slice %arg3[%dma_start3A_163, %dma_start3A_164] : memref<10000x128xf32, #tpu.memory_space<hbm>> -> memref<10000x128xf32, #tpu.memory_space<hbm>>
        tpu.enqueue_indirect_dma source(%dma_start3A_165 : memref<10000x128xf32, #tpu.memory_space<hbm>>) target(%arg10 : memref<125x128xf32, #tpu.memory_space<vmem>>) offsets(%dma_start3A_162 : memref<125xi32, #tpu.memory_space<vmem>>) semaphore(%arg14 : memref<!tpu.dma_semaphore, #tpu.memory_space<semaphore_mem>>)
        %dma_wait3A_166 = arith.constant 7 : i32
        %dma_wait3A_167 = arith.constant 0 : i32
        %dma_wait3A_168 = tpu.memref_slice %arg8[%rem3A_39, %dma_wait3A_166, %dma_wait3A_167] : memref<2x16x125xi32, #tpu.memory_space<vmem>> -> memref<1x1x125xi32, #tpu.memory_space<vmem>>
        %dma_wait3A_169 = tpu.memref_squeeze %dma_wait3A_168 : memref<1x1x125xi32, #tpu.memory_space<vmem>> -> memref<125xi32, #tpu.memory_space<vmem>>
        %dma_wait3A_170 = arith.constant 0 : i32
        %dma_wait3A_171 = arith.constant 0 : i32
        %dma_wait3A_172 = tpu.memref_slice %arg3[%dma_wait3A_170, %dma_wait3A_171] : memref<10000x128xf32, #tpu.memory_space<hbm>> -> memref<10000x128xf32, #tpu.memory_space<hbm>>
        tpu.wait_indirect_dma semaphore(%arg15 : memref<!tpu.dma_semaphore, #tpu.memory_space<semaphore_mem>>) src(%dma_wait3A_172 : memref<10000x128xf32, #tpu.memory_space<hbm>>) dst(%arg11 : memref<125x128xf32, #tpu.memory_space<vmem>>)
        %run_scoped3A_173 = arith.constant 7 : i32
        "tpu.region"() ({
          %run_scoped3A_287 = tpu.sem_alloc : memref<!tpu.dma_semaphore, #tpu.memory_space<semaphore_mem>>
          %dma_start3A_288 = arith.constant 0 : i32
          %dma_start3A_289 = tpu.memref_slice %arg9[%rem3A_39, %run_scoped3A_173, %dma_start3A_288] : memref<2x16x125xi32, #tpu.memory_space<vmem>> -> memref<1x1x125xi32, #tpu.memory_space<vmem>>
          %dma_start3A_290 = tpu.memref_squeeze %dma_start3A_289 : memref<1x1x125xi32, #tpu.memory_space<vmem>> -> memref<125xi32, #tpu.memory_space<vmem>>
          %dma_start3A_291 = arith.constant 0 : i32
          %dma_start3A_292 = arith.constant 0 : i32
          %dma_start3A_293 = tpu.memref_slice %arg13[%dma_start3A_291, %dma_start3A_292] : memref<10240x128xf32, #tpu.memory_space<vmem_shared>> -> memref<10240x128xf32, #tpu.memory_space<vmem_shared>>
          tpu.enqueue_indirect_dma source(%arg11 : memref<125x128xf32, #tpu.memory_space<vmem>>) target(%dma_start3A_293 : memref<10240x128xf32, #tpu.memory_space<vmem_shared>>) offsets(%dma_start3A_290 : memref<125xi32, #tpu.memory_space<vmem>>) semaphore(%run_scoped3A_287 : memref<!tpu.dma_semaphore, #tpu.memory_space<semaphore_mem>>) {add = true}
          %dma_wait3A_294 = arith.constant 0 : i32
          %dma_wait3A_295 = tpu.memref_slice %arg9[%rem3A_39, %run_scoped3A_173, %dma_wait3A_294] : memref<2x16x125xi32, #tpu.memory_space<vmem>> -> memref<1x1x125xi32, #tpu.memory_space<vmem>>
          %dma_wait3A_296 = tpu.memref_squeeze %dma_wait3A_295 : memref<1x1x125xi32, #tpu.memory_space<vmem>> -> memref<125xi32, #tpu.memory_space<vmem>>
          %dma_wait3A_297 = arith.constant 0 : i32
          %dma_wait3A_298 = arith.constant 0 : i32
          %dma_wait3A_299 = tpu.memref_slice %arg13[%dma_wait3A_297, %dma_wait3A_298] : memref<10240x128xf32, #tpu.memory_space<vmem_shared>> -> memref<10240x128xf32, #tpu.memory_space<vmem_shared>>
          tpu.wait_indirect_dma semaphore(%run_scoped3A_287 : memref<!tpu.dma_semaphore, #tpu.memory_space<semaphore_mem>>) src(%arg11 : memref<125x128xf32, #tpu.memory_space<vmem>>) dst(%dma_wait3A_299 : memref<10240x128xf32, #tpu.memory_space<vmem_shared>>)
          tpu.yield
        }) : () -> ()
        %dma_start3A_174 = arith.constant 9 : i32
        %dma_start3A_175 = arith.constant 0 : i32
        %dma_start3A_176 = tpu.memref_slice %arg8[%rem3A_39, %dma_start3A_174, %dma_start3A_175] : memref<2x16x125xi32, #tpu.memory_space<vmem>> -> memref<1x1x125xi32, #tpu.memory_space<vmem>>
        %dma_start3A_177 = tpu.memref_squeeze %dma_start3A_176 : memref<1x1x125xi32, #tpu.memory_space<vmem>> -> memref<125xi32, #tpu.memory_space<vmem>>
        %dma_start3A_178 = arith.constant 0 : i32
        %dma_start3A_179 = arith.constant 0 : i32
        %dma_start3A_180 = tpu.memref_slice %arg3[%dma_start3A_178, %dma_start3A_179] : memref<10000x128xf32, #tpu.memory_space<hbm>> -> memref<10000x128xf32, #tpu.memory_space<hbm>>
        tpu.enqueue_indirect_dma source(%dma_start3A_180 : memref<10000x128xf32, #tpu.memory_space<hbm>>) target(%arg11 : memref<125x128xf32, #tpu.memory_space<vmem>>) offsets(%dma_start3A_177 : memref<125xi32, #tpu.memory_space<vmem>>) semaphore(%arg15 : memref<!tpu.dma_semaphore, #tpu.memory_space<semaphore_mem>>)
        %dma_wait3A_181 = arith.constant 8 : i32
        %dma_wait3A_182 = arith.constant 0 : i32
        %dma_wait3A_183 = tpu.memref_slice %arg8[%rem3A_39, %dma_wait3A_181, %dma_wait3A_182] : memref<2x16x125xi32, #tpu.memory_space<vmem>> -> memref<1x1x125xi32, #tpu.memory_space<vmem>>
        %dma_wait3A_184 = tpu.memref_squeeze %dma_wait3A_183 : memref<1x1x125xi32, #tpu.memory_space<vmem>> -> memref<125xi32, #tpu.memory_space<vmem>>
        %dma_wait3A_185 = arith.constant 0 : i32
        %dma_wait3A_186 = arith.constant 0 : i32
        %dma_wait3A_187 = tpu.memref_slice %arg3[%dma_wait3A_185, %dma_wait3A_186] : memref<10000x128xf32, #tpu.memory_space<hbm>> -> memref<10000x128xf32, #tpu.memory_space<hbm>>
        tpu.wait_indirect_dma semaphore(%arg14 : memref<!tpu.dma_semaphore, #tpu.memory_space<semaphore_mem>>) src(%dma_wait3A_187 : memref<10000x128xf32, #tpu.memory_space<hbm>>) dst(%arg10 : memref<125x128xf32, #tpu.memory_space<vmem>>)
        %run_scoped3A_188 = arith.constant 8 : i32
        "tpu.region"() ({
          %run_scoped3A_287 = tpu.sem_alloc : memref<!tpu.dma_semaphore, #tpu.memory_space<semaphore_mem>>
          %dma_start3A_288 = arith.constant 0 : i32
          %dma_start3A_289 = tpu.memref_slice %arg9[%rem3A_39, %run_scoped3A_188, %dma_start3A_288] : memref<2x16x125xi32, #tpu.memory_space<vmem>> -> memref<1x1x125xi32, #tpu.memory_space<vmem>>
          %dma_start3A_290 = tpu.memref_squeeze %dma_start3A_289 : memref<1x1x125xi32, #tpu.memory_space<vmem>> -> memref<125xi32, #tpu.memory_space<vmem>>
          %dma_start3A_291 = arith.constant 0 : i32
          %dma_start3A_292 = arith.constant 0 : i32
          %dma_start3A_293 = tpu.memref_slice %arg13[%dma_start3A_291, %dma_start3A_292] : memref<10240x128xf32, #tpu.memory_space<vmem_shared>> -> memref<10240x128xf32, #tpu.memory_space<vmem_shared>>
          tpu.enqueue_indirect_dma source(%arg10 : memref<125x128xf32, #tpu.memory_space<vmem>>) target(%dma_start3A_293 : memref<10240x128xf32, #tpu.memory_space<vmem_shared>>) offsets(%dma_start3A_290 : memref<125xi32, #tpu.memory_space<vmem>>) semaphore(%run_scoped3A_287 : memref<!tpu.dma_semaphore, #tpu.memory_space<semaphore_mem>>) {add = true}
          %dma_wait3A_294 = arith.constant 0 : i32
          %dma_wait3A_295 = tpu.memref_slice %arg9[%rem3A_39, %run_scoped3A_188, %dma_wait3A_294] : memref<2x16x125xi32, #tpu.memory_space<vmem>> -> memref<1x1x125xi32, #tpu.memory_space<vmem>>
          %dma_wait3A_296 = tpu.memref_squeeze %dma_wait3A_295 : memref<1x1x125xi32, #tpu.memory_space<vmem>> -> memref<125xi32, #tpu.memory_space<vmem>>
          %dma_wait3A_297 = arith.constant 0 : i32
          %dma_wait3A_298 = arith.constant 0 : i32
          %dma_wait3A_299 = tpu.memref_slice %arg13[%dma_wait3A_297, %dma_wait3A_298] : memref<10240x128xf32, #tpu.memory_space<vmem_shared>> -> memref<10240x128xf32, #tpu.memory_space<vmem_shared>>
          tpu.wait_indirect_dma semaphore(%run_scoped3A_287 : memref<!tpu.dma_semaphore, #tpu.memory_space<semaphore_mem>>) src(%arg10 : memref<125x128xf32, #tpu.memory_space<vmem>>) dst(%dma_wait3A_299 : memref<10240x128xf32, #tpu.memory_space<vmem_shared>>)
          tpu.yield
        }) : () -> ()
        %dma_start3A_189 = arith.constant 10 : i32
        %dma_start3A_190 = arith.constant 0 : i32
        %dma_start3A_191 = tpu.memref_slice %arg8[%rem3A_39, %dma_start3A_189, %dma_start3A_190] : memref<2x16x125xi32, #tpu.memory_space<vmem>> -> memref<1x1x125xi32, #tpu.memory_space<vmem>>
        %dma_start3A_192 = tpu.memref_squeeze %dma_start3A_191 : memref<1x1x125xi32, #tpu.memory_space<vmem>> -> memref<125xi32, #tpu.memory_space<vmem>>
        %dma_start3A_193 = arith.constant 0 : i32
        %dma_start3A_194 = arith.constant 0 : i32
        %dma_start3A_195 = tpu.memref_slice %arg3[%dma_start3A_193, %dma_start3A_194] : memref<10000x128xf32, #tpu.memory_space<hbm>> -> memref<10000x128xf32, #tpu.memory_space<hbm>>
        tpu.enqueue_indirect_dma source(%dma_start3A_195 : memref<10000x128xf32, #tpu.memory_space<hbm>>) target(%arg10 : memref<125x128xf32, #tpu.memory_space<vmem>>) offsets(%dma_start3A_192 : memref<125xi32, #tpu.memory_space<vmem>>) semaphore(%arg14 : memref<!tpu.dma_semaphore, #tpu.memory_space<semaphore_mem>>)
        %dma_wait3A_196 = arith.constant 9 : i32
        %dma_wait3A_197 = arith.constant 0 : i32
        %dma_wait3A_198 = tpu.memref_slice %arg8[%rem3A_39, %dma_wait3A_196, %dma_wait3A_197] : memref<2x16x125xi32, #tpu.memory_space<vmem>> -> memref<1x1x125xi32, #tpu.memory_space<vmem>>
        %dma_wait3A_199 = tpu.memref_squeeze %dma_wait3A_198 : memref<1x1x125xi32, #tpu.memory_space<vmem>> -> memref<125xi32, #tpu.memory_space<vmem>>
        %dma_wait3A_200 = arith.constant 0 : i32
        %dma_wait3A_201 = arith.constant 0 : i32
        %dma_wait3A_202 = tpu.memref_slice %arg3[%dma_wait3A_200, %dma_wait3A_201] : memref<10000x128xf32, #tpu.memory_space<hbm>> -> memref<10000x128xf32, #tpu.memory_space<hbm>>
        tpu.wait_indirect_dma semaphore(%arg15 : memref<!tpu.dma_semaphore, #tpu.memory_space<semaphore_mem>>) src(%dma_wait3A_202 : memref<10000x128xf32, #tpu.memory_space<hbm>>) dst(%arg11 : memref<125x128xf32, #tpu.memory_space<vmem>>)
        %run_scoped3A_203 = arith.constant 9 : i32
        "tpu.region"() ({
          %run_scoped3A_287 = tpu.sem_alloc : memref<!tpu.dma_semaphore, #tpu.memory_space<semaphore_mem>>
          %dma_start3A_288 = arith.constant 0 : i32
          %dma_start3A_289 = tpu.memref_slice %arg9[%rem3A_39, %run_scoped3A_203, %dma_start3A_288] : memref<2x16x125xi32, #tpu.memory_space<vmem>> -> memref<1x1x125xi32, #tpu.memory_space<vmem>>
          %dma_start3A_290 = tpu.memref_squeeze %dma_start3A_289 : memref<1x1x125xi32, #tpu.memory_space<vmem>> -> memref<125xi32, #tpu.memory_space<vmem>>
          %dma_start3A_291 = arith.constant 0 : i32
          %dma_start3A_292 = arith.constant 0 : i32
          %dma_start3A_293 = tpu.memref_slice %arg13[%dma_start3A_291, %dma_start3A_292] : memref<10240x128xf32, #tpu.memory_space<vmem_shared>> -> memref<10240x128xf32, #tpu.memory_space<vmem_shared>>
          tpu.enqueue_indirect_dma source(%arg11 : memref<125x128xf32, #tpu.memory_space<vmem>>) target(%dma_start3A_293 : memref<10240x128xf32, #tpu.memory_space<vmem_shared>>) offsets(%dma_start3A_290 : memref<125xi32, #tpu.memory_space<vmem>>) semaphore(%run_scoped3A_287 : memref<!tpu.dma_semaphore, #tpu.memory_space<semaphore_mem>>) {add = true}
          %dma_wait3A_294 = arith.constant 0 : i32
          %dma_wait3A_295 = tpu.memref_slice %arg9[%rem3A_39, %run_scoped3A_203, %dma_wait3A_294] : memref<2x16x125xi32, #tpu.memory_space<vmem>> -> memref<1x1x125xi32, #tpu.memory_space<vmem>>
          %dma_wait3A_296 = tpu.memref_squeeze %dma_wait3A_295 : memref<1x1x125xi32, #tpu.memory_space<vmem>> -> memref<125xi32, #tpu.memory_space<vmem>>
          %dma_wait3A_297 = arith.constant 0 : i32
          %dma_wait3A_298 = arith.constant 0 : i32
          %dma_wait3A_299 = tpu.memref_slice %arg13[%dma_wait3A_297, %dma_wait3A_298] : memref<10240x128xf32, #tpu.memory_space<vmem_shared>> -> memref<10240x128xf32, #tpu.memory_space<vmem_shared>>
          tpu.wait_indirect_dma semaphore(%run_scoped3A_287 : memref<!tpu.dma_semaphore, #tpu.memory_space<semaphore_mem>>) src(%arg11 : memref<125x128xf32, #tpu.memory_space<vmem>>) dst(%dma_wait3A_299 : memref<10240x128xf32, #tpu.memory_space<vmem_shared>>)
          tpu.yield
        }) : () -> ()
        %dma_start3A_204 = arith.constant 11 : i32
        %dma_start3A_205 = arith.constant 0 : i32
        %dma_start3A_206 = tpu.memref_slice %arg8[%rem3A_39, %dma_start3A_204, %dma_start3A_205] : memref<2x16x125xi32, #tpu.memory_space<vmem>> -> memref<1x1x125xi32, #tpu.memory_space<vmem>>
        %dma_start3A_207 = tpu.memref_squeeze %dma_start3A_206 : memref<1x1x125xi32, #tpu.memory_space<vmem>> -> memref<125xi32, #tpu.memory_space<vmem>>
        %dma_start3A_208 = arith.constant 0 : i32
        %dma_start3A_209 = arith.constant 0 : i32
        %dma_start3A_210 = tpu.memref_slice %arg3[%dma_start3A_208, %dma_start3A_209] : memref<10000x128xf32, #tpu.memory_space<hbm>> -> memref<10000x128xf32, #tpu.memory_space<hbm>>
        tpu.enqueue_indirect_dma source(%dma_start3A_210 : memref<10000x128xf32, #tpu.memory_space<hbm>>) target(%arg11 : memref<125x128xf32, #tpu.memory_space<vmem>>) offsets(%dma_start3A_207 : memref<125xi32, #tpu.memory_space<vmem>>) semaphore(%arg15 : memref<!tpu.dma_semaphore, #tpu.memory_space<semaphore_mem>>)
        %dma_wait3A_211 = arith.constant 10 : i32
        %dma_wait3A_212 = arith.constant 0 : i32
        %dma_wait3A_213 = tpu.memref_slice %arg8[%rem3A_39, %dma_wait3A_211, %dma_wait3A_212] : memref<2x16x125xi32, #tpu.memory_space<vmem>> -> memref<1x1x125xi32, #tpu.memory_space<vmem>>
        %dma_wait3A_214 = tpu.memref_squeeze %dma_wait3A_213 : memref<1x1x125xi32, #tpu.memory_space<vmem>> -> memref<125xi32, #tpu.memory_space<vmem>>
        %dma_wait3A_215 = arith.constant 0 : i32
        %dma_wait3A_216 = arith.constant 0 : i32
        %dma_wait3A_217 = tpu.memref_slice %arg3[%dma_wait3A_215, %dma_wait3A_216] : memref<10000x128xf32, #tpu.memory_space<hbm>> -> memref<10000x128xf32, #tpu.memory_space<hbm>>
        tpu.wait_indirect_dma semaphore(%arg14 : memref<!tpu.dma_semaphore, #tpu.memory_space<semaphore_mem>>) src(%dma_wait3A_217 : memref<10000x128xf32, #tpu.memory_space<hbm>>) dst(%arg10 : memref<125x128xf32, #tpu.memory_space<vmem>>)
        %run_scoped3A_218 = arith.constant 10 : i32
        "tpu.region"() ({
          %run_scoped3A_287 = tpu.sem_alloc : memref<!tpu.dma_semaphore, #tpu.memory_space<semaphore_mem>>
          %dma_start3A_288 = arith.constant 0 : i32
          %dma_start3A_289 = tpu.memref_slice %arg9[%rem3A_39, %run_scoped3A_218, %dma_start3A_288] : memref<2x16x125xi32, #tpu.memory_space<vmem>> -> memref<1x1x125xi32, #tpu.memory_space<vmem>>
          %dma_start3A_290 = tpu.memref_squeeze %dma_start3A_289 : memref<1x1x125xi32, #tpu.memory_space<vmem>> -> memref<125xi32, #tpu.memory_space<vmem>>
          %dma_start3A_291 = arith.constant 0 : i32
          %dma_start3A_292 = arith.constant 0 : i32
          %dma_start3A_293 = tpu.memref_slice %arg13[%dma_start3A_291, %dma_start3A_292] : memref<10240x128xf32, #tpu.memory_space<vmem_shared>> -> memref<10240x128xf32, #tpu.memory_space<vmem_shared>>
          tpu.enqueue_indirect_dma source(%arg10 : memref<125x128xf32, #tpu.memory_space<vmem>>) target(%dma_start3A_293 : memref<10240x128xf32, #tpu.memory_space<vmem_shared>>) offsets(%dma_start3A_290 : memref<125xi32, #tpu.memory_space<vmem>>) semaphore(%run_scoped3A_287 : memref<!tpu.dma_semaphore, #tpu.memory_space<semaphore_mem>>) {add = true}
          %dma_wait3A_294 = arith.constant 0 : i32
          %dma_wait3A_295 = tpu.memref_slice %arg9[%rem3A_39, %run_scoped3A_218, %dma_wait3A_294] : memref<2x16x125xi32, #tpu.memory_space<vmem>> -> memref<1x1x125xi32, #tpu.memory_space<vmem>>
          %dma_wait3A_296 = tpu.memref_squeeze %dma_wait3A_295 : memref<1x1x125xi32, #tpu.memory_space<vmem>> -> memref<125xi32, #tpu.memory_space<vmem>>
          %dma_wait3A_297 = arith.constant 0 : i32
          %dma_wait3A_298 = arith.constant 0 : i32
          %dma_wait3A_299 = tpu.memref_slice %arg13[%dma_wait3A_297, %dma_wait3A_298] : memref<10240x128xf32, #tpu.memory_space<vmem_shared>> -> memref<10240x128xf32, #tpu.memory_space<vmem_shared>>
          tpu.wait_indirect_dma semaphore(%run_scoped3A_287 : memref<!tpu.dma_semaphore, #tpu.memory_space<semaphore_mem>>) src(%arg10 : memref<125x128xf32, #tpu.memory_space<vmem>>) dst(%dma_wait3A_299 : memref<10240x128xf32, #tpu.memory_space<vmem_shared>>)
          tpu.yield
        }) : () -> ()
        %dma_start3A_219 = arith.constant 12 : i32
        %dma_start3A_220 = arith.constant 0 : i32
        %dma_start3A_221 = tpu.memref_slice %arg8[%rem3A_39, %dma_start3A_219, %dma_start3A_220] : memref<2x16x125xi32, #tpu.memory_space<vmem>> -> memref<1x1x125xi32, #tpu.memory_space<vmem>>
        %dma_start3A_222 = tpu.memref_squeeze %dma_start3A_221 : memref<1x1x125xi32, #tpu.memory_space<vmem>> -> memref<125xi32, #tpu.memory_space<vmem>>
        %dma_start3A_223 = arith.constant 0 : i32
        %dma_start3A_224 = arith.constant 0 : i32
        %dma_start3A_225 = tpu.memref_slice %arg3[%dma_start3A_223, %dma_start3A_224] : memref<10000x128xf32, #tpu.memory_space<hbm>> -> memref<10000x128xf32, #tpu.memory_space<hbm>>
        tpu.enqueue_indirect_dma source(%dma_start3A_225 : memref<10000x128xf32, #tpu.memory_space<hbm>>) target(%arg10 : memref<125x128xf32, #tpu.memory_space<vmem>>) offsets(%dma_start3A_222 : memref<125xi32, #tpu.memory_space<vmem>>) semaphore(%arg14 : memref<!tpu.dma_semaphore, #tpu.memory_space<semaphore_mem>>)
        %dma_wait3A_226 = arith.constant 11 : i32
        %dma_wait3A_227 = arith.constant 0 : i32
        %dma_wait3A_228 = tpu.memref_slice %arg8[%rem3A_39, %dma_wait3A_226, %dma_wait3A_227] : memref<2x16x125xi32, #tpu.memory_space<vmem>> -> memref<1x1x125xi32, #tpu.memory_space<vmem>>
        %dma_wait3A_229 = tpu.memref_squeeze %dma_wait3A_228 : memref<1x1x125xi32, #tpu.memory_space<vmem>> -> memref<125xi32, #tpu.memory_space<vmem>>
        %dma_wait3A_230 = arith.constant 0 : i32
        %dma_wait3A_231 = arith.constant 0 : i32
        %dma_wait3A_232 = tpu.memref_slice %arg3[%dma_wait3A_230, %dma_wait3A_231] : memref<10000x128xf32, #tpu.memory_space<hbm>> -> memref<10000x128xf32, #tpu.memory_space<hbm>>
        tpu.wait_indirect_dma semaphore(%arg15 : memref<!tpu.dma_semaphore, #tpu.memory_space<semaphore_mem>>) src(%dma_wait3A_232 : memref<10000x128xf32, #tpu.memory_space<hbm>>) dst(%arg11 : memref<125x128xf32, #tpu.memory_space<vmem>>)
        %run_scoped3A_233 = arith.constant 11 : i32
        "tpu.region"() ({
          %run_scoped3A_287 = tpu.sem_alloc : memref<!tpu.dma_semaphore, #tpu.memory_space<semaphore_mem>>
          %dma_start3A_288 = arith.constant 0 : i32
          %dma_start3A_289 = tpu.memref_slice %arg9[%rem3A_39, %run_scoped3A_233, %dma_start3A_288] : memref<2x16x125xi32, #tpu.memory_space<vmem>> -> memref<1x1x125xi32, #tpu.memory_space<vmem>>
          %dma_start3A_290 = tpu.memref_squeeze %dma_start3A_289 : memref<1x1x125xi32, #tpu.memory_space<vmem>> -> memref<125xi32, #tpu.memory_space<vmem>>
          %dma_start3A_291 = arith.constant 0 : i32
          %dma_start3A_292 = arith.constant 0 : i32
          %dma_start3A_293 = tpu.memref_slice %arg13[%dma_start3A_291, %dma_start3A_292] : memref<10240x128xf32, #tpu.memory_space<vmem_shared>> -> memref<10240x128xf32, #tpu.memory_space<vmem_shared>>
          tpu.enqueue_indirect_dma source(%arg11 : memref<125x128xf32, #tpu.memory_space<vmem>>) target(%dma_start3A_293 : memref<10240x128xf32, #tpu.memory_space<vmem_shared>>) offsets(%dma_start3A_290 : memref<125xi32, #tpu.memory_space<vmem>>) semaphore(%run_scoped3A_287 : memref<!tpu.dma_semaphore, #tpu.memory_space<semaphore_mem>>) {add = true}
          %dma_wait3A_294 = arith.constant 0 : i32
          %dma_wait3A_295 = tpu.memref_slice %arg9[%rem3A_39, %run_scoped3A_233, %dma_wait3A_294] : memref<2x16x125xi32, #tpu.memory_space<vmem>> -> memref<1x1x125xi32, #tpu.memory_space<vmem>>
          %dma_wait3A_296 = tpu.memref_squeeze %dma_wait3A_295 : memref<1x1x125xi32, #tpu.memory_space<vmem>> -> memref<125xi32, #tpu.memory_space<vmem>>
          %dma_wait3A_297 = arith.constant 0 : i32
          %dma_wait3A_298 = arith.constant 0 : i32
          %dma_wait3A_299 = tpu.memref_slice %arg13[%dma_wait3A_297, %dma_wait3A_298] : memref<10240x128xf32, #tpu.memory_space<vmem_shared>> -> memref<10240x128xf32, #tpu.memory_space<vmem_shared>>
          tpu.wait_indirect_dma semaphore(%run_scoped3A_287 : memref<!tpu.dma_semaphore, #tpu.memory_space<semaphore_mem>>) src(%arg11 : memref<125x128xf32, #tpu.memory_space<vmem>>) dst(%dma_wait3A_299 : memref<10240x128xf32, #tpu.memory_space<vmem_shared>>)
          tpu.yield
        }) : () -> ()
        %dma_start3A_234 = arith.constant 13 : i32
        %dma_start3A_235 = arith.constant 0 : i32
        %dma_start3A_236 = tpu.memref_slice %arg8[%rem3A_39, %dma_start3A_234, %dma_start3A_235] : memref<2x16x125xi32, #tpu.memory_space<vmem>> -> memref<1x1x125xi32, #tpu.memory_space<vmem>>
        %dma_start3A_237 = tpu.memref_squeeze %dma_start3A_236 : memref<1x1x125xi32, #tpu.memory_space<vmem>> -> memref<125xi32, #tpu.memory_space<vmem>>
        %dma_start3A_238 = arith.constant 0 : i32
        %dma_start3A_239 = arith.constant 0 : i32
        %dma_start3A_240 = tpu.memref_slice %arg3[%dma_start3A_238, %dma_start3A_239] : memref<10000x128xf32, #tpu.memory_space<hbm>> -> memref<10000x128xf32, #tpu.memory_space<hbm>>
        tpu.enqueue_indirect_dma source(%dma_start3A_240 : memref<10000x128xf32, #tpu.memory_space<hbm>>) target(%arg11 : memref<125x128xf32, #tpu.memory_space<vmem>>) offsets(%dma_start3A_237 : memref<125xi32, #tpu.memory_space<vmem>>) semaphore(%arg15 : memref<!tpu.dma_semaphore, #tpu.memory_space<semaphore_mem>>)
        %dma_wait3A_241 = arith.constant 12 : i32
        %dma_wait3A_242 = arith.constant 0 : i32
        %dma_wait3A_243 = tpu.memref_slice %arg8[%rem3A_39, %dma_wait3A_241, %dma_wait3A_242] : memref<2x16x125xi32, #tpu.memory_space<vmem>> -> memref<1x1x125xi32, #tpu.memory_space<vmem>>
        %dma_wait3A_244 = tpu.memref_squeeze %dma_wait3A_243 : memref<1x1x125xi32, #tpu.memory_space<vmem>> -> memref<125xi32, #tpu.memory_space<vmem>>
        %dma_wait3A_245 = arith.constant 0 : i32
        %dma_wait3A_246 = arith.constant 0 : i32
        %dma_wait3A_247 = tpu.memref_slice %arg3[%dma_wait3A_245, %dma_wait3A_246] : memref<10000x128xf32, #tpu.memory_space<hbm>> -> memref<10000x128xf32, #tpu.memory_space<hbm>>
        tpu.wait_indirect_dma semaphore(%arg14 : memref<!tpu.dma_semaphore, #tpu.memory_space<semaphore_mem>>) src(%dma_wait3A_247 : memref<10000x128xf32, #tpu.memory_space<hbm>>) dst(%arg10 : memref<125x128xf32, #tpu.memory_space<vmem>>)
        %run_scoped3A_248 = arith.constant 12 : i32
        "tpu.region"() ({
          %run_scoped3A_287 = tpu.sem_alloc : memref<!tpu.dma_semaphore, #tpu.memory_space<semaphore_mem>>
          %dma_start3A_288 = arith.constant 0 : i32
          %dma_start3A_289 = tpu.memref_slice %arg9[%rem3A_39, %run_scoped3A_248, %dma_start3A_288] : memref<2x16x125xi32, #tpu.memory_space<vmem>> -> memref<1x1x125xi32, #tpu.memory_space<vmem>>
          %dma_start3A_290 = tpu.memref_squeeze %dma_start3A_289 : memref<1x1x125xi32, #tpu.memory_space<vmem>> -> memref<125xi32, #tpu.memory_space<vmem>>
          %dma_start3A_291 = arith.constant 0 : i32
          %dma_start3A_292 = arith.constant 0 : i32
          %dma_start3A_293 = tpu.memref_slice %arg13[%dma_start3A_291, %dma_start3A_292] : memref<10240x128xf32, #tpu.memory_space<vmem_shared>> -> memref<10240x128xf32, #tpu.memory_space<vmem_shared>>
          tpu.enqueue_indirect_dma source(%arg10 : memref<125x128xf32, #tpu.memory_space<vmem>>) target(%dma_start3A_293 : memref<10240x128xf32, #tpu.memory_space<vmem_shared>>) offsets(%dma_start3A_290 : memref<125xi32, #tpu.memory_space<vmem>>) semaphore(%run_scoped3A_287 : memref<!tpu.dma_semaphore, #tpu.memory_space<semaphore_mem>>) {add = true}
          %dma_wait3A_294 = arith.constant 0 : i32
          %dma_wait3A_295 = tpu.memref_slice %arg9[%rem3A_39, %run_scoped3A_248, %dma_wait3A_294] : memref<2x16x125xi32, #tpu.memory_space<vmem>> -> memref<1x1x125xi32, #tpu.memory_space<vmem>>
          %dma_wait3A_296 = tpu.memref_squeeze %dma_wait3A_295 : memref<1x1x125xi32, #tpu.memory_space<vmem>> -> memref<125xi32, #tpu.memory_space<vmem>>
          %dma_wait3A_297 = arith.constant 0 : i32
          %dma_wait3A_298 = arith.constant 0 : i32
          %dma_wait3A_299 = tpu.memref_slice %arg13[%dma_wait3A_297, %dma_wait3A_298] : memref<10240x128xf32, #tpu.memory_space<vmem_shared>> -> memref<10240x128xf32, #tpu.memory_space<vmem_shared>>
          tpu.wait_indirect_dma semaphore(%run_scoped3A_287 : memref<!tpu.dma_semaphore, #tpu.memory_space<semaphore_mem>>) src(%arg10 : memref<125x128xf32, #tpu.memory_space<vmem>>) dst(%dma_wait3A_299 : memref<10240x128xf32, #tpu.memory_space<vmem_shared>>)
          tpu.yield
        }) : () -> ()
        %dma_start3A_249 = arith.constant 14 : i32
        %dma_start3A_250 = arith.constant 0 : i32
        %dma_start3A_251 = tpu.memref_slice %arg8[%rem3A_39, %dma_start3A_249, %dma_start3A_250] : memref<2x16x125xi32, #tpu.memory_space<vmem>> -> memref<1x1x125xi32, #tpu.memory_space<vmem>>
        %dma_start3A_252 = tpu.memref_squeeze %dma_start3A_251 : memref<1x1x125xi32, #tpu.memory_space<vmem>> -> memref<125xi32, #tpu.memory_space<vmem>>
        %dma_start3A_253 = arith.constant 0 : i32
        %dma_start3A_254 = arith.constant 0 : i32
        %dma_start3A_255 = tpu.memref_slice %arg3[%dma_start3A_253, %dma_start3A_254] : memref<10000x128xf32, #tpu.memory_space<hbm>> -> memref<10000x128xf32, #tpu.memory_space<hbm>>
        tpu.enqueue_indirect_dma source(%dma_start3A_255 : memref<10000x128xf32, #tpu.memory_space<hbm>>) target(%arg10 : memref<125x128xf32, #tpu.memory_space<vmem>>) offsets(%dma_start3A_252 : memref<125xi32, #tpu.memory_space<vmem>>) semaphore(%arg14 : memref<!tpu.dma_semaphore, #tpu.memory_space<semaphore_mem>>)
        %dma_wait3A_256 = arith.constant 13 : i32
        %dma_wait3A_257 = arith.constant 0 : i32
        %dma_wait3A_258 = tpu.memref_slice %arg8[%rem3A_39, %dma_wait3A_256, %dma_wait3A_257] : memref<2x16x125xi32, #tpu.memory_space<vmem>> -> memref<1x1x125xi32, #tpu.memory_space<vmem>>
        %dma_wait3A_259 = tpu.memref_squeeze %dma_wait3A_258 : memref<1x1x125xi32, #tpu.memory_space<vmem>> -> memref<125xi32, #tpu.memory_space<vmem>>
        %dma_wait3A_260 = arith.constant 0 : i32
        %dma_wait3A_261 = arith.constant 0 : i32
        %dma_wait3A_262 = tpu.memref_slice %arg3[%dma_wait3A_260, %dma_wait3A_261] : memref<10000x128xf32, #tpu.memory_space<hbm>> -> memref<10000x128xf32, #tpu.memory_space<hbm>>
        tpu.wait_indirect_dma semaphore(%arg15 : memref<!tpu.dma_semaphore, #tpu.memory_space<semaphore_mem>>) src(%dma_wait3A_262 : memref<10000x128xf32, #tpu.memory_space<hbm>>) dst(%arg11 : memref<125x128xf32, #tpu.memory_space<vmem>>)
        %run_scoped3A_263 = arith.constant 13 : i32
        "tpu.region"() ({
          %run_scoped3A_287 = tpu.sem_alloc : memref<!tpu.dma_semaphore, #tpu.memory_space<semaphore_mem>>
          %dma_start3A_288 = arith.constant 0 : i32
          %dma_start3A_289 = tpu.memref_slice %arg9[%rem3A_39, %run_scoped3A_263, %dma_start3A_288] : memref<2x16x125xi32, #tpu.memory_space<vmem>> -> memref<1x1x125xi32, #tpu.memory_space<vmem>>
          %dma_start3A_290 = tpu.memref_squeeze %dma_start3A_289 : memref<1x1x125xi32, #tpu.memory_space<vmem>> -> memref<125xi32, #tpu.memory_space<vmem>>
          %dma_start3A_291 = arith.constant 0 : i32
          %dma_start3A_292 = arith.constant 0 : i32
          %dma_start3A_293 = tpu.memref_slice %arg13[%dma_start3A_291, %dma_start3A_292] : memref<10240x128xf32, #tpu.memory_space<vmem_shared>> -> memref<10240x128xf32, #tpu.memory_space<vmem_shared>>
          tpu.enqueue_indirect_dma source(%arg11 : memref<125x128xf32, #tpu.memory_space<vmem>>) target(%dma_start3A_293 : memref<10240x128xf32, #tpu.memory_space<vmem_shared>>) offsets(%dma_start3A_290 : memref<125xi32, #tpu.memory_space<vmem>>) semaphore(%run_scoped3A_287 : memref<!tpu.dma_semaphore, #tpu.memory_space<semaphore_mem>>) {add = true}
          %dma_wait3A_294 = arith.constant 0 : i32
          %dma_wait3A_295 = tpu.memref_slice %arg9[%rem3A_39, %run_scoped3A_263, %dma_wait3A_294] : memref<2x16x125xi32, #tpu.memory_space<vmem>> -> memref<1x1x125xi32, #tpu.memory_space<vmem>>
          %dma_wait3A_296 = tpu.memref_squeeze %dma_wait3A_295 : memref<1x1x125xi32, #tpu.memory_space<vmem>> -> memref<125xi32, #tpu.memory_space<vmem>>
          %dma_wait3A_297 = arith.constant 0 : i32
          %dma_wait3A_298 = arith.constant 0 : i32
          %dma_wait3A_299 = tpu.memref_slice %arg13[%dma_wait3A_297, %dma_wait3A_298] : memref<10240x128xf32, #tpu.memory_space<vmem_shared>> -> memref<10240x128xf32, #tpu.memory_space<vmem_shared>>
          tpu.wait_indirect_dma semaphore(%run_scoped3A_287 : memref<!tpu.dma_semaphore, #tpu.memory_space<semaphore_mem>>) src(%arg11 : memref<125x128xf32, #tpu.memory_space<vmem>>) dst(%dma_wait3A_299 : memref<10240x128xf32, #tpu.memory_space<vmem_shared>>)
          tpu.yield
        }) : () -> ()
        %dma_start3A_264 = arith.constant 15 : i32
        %dma_start3A_265 = arith.constant 0 : i32
        %dma_start3A_266 = tpu.memref_slice %arg8[%rem3A_39, %dma_start3A_264, %dma_start3A_265] : memref<2x16x125xi32, #tpu.memory_space<vmem>> -> memref<1x1x125xi32, #tpu.memory_space<vmem>>
        %dma_start3A_267 = tpu.memref_squeeze %dma_start3A_266 : memref<1x1x125xi32, #tpu.memory_space<vmem>> -> memref<125xi32, #tpu.memory_space<vmem>>
        %dma_start3A_268 = arith.constant 0 : i32
        %dma_start3A_269 = arith.constant 0 : i32
        %dma_start3A_270 = tpu.memref_slice %arg3[%dma_start3A_268, %dma_start3A_269] : memref<10000x128xf32, #tpu.memory_space<hbm>> -> memref<10000x128xf32, #tpu.memory_space<hbm>>
        tpu.enqueue_indirect_dma source(%dma_start3A_270 : memref<10000x128xf32, #tpu.memory_space<hbm>>) target(%arg11 : memref<125x128xf32, #tpu.memory_space<vmem>>) offsets(%dma_start3A_267 : memref<125xi32, #tpu.memory_space<vmem>>) semaphore(%arg15 : memref<!tpu.dma_semaphore, #tpu.memory_space<semaphore_mem>>)
        %dma_wait3A_271 = arith.constant 14 : i32
        %dma_wait3A_272 = arith.constant 0 : i32
        %dma_wait3A_273 = tpu.memref_slice %arg8[%rem3A_39, %dma_wait3A_271, %dma_wait3A_272] : memref<2x16x125xi32, #tpu.memory_space<vmem>> -> memref<1x1x125xi32, #tpu.memory_space<vmem>>
        %dma_wait3A_274 = tpu.memref_squeeze %dma_wait3A_273 : memref<1x1x125xi32, #tpu.memory_space<vmem>> -> memref<125xi32, #tpu.memory_space<vmem>>
        %dma_wait3A_275 = arith.constant 0 : i32
        %dma_wait3A_276 = arith.constant 0 : i32
        %dma_wait3A_277 = tpu.memref_slice %arg3[%dma_wait3A_275, %dma_wait3A_276] : memref<10000x128xf32, #tpu.memory_space<hbm>> -> memref<10000x128xf32, #tpu.memory_space<hbm>>
        tpu.wait_indirect_dma semaphore(%arg14 : memref<!tpu.dma_semaphore, #tpu.memory_space<semaphore_mem>>) src(%dma_wait3A_277 : memref<10000x128xf32, #tpu.memory_space<hbm>>) dst(%arg10 : memref<125x128xf32, #tpu.memory_space<vmem>>)
        %run_scoped3A_278 = arith.constant 14 : i32
        "tpu.region"() ({
          %run_scoped3A_287 = tpu.sem_alloc : memref<!tpu.dma_semaphore, #tpu.memory_space<semaphore_mem>>
          %dma_start3A_288 = arith.constant 0 : i32
          %dma_start3A_289 = tpu.memref_slice %arg9[%rem3A_39, %run_scoped3A_278, %dma_start3A_288] : memref<2x16x125xi32, #tpu.memory_space<vmem>> -> memref<1x1x125xi32, #tpu.memory_space<vmem>>
          %dma_start3A_290 = tpu.memref_squeeze %dma_start3A_289 : memref<1x1x125xi32, #tpu.memory_space<vmem>> -> memref<125xi32, #tpu.memory_space<vmem>>
          %dma_start3A_291 = arith.constant 0 : i32
          %dma_start3A_292 = arith.constant 0 : i32
          %dma_start3A_293 = tpu.memref_slice %arg13[%dma_start3A_291, %dma_start3A_292] : memref<10240x128xf32, #tpu.memory_space<vmem_shared>> -> memref<10240x128xf32, #tpu.memory_space<vmem_shared>>
          tpu.enqueue_indirect_dma source(%arg10 : memref<125x128xf32, #tpu.memory_space<vmem>>) target(%dma_start3A_293 : memref<10240x128xf32, #tpu.memory_space<vmem_shared>>) offsets(%dma_start3A_290 : memref<125xi32, #tpu.memory_space<vmem>>) semaphore(%run_scoped3A_287 : memref<!tpu.dma_semaphore, #tpu.memory_space<semaphore_mem>>) {add = true}
          %dma_wait3A_294 = arith.constant 0 : i32
          %dma_wait3A_295 = tpu.memref_slice %arg9[%rem3A_39, %run_scoped3A_278, %dma_wait3A_294] : memref<2x16x125xi32, #tpu.memory_space<vmem>> -> memref<1x1x125xi32, #tpu.memory_space<vmem>>
          %dma_wait3A_296 = tpu.memref_squeeze %dma_wait3A_295 : memref<1x1x125xi32, #tpu.memory_space<vmem>> -> memref<125xi32, #tpu.memory_space<vmem>>
          %dma_wait3A_297 = arith.constant 0 : i32
          %dma_wait3A_298 = arith.constant 0 : i32
          %dma_wait3A_299 = tpu.memref_slice %arg13[%dma_wait3A_297, %dma_wait3A_298] : memref<10240x128xf32, #tpu.memory_space<vmem_shared>> -> memref<10240x128xf32, #tpu.memory_space<vmem_shared>>
          tpu.wait_indirect_dma semaphore(%run_scoped3A_287 : memref<!tpu.dma_semaphore, #tpu.memory_space<semaphore_mem>>) src(%arg10 : memref<125x128xf32, #tpu.memory_space<vmem>>) dst(%dma_wait3A_299 : memref<10240x128xf32, #tpu.memory_space<vmem_shared>>)
          tpu.yield
        }) : () -> ()
        %dma_wait3A_279 = arith.constant 15 : i32
        %dma_wait3A_280 = arith.constant 0 : i32
        %dma_wait3A_281 = tpu.memref_slice %arg8[%rem3A_39, %dma_wait3A_279, %dma_wait3A_280] : memref<2x16x125xi32, #tpu.memory_space<vmem>> -> memref<1x1x125xi32, #tpu.memory_space<vmem>>
        %dma_wait3A_282 = tpu.memref_squeeze %dma_wait3A_281 : memref<1x1x125xi32, #tpu.memory_space<vmem>> -> memref<125xi32, #tpu.memory_space<vmem>>
        %dma_wait3A_283 = arith.constant 0 : i32
        %dma_wait3A_284 = arith.constant 0 : i32
        %dma_wait3A_285 = tpu.memref_slice %arg3[%dma_wait3A_283, %dma_wait3A_284] : memref<10000x128xf32, #tpu.memory_space<hbm>> -> memref<10000x128xf32, #tpu.memory_space<hbm>>
        tpu.wait_indirect_dma semaphore(%arg15 : memref<!tpu.dma_semaphore, #tpu.memory_space<semaphore_mem>>) src(%dma_wait3A_285 : memref<10000x128xf32, #tpu.memory_space<hbm>>) dst(%arg11 : memref<125x128xf32, #tpu.memory_space<vmem>>)
        %run_scoped3A_286 = arith.constant 15 : i32
        "tpu.region"() ({
          %run_scoped3A_287 = tpu.sem_alloc : memref<!tpu.dma_semaphore, #tpu.memory_space<semaphore_mem>>
          %dma_start3A_288 = arith.constant 0 : i32
          %dma_start3A_289 = tpu.memref_slice %arg9[%rem3A_39, %run_scoped3A_286, %dma_start3A_288] : memref<2x16x125xi32, #tpu.memory_space<vmem>> -> memref<1x1x125xi32, #tpu.memory_space<vmem>>
          %dma_start3A_290 = tpu.memref_squeeze %dma_start3A_289 : memref<1x1x125xi32, #tpu.memory_space<vmem>> -> memref<125xi32, #tpu.memory_space<vmem>>
          %dma_start3A_291 = arith.constant 0 : i32
          %dma_start3A_292 = arith.constant 0 : i32
          %dma_start3A_293 = tpu.memref_slice %arg13[%dma_start3A_291, %dma_start3A_292] : memref<10240x128xf32, #tpu.memory_space<vmem_shared>> -> memref<10240x128xf32, #tpu.memory_space<vmem_shared>>
          tpu.enqueue_indirect_dma source(%arg11 : memref<125x128xf32, #tpu.memory_space<vmem>>) target(%dma_start3A_293 : memref<10240x128xf32, #tpu.memory_space<vmem_shared>>) offsets(%dma_start3A_290 : memref<125xi32, #tpu.memory_space<vmem>>) semaphore(%run_scoped3A_287 : memref<!tpu.dma_semaphore, #tpu.memory_space<semaphore_mem>>) {add = true}
          %dma_wait3A_294 = arith.constant 0 : i32
          %dma_wait3A_295 = tpu.memref_slice %arg9[%rem3A_39, %run_scoped3A_286, %dma_wait3A_294] : memref<2x16x125xi32, #tpu.memory_space<vmem>> -> memref<1x1x125xi32, #tpu.memory_space<vmem>>
          %dma_wait3A_296 = tpu.memref_squeeze %dma_wait3A_295 : memref<1x1x125xi32, #tpu.memory_space<vmem>> -> memref<125xi32, #tpu.memory_space<vmem>>
          %dma_wait3A_297 = arith.constant 0 : i32
          %dma_wait3A_298 = arith.constant 0 : i32
          %dma_wait3A_299 = tpu.memref_slice %arg13[%dma_wait3A_297, %dma_wait3A_298] : memref<10240x128xf32, #tpu.memory_space<vmem_shared>> -> memref<10240x128xf32, #tpu.memory_space<vmem_shared>>
          tpu.wait_indirect_dma semaphore(%run_scoped3A_287 : memref<!tpu.dma_semaphore, #tpu.memory_space<semaphore_mem>>) src(%arg11 : memref<125x128xf32, #tpu.memory_space<vmem>>) dst(%dma_wait3A_299 : memref<10240x128xf32, #tpu.memory_space<vmem_shared>>)
          tpu.yield
        }) : () -> ()
      }
      %scan3A_37 = arith.constant 10 : i32
    } else {
    }
    %barrier3A_18 = arith.constant 0 : index
    tpu.barrier barrier_id(%barrier3A_18)
    %eq3A_19 = arith.constant 0 : i32
    %eq3A_20 = arith.cmpi eq, %arg0, %eq3A_19 : i32
    %convert_element_type3A_21 = arith.extui %eq3A_20 : i1 to i32
    %cond3A_22 = arith.constant 0 : i32
    %cond3A_23 = arith.cmpi ne, %convert_element_type3A_21, %cond3A_22 : i32
    scf.if %cond3A_23 {
      %mul3A = arith.constant 640 : i32
      %mul3A_29 = arith.muli %arg1, %mul3A : i32
      %mul3A_30 = arith.constant 640 : i32
      %mul3A_31 = arith.muli %arg1, %mul3A_30 : i32
      "tpu.region"() ({
        %run_scoped3A = tpu.sem_alloc : memref<!tpu.dma_semaphore, #tpu.memory_space<semaphore_mem>>
        %dma_start3A = arith.constant 0 : i32
        %dma_start3A_32 = tpu.memref_slice %arg6[%mul3A_31, %dma_start3A] : memref<10240x128xf32, #tpu.memory_space<hbm>> -> memref<640x128xf32, #tpu.memory_space<hbm>>
        %dma_start3A_33 = arith.constant 0 : i32
        %dma_start3A_34 = tpu.memref_slice %arg13[%mul3A_29, %dma_start3A_33] : memref<10240x128xf32, #tpu.memory_space<vmem_shared>> -> memref<640x128xf32, #tpu.memory_space<vmem_shared>>
        tpu.enqueue_dma source(%dma_start3A_34 : memref<640x128xf32, #tpu.memory_space<vmem_shared>>) target(%dma_start3A_32 : memref<640x128xf32, #tpu.memory_space<hbm>>) target_semaphore(%run_scoped3A : memref<!tpu.dma_semaphore, #tpu.memory_space<semaphore_mem>>)
        %dma_wait3A = arith.constant 0 : i32
        %dma_wait3A_35 = tpu.memref_slice %arg6[%mul3A_31, %dma_wait3A] : memref<10240x128xf32, #tpu.memory_space<hbm>> -> memref<640x128xf32, #tpu.memory_space<hbm>>
        %dma_wait3A_36 = arith.constant 0 : i32
        %dma_wait3A_37 = tpu.memref_slice %arg13[%mul3A_29, %dma_wait3A_36] : memref<10240x128xf32, #tpu.memory_space<vmem_shared>> -> memref<640x128xf32, #tpu.memory_space<vmem_shared>>
        tpu.wait_dma2 semaphore(%run_scoped3A : memref<!tpu.dma_semaphore, #tpu.memory_space<semaphore_mem>>) src(%dma_wait3A_37 : memref<640x128xf32, #tpu.memory_space<vmem_shared>>) dst(%dma_wait3A_35 : memref<640x128xf32, #tpu.memory_space<hbm>>)
        tpu.yield
      }) : () -> ()
    } else {
    }
    %eq3A_24 = arith.constant 1 : i32
    %eq3A_25 = arith.cmpi eq, %arg0, %eq3A_24 : i32
    %convert_element_type3A_26 = arith.extui %eq3A_25 : i1 to i32
    %cond3A_27 = arith.constant 0 : i32
    %cond3A_28 = arith.cmpi ne, %convert_element_type3A_26, %cond3A_27 : i32
    scf.if %cond3A_28 {
      %mul3A = arith.constant 640 : i32
      %mul3A_29 = arith.muli %arg1, %mul3A : i32
      %mul3A_30 = arith.constant 640 : i32
      %mul3A_31 = arith.muli %arg1, %mul3A_30 : i32
      "tpu.region"() ({
        %run_scoped3A = tpu.sem_alloc : memref<!tpu.dma_semaphore, #tpu.memory_space<semaphore_mem>>
        %dma_start3A = arith.constant 0 : i32
        %dma_start3A_32 = tpu.memref_slice %arg7[%mul3A_31, %dma_start3A] : memref<10240x128xf32, #tpu.memory_space<hbm>> -> memref<640x128xf32, #tpu.memory_space<hbm>>
        %dma_start3A_33 = arith.constant 0 : i32
        %dma_start3A_34 = tpu.memref_slice %arg13[%mul3A_29, %dma_start3A_33] : memref<10240x128xf32, #tpu.memory_space<vmem_shared>> -> memref<640x128xf32, #tpu.memory_space<vmem_shared>>
        tpu.enqueue_dma source(%dma_start3A_34 : memref<640x128xf32, #tpu.memory_space<vmem_shared>>) target(%dma_start3A_32 : memref<640x128xf32, #tpu.memory_space<hbm>>) target_semaphore(%run_scoped3A : memref<!tpu.dma_semaphore, #tpu.memory_space<semaphore_mem>>)
        %dma_wait3A = arith.constant 0 : i32
        %dma_wait3A_35 = tpu.memref_slice %arg7[%mul3A_31, %dma_wait3A] : memref<10240x128xf32, #tpu.memory_space<hbm>> -> memref<640x128xf32, #tpu.memory_space<hbm>>
        %dma_wait3A_36 = arith.constant 0 : i32
        %dma_wait3A_37 = tpu.memref_slice %arg13[%mul3A_29, %dma_wait3A_36] : memref<10240x128xf32, #tpu.memory_space<vmem_shared>> -> memref<640x128xf32, #tpu.memory_space<vmem_shared>>
        tpu.wait_dma2 semaphore(%run_scoped3A : memref<!tpu.dma_semaphore, #tpu.memory_space<semaphore_mem>>) src(%dma_wait3A_37 : memref<640x128xf32, #tpu.memory_space<vmem_shared>>) dst(%dma_wait3A_35 : memref<640x128xf32, #tpu.memory_space<hbm>>)
        tpu.yield
      }) : () -> ()
    } else {
    }
    return
  }
}

module attributes {stable_mosaic.version = 14 : i64} {
  func.func @body(%arg0: i32, %arg1: memref<2000x128xf32, #tpu.memory_space<vmem>>, %arg2: memref<2000x128xf32, #tpu.memory_space<vmem>>, %arg3: memref<128x128xf32, #tpu.memory_space<vmem>>, %arg4: memref<128x128xf32, #tpu.memory_space<vmem>>, %arg5: memref<1x128xf32, #tpu.memory_space<vmem>>, %arg6: memref<2000x128xf32, #tpu.memory_space<vmem>>) attributes {dimension_semantics = [#tpu.dimension_semantics<arbitrary>], iteration_bounds = array<i64: 5>, scalar_prefetch = 0 : i64, scratch_operands = 0 : i64, tpu.core_type = #tpu.core_type<tc>, window_params = [{transform_indices = @transform_0, window_bounds = array<i64: 2000, 128>}, {transform_indices = @transform_1, window_bounds = array<i64: 2000, 128>}, {pipeline_mode = #tpu.pipeline_mode<synchronous>, transform_indices = @transform_2, window_bounds = array<i64: 128, 128>}, {pipeline_mode = #tpu.pipeline_mode<synchronous>, transform_indices = @transform_3, window_bounds = array<i64: 128, 128>}, {pipeline_mode = #tpu.pipeline_mode<synchronous>, transform_indices = @transform_4, window_bounds = array<i64: 1, 128>}, {transform_indices = @transform_5, window_bounds = array<i64: 2000, 128>}]} {
    %get3A = arith.constant 0 : index
    %get3A_0 = arith.constant 0 : index
    %get3A_1 = vector.load %arg2[%get3A, %get3A_0] : memref<2000x128xf32, #tpu.memory_space<vmem>>, vector<2000x128xf32>
    %get3A_2 = arith.constant 0 : index
    %get3A_3 = arith.constant 0 : index
    %get3A_4 = vector.load %arg1[%get3A_2, %get3A_3] : memref<2000x128xf32, #tpu.memory_space<vmem>>, vector<2000x128xf32>
    %get3A_5 = arith.constant 0 : index
    %get3A_6 = arith.constant 0 : index
    %get3A_7 = vector.load %arg3[%get3A_5, %get3A_6] : memref<128x128xf32, #tpu.memory_space<vmem>>, vector<128x128xf32>
    %dot_general3A = arith.constant dense<0.000000e+00> : vector<2000x128xf32>
    %dot_general3A_8 = tpu.matmul %get3A_4, %get3A_7, %dot_general3A {dimension_numbers = #tpu.dot_dimension_numbers<[1], [0], [0], [1], [0, 0, 1, 1], [], []>, transpose_lhs_hint = false} : vector<2000x128xf32>, vector<128x128xf32>, vector<2000x128xf32> -> vector<2000x128xf32>
    %get3A_9 = arith.constant 0 : index
    %get3A_10 = arith.constant 0 : index
    %get3A_11 = vector.load %arg4[%get3A_9, %get3A_10] : memref<128x128xf32, #tpu.memory_space<vmem>>, vector<128x128xf32>
    %dot_general3A_12 = arith.constant dense<0.000000e+00> : vector<2000x128xf32>
    %dot_general3A_13 = tpu.matmul %get3A_1, %get3A_11, %dot_general3A_12 {dimension_numbers = #tpu.dot_dimension_numbers<[1], [0], [0], [1], [0, 0, 1, 1], [], []>, transpose_lhs_hint = false} : vector<2000x128xf32>, vector<128x128xf32>, vector<2000x128xf32> -> vector<2000x128xf32>
    %add3A = arith.addf %dot_general3A_8, %dot_general3A_13 : vector<2000x128xf32>
    %get3A_14 = arith.constant 0 : index
    %get3A_15 = arith.constant 0 : index
    %get3A_16 = vector.load %arg5[%get3A_14, %get3A_15] : memref<1x128xf32, #tpu.memory_space<vmem>>, vector<1x128xf32>
    %add3A_17 = vector.broadcast %get3A_16 : vector<1x128xf32> to vector<2000x128xf32>
    %add3A_18 = arith.addf %add3A, %add3A_17 : vector<2000x128xf32>
    %logistic3A = arith.negf %add3A_18 : vector<2000x128xf32>
    %logistic3A_19 = math.exp %logistic3A : vector<2000x128xf32>
    %logistic3A_20 = arith.constant 1.000000e+00 : f32
    %logistic3A_21 = vector.broadcast %logistic3A_20 : f32 to vector<2000x128xf32>
    %logistic3A_22 = arith.addf %logistic3A_21, %logistic3A_19 : vector<2000x128xf32>
    %logistic3A_23 = arith.divf %logistic3A_21, %logistic3A_22 : vector<2000x128xf32>
    %mul3A = arith.mulf %logistic3A_23, %get3A_1 : vector<2000x128xf32>
    %swap3A = arith.constant 0 : index
    %swap3A_24 = arith.constant 0 : index
    %swap3A_25 = vector.load %arg6[%swap3A, %swap3A_24] : memref<2000x128xf32, #tpu.memory_space<vmem>>, vector<2000x128xf32>
    tpu.vector_store %arg6[%swap3A, %swap3A_24], %mul3A {strides = array<i32>} : memref<2000x128xf32, #tpu.memory_space<vmem>>, vector<2000x128xf32>,
    return
  }
  func.func @transform_0(%arg0: i32) -> (i32, i32) {
    %c0_i32 = arith.constant 0 : i32
    %c0_i32_0 = arith.constant 0 : i32
    return %arg0, %c0_i32 : i32, i32
  }
  func.func @transform_1(%arg0: i32) -> (i32, i32) {
    %c0_i32 = arith.constant 0 : i32
    %c0_i32_0 = arith.constant 0 : i32
    return %arg0, %c0_i32 : i32, i32
  }
  func.func @transform_2(%arg0: i32) -> (i32, i32) {
    %c0_i32 = arith.constant 0 : i32
    %c0_i32_0 = arith.constant 0 : i32
    %c0_i32_1 = arith.constant 0 : i32
    return %c0_i32, %c0_i32_0 : i32, i32
  }
  func.func @transform_3(%arg0: i32) -> (i32, i32) {
    %c0_i32 = arith.constant 0 : i32
    %c0_i32_0 = arith.constant 0 : i32
    %c0_i32_1 = arith.constant 0 : i32
    return %c0_i32, %c0_i32_0 : i32, i32
  }
  func.func @transform_4(%arg0: i32) -> (i32, i32) {
    %c0_i32 = arith.constant 0 : i32
    %c0_i32_0 = arith.constant 0 : i32
    %c0_i32_1 = arith.constant 0 : i32
    return %c0_i32, %c0_i32_0 : i32, i32
  }
  func.func @transform_5(%arg0: i32) -> (i32, i32) {
    %c0_i32 = arith.constant 0 : i32
    %c0_i32_0 = arith.constant 0 : i32
    return %arg0, %c0_i32 : i32, i32
  }
}

module attributes {stable_mosaic.version = 14 : i64} {
  func.func @body(%arg0: i32, %arg1: i32, %arg2: memref<2000x128xf32, #tpu.memory_space<vmem>>, %arg3: memref<2000x128xf32, #tpu.memory_space<vmem>>, %arg4: memref<2000x128xf32, #tpu.memory_space<vmem>>, %arg5: memref<2000x128xf32, #tpu.memory_space<vmem>>, %arg6: memref<2000x128xf32, #tpu.memory_space<vmem>>, %arg7: memref<2000x1xi32, #tpu.memory_space<vmem>>, %arg8: memref<1x1x2000xi32, #tpu.memory_space<vmem>>, %arg9: memref<128x128xf32, #tpu.memory_space<vmem>>, %arg10: memref<128x128xf32, #tpu.memory_space<vmem>>, %arg11: memref<1x128xf32, #tpu.memory_space<vmem>>, %arg12: memref<128x128xf32, #tpu.memory_space<vmem>>, %arg13: memref<128x128xf32, #tpu.memory_space<vmem>>, %arg14: memref<1x128xf32, #tpu.memory_space<vmem>>, %arg15: memref<128x128xf32, #tpu.memory_space<vmem>>, %arg16: memref<128x128xf32, #tpu.memory_space<vmem>>, %arg17: memref<1x128xf32, #tpu.memory_space<vmem>>, %arg18: memref<128x128xf32, #tpu.memory_space<vmem>>, %arg19: memref<128x128xf32, #tpu.memory_space<vmem>>, %arg20: memref<128x128xf32, #tpu.memory_space<vmem>>, %arg21: memref<256x128xf32, #tpu.memory_space<vmem>>, %arg22: memref<1x128xf32, #tpu.memory_space<vmem>>, %arg23: memref<128x1xf32, #tpu.memory_space<vmem>>, %arg24: memref<1x1xf32, #tpu.memory_space<vmem>>, %arg25: memref<256x1xf32, #tpu.memory_space<vmem>>, %arg26: memref<256x128xf32, #tpu.memory_space<vmem>>, %arg27: memref<256x1xf32, #tpu.memory_space<vmem>>, %arg28: memref<256x128xf32, #tpu.memory_space<vmem>>, %arg29: memref<256x128xf32, #tpu.memory_space<vmem>>, %arg30: memref<1x256xf32, #tpu.memory_space<vmem>>, %arg31: memref<1x256xf32, #tpu.memory_space<vmem>>, %arg32: memref<1x256xf32, #tpu.memory_space<vmem>>, %arg33: memref<1x256xf32, #tpu.memory_space<vmem>>, %arg34: memref<128x256xf32, #tpu.memory_space<vmem>>, %arg35: memref<128x256xf32, #tpu.memory_space<vmem>>) attributes {dimension_semantics = [#tpu.dimension_semantics<arbitrary>, #tpu.dimension_semantics<arbitrary>], iteration_bounds = array<i64: 2, 5>, scalar_prefetch = 0 : i64, scratch_operands = 10 : i64, tpu.core_type = #tpu.core_type<tc>, window_params = [{transform_indices = @transform_0, window_bounds = array<i64: 2000, 128>}, {transform_indices = @transform_1, window_bounds = array<i64: 2000, 128>}, {transform_indices = @transform_2, window_bounds = array<i64: 2000, 128>}, {transform_indices = @transform_3, window_bounds = array<i64: 2000, 128>}, {transform_indices = @transform_4, window_bounds = array<i64: 2000, 128>}, {transform_indices = @transform_5, window_bounds = array<i64: 2000, 1>}, {transform_indices = @transform_6, window_bounds = array<i64: 1, 1, 2000>}, {pipeline_mode = #tpu.pipeline_mode<synchronous>, transform_indices = @transform_7, window_bounds = array<i64: 128, 128>}, {pipeline_mode = #tpu.pipeline_mode<synchronous>, transform_indices = @transform_8, window_bounds = array<i64: 128, 128>}, {pipeline_mode = #tpu.pipeline_mode<synchronous>, transform_indices = @transform_9, window_bounds = array<i64: 1, 128>}, {pipeline_mode = #tpu.pipeline_mode<synchronous>, transform_indices = @transform_10, window_bounds = array<i64: 128, 128>}, {pipeline_mode = #tpu.pipeline_mode<synchronous>, transform_indices = @transform_11, window_bounds = array<i64: 128, 128>}, {pipeline_mode = #tpu.pipeline_mode<synchronous>, transform_indices = @transform_12, window_bounds = array<i64: 1, 128>}, {pipeline_mode = #tpu.pipeline_mode<synchronous>, transform_indices = @transform_13, window_bounds = array<i64: 128, 128>}, {pipeline_mode = #tpu.pipeline_mode<synchronous>, transform_indices = @transform_14, window_bounds = array<i64: 128, 128>}, {pipeline_mode = #tpu.pipeline_mode<synchronous>, transform_indices = @transform_15, window_bounds = array<i64: 1, 128>}, {pipeline_mode = #tpu.pipeline_mode<synchronous>, transform_indices = @transform_16, window_bounds = array<i64: 128, 128>}, {pipeline_mode = #tpu.pipeline_mode<synchronous>, transform_indices = @transform_17, window_bounds = array<i64: 128, 128>}, {pipeline_mode = #tpu.pipeline_mode<synchronous>, transform_indices = @transform_18, window_bounds = array<i64: 128, 128>}, {pipeline_mode = #tpu.pipeline_mode<synchronous>, transform_indices = @transform_19, window_bounds = array<i64: 256, 128>}, {pipeline_mode = #tpu.pipeline_mode<synchronous>, transform_indices = @transform_20, window_bounds = array<i64: 1, 128>}, {pipeline_mode = #tpu.pipeline_mode<synchronous>, transform_indices = @transform_21, window_bounds = array<i64: 128, 1>}, {pipeline_mode = #tpu.pipeline_mode<synchronous>, transform_indices = @transform_22, window_bounds = array<i64: 1, 1>}, {pipeline_mode = #tpu.pipeline_mode<synchronous>, transform_indices = @transform_23, window_bounds = array<i64: 256, 1>}]} {
    %iota3A = tpu.iota {dimensions = array<i32: 0>} : vector<256x1xi32>
    %iota3A_0 = tpu.iota {dimensions = array<i32: 1>} : vector<1x256xi32>
    %get3A = arith.constant 0 : index
    %get3A_1 = arith.constant 0 : index
    %get3A_2 = vector.load %arg7[%get3A, %get3A_1] : memref<2000x1xi32, #tpu.memory_space<vmem>>, vector<2000x1xi32>
    %eq3A = vector.broadcast %get3A_2 : vector<2000x1xi32> to vector<2000x256xi32>
    %eq3A_3 = vector.broadcast %iota3A_0 : vector<1x256xi32> to vector<2000x256xi32>
    %eq3A_4 = arith.cmpi eq, %eq3A, %eq3A_3 : vector<2000x256xi32>
    %convert_element_type3A = arith.extui %eq3A_4 : vector<2000x256xi1> to vector<2000x256xi32>
    %convert_element_type3A_5 = arith.sitofp %convert_element_type3A : vector<2000x256xi32> to vector<2000x256xf32>
    %get3A_6 = arith.constant 0 : index
    %get3A_7 = arith.constant 0 : index
    %get3A_8 = arith.constant 0 : index
    %get3A_9 = vector.load %arg8[%get3A_6, %get3A_7, %get3A_8] : memref<1x1x2000xi32, #tpu.memory_space<vmem>>, vector<1x1x2000xi32>
    %get3A_10 = vector.shape_cast %get3A_9 : vector<1x1x2000xi32> to vector<1x2000xi32>
    %eq3A_11 = vector.broadcast %iota3A : vector<256x1xi32> to vector<256x2000xi32>
    %eq3A_12 = vector.broadcast %get3A_10 : vector<1x2000xi32> to vector<256x2000xi32>
    %eq3A_13 = arith.cmpi eq, %eq3A_11, %eq3A_12 : vector<256x2000xi32>
    %convert_element_type3A_14 = arith.extui %eq3A_13 : vector<256x2000xi1> to vector<256x2000xi32>
    %convert_element_type3A_15 = arith.sitofp %convert_element_type3A_14 : vector<256x2000xi32> to vector<256x2000xf32>
    %eq3A_16 = arith.constant 0 : i32
    %eq3A_17 = arith.cmpi eq, %arg0, %eq3A_16 : i32
    %convert_element_type3A_18 = arith.extui %eq3A_17 : i1 to i32
    %cond3A = arith.constant 0 : i32
    %cond3A_19 = arith.cmpi ne, %convert_element_type3A_18, %cond3A : i32
    scf.if %cond3A_19 {
      %get3A_25 = arith.constant 0 : index
      %get3A_26 = arith.constant 0 : index
      %get3A_27 = vector.load %arg2[%get3A_25, %get3A_26] : memref<2000x128xf32, #tpu.memory_space<vmem>>, vector<2000x128xf32>
      %get3A_28 = arith.constant 0 : index
      %get3A_29 = arith.constant 0 : index
      %get3A_30 = vector.load %arg3[%get3A_28, %get3A_29] : memref<2000x128xf32, #tpu.memory_space<vmem>>, vector<2000x128xf32>
      %get3A_31 = arith.constant 0 : index
      %get3A_32 = arith.constant 0 : index
      %get3A_33 = vector.load %arg9[%get3A_31, %get3A_32] : memref<128x128xf32, #tpu.memory_space<vmem>>, vector<128x128xf32>
      %dot_general3A = arith.constant dense<0.000000e+00> : vector<2000x128xf32>
      %dot_general3A_34 = tpu.matmul %get3A_27, %get3A_33, %dot_general3A {dimension_numbers = #tpu.dot_dimension_numbers<[1], [0], [0], [1], [0, 0, 1, 1], [], []>, transpose_lhs_hint = false} : vector<2000x128xf32>, vector<128x128xf32>, vector<2000x128xf32> -> vector<2000x128xf32>
      %get3A_35 = arith.constant 0 : index
      %get3A_36 = arith.constant 0 : index
      %get3A_37 = vector.load %arg10[%get3A_35, %get3A_36] : memref<128x128xf32, #tpu.memory_space<vmem>>, vector<128x128xf32>
      %dot_general3A_38 = arith.constant dense<0.000000e+00> : vector<2000x128xf32>
      %dot_general3A_39 = tpu.matmul %get3A_30, %get3A_37, %dot_general3A_38 {dimension_numbers = #tpu.dot_dimension_numbers<[1], [0], [0], [1], [0, 0, 1, 1], [], []>, transpose_lhs_hint = false} : vector<2000x128xf32>, vector<128x128xf32>, vector<2000x128xf32> -> vector<2000x128xf32>
      %add3A = arith.addf %dot_general3A_34, %dot_general3A_39 : vector<2000x128xf32>
      %get3A_40 = arith.constant 0 : index
      %get3A_41 = arith.constant 0 : index
      %get3A_42 = vector.load %arg11[%get3A_40, %get3A_41] : memref<1x128xf32, #tpu.memory_space<vmem>>, vector<1x128xf32>
      %add3A_43 = vector.broadcast %get3A_42 : vector<1x128xf32> to vector<2000x128xf32>
      %add3A_44 = arith.addf %add3A, %add3A_43 : vector<2000x128xf32>
      %logistic3A = arith.negf %add3A_44 : vector<2000x128xf32>
      %logistic3A_45 = math.exp %logistic3A : vector<2000x128xf32>
      %logistic3A_46 = arith.constant 1.000000e+00 : f32
      %logistic3A_47 = vector.broadcast %logistic3A_46 : f32 to vector<2000x128xf32>
      %logistic3A_48 = arith.addf %logistic3A_47, %logistic3A_45 : vector<2000x128xf32>
      %logistic3A_49 = arith.divf %logistic3A_47, %logistic3A_48 : vector<2000x128xf32>
      %get3A_50 = arith.constant 0 : index
      %get3A_51 = arith.constant 0 : index
      %get3A_52 = vector.load %arg12[%get3A_50, %get3A_51] : memref<128x128xf32, #tpu.memory_space<vmem>>, vector<128x128xf32>
      %dot_general3A_53 = arith.constant dense<0.000000e+00> : vector<2000x128xf32>
      %dot_general3A_54 = tpu.matmul %get3A_27, %get3A_52, %dot_general3A_53 {dimension_numbers = #tpu.dot_dimension_numbers<[1], [0], [0], [1], [0, 0, 1, 1], [], []>, transpose_lhs_hint = false} : vector<2000x128xf32>, vector<128x128xf32>, vector<2000x128xf32> -> vector<2000x128xf32>
      %get3A_55 = arith.constant 0 : index
      %get3A_56 = arith.constant 0 : index
      %get3A_57 = vector.load %arg4[%get3A_55, %get3A_56] : memref<2000x128xf32, #tpu.memory_space<vmem>>, vector<2000x128xf32>
      %get3A_58 = arith.constant 0 : index
      %get3A_59 = arith.constant 0 : index
      %get3A_60 = vector.load %arg13[%get3A_58, %get3A_59] : memref<128x128xf32, #tpu.memory_space<vmem>>, vector<128x128xf32>
      %dot_general3A_61 = arith.constant dense<0.000000e+00> : vector<2000x128xf32>
      %dot_general3A_62 = tpu.matmul %get3A_57, %get3A_60, %dot_general3A_61 {dimension_numbers = #tpu.dot_dimension_numbers<[1], [0], [0], [1], [0, 0, 1, 1], [], []>, transpose_lhs_hint = false} : vector<2000x128xf32>, vector<128x128xf32>, vector<2000x128xf32> -> vector<2000x128xf32>
      %add3A_63 = arith.addf %dot_general3A_54, %dot_general3A_62 : vector<2000x128xf32>
      %get3A_64 = arith.constant 0 : index
      %get3A_65 = arith.constant 0 : index
      %get3A_66 = vector.load %arg14[%get3A_64, %get3A_65] : memref<1x128xf32, #tpu.memory_space<vmem>>, vector<1x128xf32>
      %add3A_67 = vector.broadcast %get3A_66 : vector<1x128xf32> to vector<2000x128xf32>
      %add3A_68 = arith.addf %add3A_63, %add3A_67 : vector<2000x128xf32>
      %tanh3A = math.tanh %add3A_68 : vector<2000x128xf32>
      %sub3A = arith.constant 1.000000e+00 : f32
      %sub3A_69 = vector.broadcast %sub3A : f32 to vector<2000x128xf32>
      %sub3A_70 = arith.subf %sub3A_69, %logistic3A_49 : vector<2000x128xf32>
      %mul3A = arith.mulf %sub3A_70, %get3A_30 : vector<2000x128xf32>
      %mul3A_71 = arith.mulf %logistic3A_49, %tanh3A : vector<2000x128xf32>
      %add3A_72 = arith.addf %mul3A, %mul3A_71 : vector<2000x128xf32>
      %get3A_73 = arith.constant 0 : index
      %get3A_74 = arith.constant 0 : index
      %get3A_75 = vector.load %arg15[%get3A_73, %get3A_74] : memref<128x128xf32, #tpu.memory_space<vmem>>, vector<128x128xf32>
      %dot_general3A_76 = arith.constant dense<0.000000e+00> : vector<2000x128xf32>
      %dot_general3A_77 = tpu.matmul %get3A_27, %get3A_75, %dot_general3A_76 {dimension_numbers = #tpu.dot_dimension_numbers<[1], [0], [0], [1], [0, 0, 1, 1], [], []>, transpose_lhs_hint = false} : vector<2000x128xf32>, vector<128x128xf32>, vector<2000x128xf32> -> vector<2000x128xf32>
      %get3A_78 = arith.constant 0 : index
      %get3A_79 = arith.constant 0 : index
      %get3A_80 = vector.load %arg16[%get3A_78, %get3A_79] : memref<128x128xf32, #tpu.memory_space<vmem>>, vector<128x128xf32>
      %dot_general3A_81 = arith.constant dense<0.000000e+00> : vector<2000x128xf32>
      %dot_general3A_82 = tpu.matmul %add3A_72, %get3A_80, %dot_general3A_81 {dimension_numbers = #tpu.dot_dimension_numbers<[1], [0], [0], [1], [0, 0, 1, 1], [], []>, transpose_lhs_hint = false} : vector<2000x128xf32>, vector<128x128xf32>, vector<2000x128xf32> -> vector<2000x128xf32>
      %add3A_83 = arith.addf %dot_general3A_77, %dot_general3A_82 : vector<2000x128xf32>
      %get3A_84 = arith.constant 0 : index
      %get3A_85 = arith.constant 0 : index
      %get3A_86 = vector.load %arg17[%get3A_84, %get3A_85] : memref<1x128xf32, #tpu.memory_space<vmem>>, vector<1x128xf32>
      %add3A_87 = vector.broadcast %get3A_86 : vector<1x128xf32> to vector<2000x128xf32>
      %add3A_88 = arith.addf %add3A_83, %add3A_87 : vector<2000x128xf32>
      %max3A = arith.constant 0.000000e+00 : f32
      %max3A_89 = vector.broadcast %max3A : f32 to vector<2000x128xf32>
      %max3A_90 = arith.maximumf %add3A_88, %max3A_89 : vector<2000x128xf32>
      %eq3A_91 = arith.constant 0 : i32
      %eq3A_92 = arith.cmpi eq, %arg1, %eq3A_91 : i32
      %convert_element_type3A_93 = arith.extui %eq3A_92 : i1 to i32
      %cond3A_94 = arith.constant 0 : i32
      %cond3A_95 = arith.cmpi ne, %convert_element_type3A_93, %cond3A_94 : i32
      scf.if %cond3A_95 {
        %broadcast_in_dim3A_114 = arith.constant 0.000000e+00 : f32
        %broadcast_in_dim3A_115 = vector.broadcast %broadcast_in_dim3A_114 : f32 to vector<256x128xf32>
        %swap3A_116 = arith.constant 0 : index
        %swap3A_117 = arith.constant 0 : index
        %swap3A_118 = vector.load %arg26[%swap3A_116, %swap3A_117] : memref<256x128xf32, #tpu.memory_space<vmem>>, vector<256x128xf32>
        tpu.vector_store %arg26[%swap3A_116, %swap3A_117], %broadcast_in_dim3A_115 {strides = array<i32>} : memref<256x128xf32, #tpu.memory_space<vmem>>, vector<256x128xf32>,
        %broadcast_in_dim3A_119 = arith.constant 0.000000e+00 : f32
        %broadcast_in_dim3A_120 = vector.broadcast %broadcast_in_dim3A_119 : f32 to vector<256x1xf32>
        %swap3A_121 = arith.constant 0 : index
        %swap3A_122 = arith.constant 0 : index
        %swap3A_123 = vector.load %arg27[%swap3A_121, %swap3A_122] : memref<256x1xf32, #tpu.memory_space<vmem>>, vector<256x1xf32>
        tpu.vector_store %arg27[%swap3A_121, %swap3A_122], %broadcast_in_dim3A_120 {strides = array<i32>} : memref<256x1xf32, #tpu.memory_space<vmem>>, vector<256x1xf32>,
      } else {
      }
      %get3A_96 = arith.constant 0 : index
      %get3A_97 = arith.constant 0 : index
      %get3A_98 = vector.load %arg26[%get3A_96, %get3A_97] : memref<256x128xf32, #tpu.memory_space<vmem>>, vector<256x128xf32>
      %dot_general3A_99 = arith.constant dense<0.000000e+00> : vector<256x128xf32>
      %dot_general3A_100 = tpu.matmul %convert_element_type3A_15, %max3A_90, %dot_general3A_99 {dimension_numbers = #tpu.dot_dimension_numbers<[1], [0], [0], [1], [0, 0, 1, 1], [], []>, transpose_lhs_hint = false} : vector<256x2000xf32>, vector<2000x128xf32>, vector<256x128xf32> -> vector<256x128xf32>
      %add3A_101 = arith.addf %get3A_98, %dot_general3A_100 : vector<256x128xf32>
      %swap3A = arith.constant 0 : index
      %swap3A_102 = arith.constant 0 : index
      %swap3A_103 = vector.load %arg26[%swap3A, %swap3A_102] : memref<256x128xf32, #tpu.memory_space<vmem>>, vector<256x128xf32>
      tpu.vector_store %arg26[%swap3A, %swap3A_102], %add3A_101 {strides = array<i32>} : memref<256x128xf32, #tpu.memory_space<vmem>>, vector<256x128xf32>,
      %get3A_104 = arith.constant 0 : index
      %get3A_105 = arith.constant 0 : index
      %get3A_106 = vector.load %arg27[%get3A_104, %get3A_105] : memref<256x1xf32, #tpu.memory_space<vmem>>, vector<256x1xf32>
      %broadcast_in_dim3A = arith.constant 1.000000e+00 : f32
      %broadcast_in_dim3A_107 = vector.broadcast %broadcast_in_dim3A : f32 to vector<2000x1xf32>
      %dot_general3A_108 = arith.constant dense<0.000000e+00> : vector<256x1xf32>
      %dot_general3A_109 = tpu.matmul %convert_element_type3A_15, %broadcast_in_dim3A_107, %dot_general3A_108 {dimension_numbers = #tpu.dot_dimension_numbers<[1], [0], [0], [1], [0, 0, 1, 1], [], []>, transpose_lhs_hint = false} : vector<256x2000xf32>, vector<2000x1xf32>, vector<256x1xf32> -> vector<256x1xf32>
      %add3A_110 = arith.addf %get3A_106, %dot_general3A_109 : vector<256x1xf32>
      %swap3A_111 = arith.constant 0 : index
      %swap3A_112 = arith.constant 0 : index
      %swap3A_113 = vector.load %arg27[%swap3A_111, %swap3A_112] : memref<256x1xf32, #tpu.memory_space<vmem>>, vector<256x1xf32>
      tpu.vector_store %arg27[%swap3A_111, %swap3A_112], %add3A_110 {strides = array<i32>} : memref<256x1xf32, #tpu.memory_space<vmem>>, vector<256x1xf32>,
    } else {
    }
    %eq3A_20 = arith.constant 1 : i32
    %eq3A_21 = arith.cmpi eq, %arg0, %eq3A_20 : i32
    %convert_element_type3A_22 = arith.extui %eq3A_21 : i1 to i32
    %cond3A_23 = arith.constant 0 : i32
    %cond3A_24 = arith.cmpi ne, %convert_element_type3A_22, %cond3A_23 : i32
    scf.if %cond3A_24 {
      %eq3A_25 = arith.constant 0 : i32
      %eq3A_26 = arith.cmpi eq, %arg1, %eq3A_25 : i32
      %convert_element_type3A_27 = arith.extui %eq3A_26 : i1 to i32
      %cond3A_28 = arith.constant 0 : i32
      %cond3A_29 = arith.cmpi ne, %convert_element_type3A_27, %cond3A_28 : i32
      scf.if %cond3A_29 {
        %get3A_154 = arith.constant 0 : index
        %get3A_155 = arith.constant 0 : index
        %get3A_156 = vector.load %arg26[%get3A_154, %get3A_155] : memref<256x128xf32, #tpu.memory_space<vmem>>, vector<256x128xf32>
        %get3A_157 = arith.constant 0 : index
        %get3A_158 = arith.constant 0 : index
        %get3A_159 = vector.load %arg27[%get3A_157, %get3A_158] : memref<256x1xf32, #tpu.memory_space<vmem>>, vector<256x1xf32>
        %max3A_160 = arith.constant 1.000000e+00 : f32
        %max3A_161 = vector.broadcast %max3A_160 : f32 to vector<256x1xf32>
        %max3A_162 = arith.maximumf %get3A_159, %max3A_161 : vector<256x1xf32>
        %div3A = vector.broadcast %max3A_162 : vector<256x1xf32> to vector<256x128xf32>
        %div3A_163 = arith.divf %get3A_156, %div3A : vector<256x128xf32>
        %get3A_164 = arith.constant 0 : index
        %get3A_165 = arith.constant 0 : index
        %get3A_166 = vector.load %arg18[%get3A_164, %get3A_165] : memref<128x128xf32, #tpu.memory_space<vmem>>, vector<128x128xf32>
        %dot_general3A_167 = arith.constant dense<0.000000e+00> : vector<256x128xf32>
        %dot_general3A_168 = tpu.matmul %div3A_163, %get3A_166, %dot_general3A_167 {dimension_numbers = #tpu.dot_dimension_numbers<[1], [0], [0], [1], [0, 0, 1, 1], [], []>, transpose_lhs_hint = false} : vector<256x128xf32>, vector<128x128xf32>, vector<256x128xf32> -> vector<256x128xf32>
        %swap3A_169 = arith.constant 0 : index
        %swap3A_170 = arith.constant 0 : index
        %swap3A_171 = vector.load %arg28[%swap3A_169, %swap3A_170] : memref<256x128xf32, #tpu.memory_space<vmem>>, vector<256x128xf32>
        tpu.vector_store %arg28[%swap3A_169, %swap3A_170], %dot_general3A_168 {strides = array<i32>} : memref<256x128xf32, #tpu.memory_space<vmem>>, vector<256x128xf32>,
        %get3A_172 = arith.constant 0 : index
        %get3A_173 = arith.constant 0 : index
        %get3A_174 = vector.load %arg19[%get3A_172, %get3A_173] : memref<128x128xf32, #tpu.memory_space<vmem>>, vector<128x128xf32>
        %dot_general3A_175 = arith.constant dense<0.000000e+00> : vector<256x128xf32>
        %dot_general3A_176 = tpu.matmul %div3A_163, %get3A_174, %dot_general3A_175 {dimension_numbers = #tpu.dot_dimension_numbers<[1], [0], [0], [1], [0, 0, 1, 1], [], []>, transpose_lhs_hint = false} : vector<256x128xf32>, vector<128x128xf32>, vector<256x128xf32> -> vector<256x128xf32>
        %swap3A_177 = arith.constant 0 : index
        %swap3A_178 = arith.constant 0 : index
        %swap3A_179 = vector.load %arg29[%swap3A_177, %swap3A_178] : memref<256x128xf32, #tpu.memory_space<vmem>>, vector<256x128xf32>
        tpu.vector_store %arg29[%swap3A_177, %swap3A_178], %dot_general3A_176 {strides = array<i32>} : memref<256x128xf32, #tpu.memory_space<vmem>>, vector<256x128xf32>,
        %broadcast_in_dim3A_180 = arith.constant -3.000000e+38 : f32
        %broadcast_in_dim3A_181 = vector.broadcast %broadcast_in_dim3A_180 : f32 to vector<1x256xf32>
        %swap3A_182 = arith.constant 0 : index
        %swap3A_183 = arith.constant 0 : index
        %swap3A_184 = vector.load %arg30[%swap3A_182, %swap3A_183] : memref<1x256xf32, #tpu.memory_space<vmem>>, vector<1x256xf32>
        tpu.vector_store %arg30[%swap3A_182, %swap3A_183], %broadcast_in_dim3A_181 {strides = array<i32>} : memref<1x256xf32, #tpu.memory_space<vmem>>, vector<1x256xf32>,
        %broadcast_in_dim3A_185 = arith.constant -3.000000e+38 : f32
        %broadcast_in_dim3A_186 = vector.broadcast %broadcast_in_dim3A_185 : f32 to vector<1x256xf32>
        %swap3A_187 = arith.constant 0 : index
        %swap3A_188 = arith.constant 0 : index
        %swap3A_189 = vector.load %arg31[%swap3A_187, %swap3A_188] : memref<1x256xf32, #tpu.memory_space<vmem>>, vector<1x256xf32>
        tpu.vector_store %arg31[%swap3A_187, %swap3A_188], %broadcast_in_dim3A_186 {strides = array<i32>} : memref<1x256xf32, #tpu.memory_space<vmem>>, vector<1x256xf32>,
        %broadcast_in_dim3A_190 = arith.constant 0.000000e+00 : f32
        %broadcast_in_dim3A_191 = vector.broadcast %broadcast_in_dim3A_190 : f32 to vector<1x256xf32>
        %swap3A_192 = arith.constant 0 : index
        %swap3A_193 = arith.constant 0 : index
        %swap3A_194 = vector.load %arg32[%swap3A_192, %swap3A_193] : memref<1x256xf32, #tpu.memory_space<vmem>>, vector<1x256xf32>
        tpu.vector_store %arg32[%swap3A_192, %swap3A_193], %broadcast_in_dim3A_191 {strides = array<i32>} : memref<1x256xf32, #tpu.memory_space<vmem>>, vector<1x256xf32>,
        %broadcast_in_dim3A_195 = arith.constant 0.000000e+00 : f32
        %broadcast_in_dim3A_196 = vector.broadcast %broadcast_in_dim3A_195 : f32 to vector<1x256xf32>
        %swap3A_197 = arith.constant 0 : index
        %swap3A_198 = arith.constant 0 : index
        %swap3A_199 = vector.load %arg33[%swap3A_197, %swap3A_198] : memref<1x256xf32, #tpu.memory_space<vmem>>, vector<1x256xf32>
        tpu.vector_store %arg33[%swap3A_197, %swap3A_198], %broadcast_in_dim3A_196 {strides = array<i32>} : memref<1x256xf32, #tpu.memory_space<vmem>>, vector<1x256xf32>,
        %broadcast_in_dim3A_200 = arith.constant 0.000000e+00 : f32
        %broadcast_in_dim3A_201 = vector.broadcast %broadcast_in_dim3A_200 : f32 to vector<128x256xf32>
        %swap3A_202 = arith.constant 0 : index
        %swap3A_203 = arith.constant 0 : index
        %swap3A_204 = vector.load %arg34[%swap3A_202, %swap3A_203] : memref<128x256xf32, #tpu.memory_space<vmem>>, vector<128x256xf32>
        tpu.vector_store %arg34[%swap3A_202, %swap3A_203], %broadcast_in_dim3A_201 {strides = array<i32>} : memref<128x256xf32, #tpu.memory_space<vmem>>, vector<128x256xf32>,
        %broadcast_in_dim3A_205 = arith.constant 0.000000e+00 : f32
        %broadcast_in_dim3A_206 = vector.broadcast %broadcast_in_dim3A_205 : f32 to vector<128x256xf32>
        %swap3A_207 = arith.constant 0 : index
        %swap3A_208 = arith.constant 0 : index
        %swap3A_209 = vector.load %arg35[%swap3A_207, %swap3A_208] : memref<128x256xf32, #tpu.memory_space<vmem>>, vector<128x256xf32>
        tpu.vector_store %arg35[%swap3A_207, %swap3A_208], %broadcast_in_dim3A_206 {strides = array<i32>} : memref<128x256xf32, #tpu.memory_space<vmem>>, vector<128x256xf32>,
      } else {
      }
      %get3A_30 = arith.constant 0 : index
      %get3A_31 = arith.constant 0 : index
      %get3A_32 = vector.load %arg5[%get3A_30, %get3A_31] : memref<2000x128xf32, #tpu.memory_space<vmem>>, vector<2000x128xf32>
      %get3A_33 = arith.constant 0 : index
      %get3A_34 = arith.constant 0 : index
      %get3A_35 = vector.load %arg28[%get3A_33, %get3A_34] : memref<256x128xf32, #tpu.memory_space<vmem>>, vector<256x128xf32>
      %dot_general3A = arith.constant dense<0.000000e+00> : vector<2000x128xf32>
      %dot_general3A_36 = tpu.matmul %convert_element_type3A_5, %get3A_35, %dot_general3A {dimension_numbers = #tpu.dot_dimension_numbers<[1], [0], [0], [1], [0, 0, 1, 1], [], []>, transpose_lhs_hint = false} : vector<2000x256xf32>, vector<256x128xf32>, vector<2000x128xf32> -> vector<2000x128xf32>
      %mul3A = arith.mulf %get3A_32, %dot_general3A_36 : vector<2000x128xf32>
      %reduce_sum3A = arith.constant dense<0.000000e+00> : vector<2000xf32>
      %reduce_sum3A_37 = vector.multi_reduction <add>, %mul3A, %reduce_sum3A [1] : vector<2000x128xf32> to vector<2000xf32>
      %broadcast_in_dim3A = vector.shape_cast %reduce_sum3A_37 : vector<2000xf32> to vector<2000x1xf32>
      %gt3A = arith.constant 5.000000e-01 : f32
      %gt3A_38 = vector.broadcast %gt3A : f32 to vector<2000x256xf32>
      %gt3A_39 = arith.cmpf ogt, %convert_element_type3A_5, %gt3A_38 : vector<2000x256xf32>
      %jit3A = arith.constant -3.000000e+38 : f32
      %broadcast_in_dim3A_40 = vector.shape_cast %broadcast_in_dim3A : vector<2000x1xf32> to vector<2000x1xf32>
      %broadcast_in_dim3A_41 = vector.broadcast %broadcast_in_dim3A_40 : vector<2000x1xf32> to vector<2000x256xf32>
      %broadcast_in_dim3A_42 = vector.broadcast %jit3A : f32 to vector<2000x256xf32>
      %select_n3A = arith.select %gt3A_39, %broadcast_in_dim3A_41, %broadcast_in_dim3A_42 : vector<2000x256xi1>, vector<2000x256xf32>
      %reduce_max3A = arith.constant dense<0xFF800000> : vector<256xf32>
      %reduce_max3A_43 = vector.multi_reduction <maximumf>, %select_n3A, %reduce_max3A [0] : vector<2000x256xf32> to vector<256xf32>
      %broadcast_in_dim3A_44 = vector.shape_cast %reduce_max3A_43 : vector<256xf32> to vector<1x256xf32>
      %get3A_45 = arith.constant 0 : index
      %get3A_46 = arith.constant 0 : index
      %get3A_47 = vector.load %arg30[%get3A_45, %get3A_46] : memref<1x256xf32, #tpu.memory_space<vmem>>, vector<1x256xf32>
      %max3A = arith.maximumf %get3A_47, %broadcast_in_dim3A_44 : vector<1x256xf32>
      %get3A_48 = arith.constant 0 : index
      %get3A_49 = arith.constant 0 : index
      %get3A_50 = vector.load %arg30[%get3A_48, %get3A_49] : memref<1x256xf32, #tpu.memory_space<vmem>>, vector<1x256xf32>
      %sub3A = arith.subf %get3A_50, %max3A : vector<1x256xf32>
      %exp3A = math.exp %sub3A : vector<1x256xf32>
      %swap3A = arith.constant 0 : index
      %swap3A_51 = arith.constant 0 : index
      %swap3A_52 = vector.load %arg30[%swap3A, %swap3A_51] : memref<1x256xf32, #tpu.memory_space<vmem>>, vector<1x256xf32>
      tpu.vector_store %arg30[%swap3A, %swap3A_51], %max3A {strides = array<i32>} : memref<1x256xf32, #tpu.memory_space<vmem>>, vector<1x256xf32>,
      %mul3A_53 = vector.broadcast %max3A : vector<1x256xf32> to vector<2000x256xf32>
      %mul3A_54 = arith.mulf %convert_element_type3A_5, %mul3A_53 : vector<2000x256xf32>
      %reduce_sum3A_55 = arith.constant dense<0.000000e+00> : vector<2000xf32>
      %reduce_sum3A_56 = vector.multi_reduction <add>, %mul3A_54, %reduce_sum3A_55 [1] : vector<2000x256xf32> to vector<2000xf32>
      %broadcast_in_dim3A_57 = vector.shape_cast %reduce_sum3A_56 : vector<2000xf32> to vector<2000x1xf32>
      %sub3A_58 = arith.subf %broadcast_in_dim3A, %broadcast_in_dim3A_57 : vector<2000x1xf32>
      %exp3A_59 = math.exp %sub3A_58 : vector<2000x1xf32>
      %mul3A_60 = vector.broadcast %exp3A_59 : vector<2000x1xf32> to vector<2000x256xf32>
      %mul3A_61 = arith.mulf %convert_element_type3A_5, %mul3A_60 : vector<2000x256xf32>
      %get3A_62 = arith.constant 0 : index
      %get3A_63 = arith.constant 0 : index
      %get3A_64 = vector.load %arg32[%get3A_62, %get3A_63] : memref<1x256xf32, #tpu.memory_space<vmem>>, vector<1x256xf32>
      %mul3A_65 = arith.mulf %get3A_64, %exp3A : vector<1x256xf32>
      %reduce_sum3A_66 = arith.constant dense<0.000000e+00> : vector<256xf32>
      %reduce_sum3A_67 = vector.multi_reduction <add>, %mul3A_61, %reduce_sum3A_66 [0] : vector<2000x256xf32> to vector<256xf32>
      %broadcast_in_dim3A_68 = vector.shape_cast %reduce_sum3A_67 : vector<256xf32> to vector<1x256xf32>
      %add3A = arith.addf %mul3A_65, %broadcast_in_dim3A_68 : vector<1x256xf32>
      %swap3A_69 = arith.constant 0 : index
      %swap3A_70 = arith.constant 0 : index
      %swap3A_71 = vector.load %arg32[%swap3A_69, %swap3A_70] : memref<1x256xf32, #tpu.memory_space<vmem>>, vector<1x256xf32>
      tpu.vector_store %arg32[%swap3A_69, %swap3A_70], %add3A {strides = array<i32>} : memref<1x256xf32, #tpu.memory_space<vmem>>, vector<1x256xf32>,
      %get3A_72 = arith.constant 0 : index
      %get3A_73 = arith.constant 0 : index
      %get3A_74 = vector.load %arg34[%get3A_72, %get3A_73] : memref<128x256xf32, #tpu.memory_space<vmem>>, vector<128x256xf32>
      %mul3A_75 = vector.broadcast %exp3A : vector<1x256xf32> to vector<128x256xf32>
      %mul3A_76 = arith.mulf %get3A_74, %mul3A_75 : vector<128x256xf32>
      %dot_general3A_77 = arith.constant dense<0.000000e+00> : vector<128x256xf32>
      %dot_general3A_78 = tpu.matmul %get3A_32, %mul3A_61, %dot_general3A_77 {dimension_numbers = #tpu.dot_dimension_numbers<[0], [0], [1], [1], [0, 1, 1, 1], [], []>, transpose_lhs_hint = false} : vector<2000x128xf32>, vector<2000x256xf32>, vector<128x256xf32> -> vector<128x256xf32>
      %add3A_79 = arith.addf %mul3A_76, %dot_general3A_78 : vector<128x256xf32>
      %swap3A_80 = arith.constant 0 : index
      %swap3A_81 = arith.constant 0 : index
      %swap3A_82 = vector.load %arg34[%swap3A_80, %swap3A_81] : memref<128x256xf32, #tpu.memory_space<vmem>>, vector<128x256xf32>
      tpu.vector_store %arg34[%swap3A_80, %swap3A_81], %add3A_79 {strides = array<i32>} : memref<128x256xf32, #tpu.memory_space<vmem>>, vector<128x256xf32>,
      %get3A_83 = arith.constant 0 : index
      %get3A_84 = arith.constant 0 : index
      %get3A_85 = vector.load %arg6[%get3A_83, %get3A_84] : memref<2000x128xf32, #tpu.memory_space<vmem>>, vector<2000x128xf32>
      %get3A_86 = arith.constant 0 : index
      %get3A_87 = arith.constant 0 : index
      %get3A_88 = vector.load %arg29[%get3A_86, %get3A_87] : memref<256x128xf32, #tpu.memory_space<vmem>>, vector<256x128xf32>
      %dot_general3A_89 = arith.constant dense<0.000000e+00> : vector<2000x128xf32>
      %dot_general3A_90 = tpu.matmul %convert_element_type3A_5, %get3A_88, %dot_general3A_89 {dimension_numbers = #tpu.dot_dimension_numbers<[1], [0], [0], [1], [0, 0, 1, 1], [], []>, transpose_lhs_hint = false} : vector<2000x256xf32>, vector<256x128xf32>, vector<2000x128xf32> -> vector<2000x128xf32>
      %mul3A_91 = arith.mulf %get3A_85, %dot_general3A_90 : vector<2000x128xf32>
      %reduce_sum3A_92 = arith.constant dense<0.000000e+00> : vector<2000xf32>
      %reduce_sum3A_93 = vector.multi_reduction <add>, %mul3A_91, %reduce_sum3A_92 [1] : vector<2000x128xf32> to vector<2000xf32>
      %broadcast_in_dim3A_94 = vector.shape_cast %reduce_sum3A_93 : vector<2000xf32> to vector<2000x1xf32>
      %gt3A_95 = arith.constant 5.000000e-01 : f32
      %gt3A_96 = vector.broadcast %gt3A_95 : f32 to vector<2000x256xf32>
      %gt3A_97 = arith.cmpf ogt, %convert_element_type3A_5, %gt3A_96 : vector<2000x256xf32>
      %jit3A_98 = arith.constant -3.000000e+38 : f32
      %broadcast_in_dim3A_99 = vector.shape_cast %broadcast_in_dim3A_94 : vector<2000x1xf32> to vector<2000x1xf32>
      %broadcast_in_dim3A_100 = vector.broadcast %broadcast_in_dim3A_99 : vector<2000x1xf32> to vector<2000x256xf32>
      %broadcast_in_dim3A_101 = vector.broadcast %jit3A_98 : f32 to vector<2000x256xf32>
      %select_n3A_102 = arith.select %gt3A_97, %broadcast_in_dim3A_100, %broadcast_in_dim3A_101 : vector<2000x256xi1>, vector<2000x256xf32>
      %reduce_max3A_103 = arith.constant dense<0xFF800000> : vector<256xf32>
      %reduce_max3A_104 = vector.multi_reduction <maximumf>, %select_n3A_102, %reduce_max3A_103 [0] : vector<2000x256xf32> to vector<256xf32>
      %broadcast_in_dim3A_105 = vector.shape_cast %reduce_max3A_104 : vector<256xf32> to vector<1x256xf32>
      %get3A_106 = arith.constant 0 : index
      %get3A_107 = arith.constant 0 : index
      %get3A_108 = vector.load %arg31[%get3A_106, %get3A_107] : memref<1x256xf32, #tpu.memory_space<vmem>>, vector<1x256xf32>
      %max3A_109 = arith.maximumf %get3A_108, %broadcast_in_dim3A_105 : vector<1x256xf32>
      %get3A_110 = arith.constant 0 : index
      %get3A_111 = arith.constant 0 : index
      %get3A_112 = vector.load %arg31[%get3A_110, %get3A_111] : memref<1x256xf32, #tpu.memory_space<vmem>>, vector<1x256xf32>
      %sub3A_113 = arith.subf %get3A_112, %max3A_109 : vector<1x256xf32>
      %exp3A_114 = math.exp %sub3A_113 : vector<1x256xf32>
      %swap3A_115 = arith.constant 0 : index
      %swap3A_116 = arith.constant 0 : index
      %swap3A_117 = vector.load %arg31[%swap3A_115, %swap3A_116] : memref<1x256xf32, #tpu.memory_space<vmem>>, vector<1x256xf32>
      tpu.vector_store %arg31[%swap3A_115, %swap3A_116], %max3A_109 {strides = array<i32>} : memref<1x256xf32, #tpu.memory_space<vmem>>, vector<1x256xf32>,
      %mul3A_118 = vector.broadcast %max3A_109 : vector<1x256xf32> to vector<2000x256xf32>
      %mul3A_119 = arith.mulf %convert_element_type3A_5, %mul3A_118 : vector<2000x256xf32>
      %reduce_sum3A_120 = arith.constant dense<0.000000e+00> : vector<2000xf32>
      %reduce_sum3A_121 = vector.multi_reduction <add>, %mul3A_119, %reduce_sum3A_120 [1] : vector<2000x256xf32> to vector<2000xf32>
      %broadcast_in_dim3A_122 = vector.shape_cast %reduce_sum3A_121 : vector<2000xf32> to vector<2000x1xf32>
      %sub3A_123 = arith.subf %broadcast_in_dim3A_94, %broadcast_in_dim3A_122 : vector<2000x1xf32>
      %exp3A_124 = math.exp %sub3A_123 : vector<2000x1xf32>
      %mul3A_125 = vector.broadcast %exp3A_124 : vector<2000x1xf32> to vector<2000x256xf32>
      %mul3A_126 = arith.mulf %convert_element_type3A_5, %mul3A_125 : vector<2000x256xf32>
      %get3A_127 = arith.constant 0 : index
      %get3A_128 = arith.constant 0 : index
      %get3A_129 = vector.load %arg33[%get3A_127, %get3A_128] : memref<1x256xf32, #tpu.memory_space<vmem>>, vector<1x256xf32>
      %mul3A_130 = arith.mulf %get3A_129, %exp3A_114 : vector<1x256xf32>
      %reduce_sum3A_131 = arith.constant dense<0.000000e+00> : vector<256xf32>
      %reduce_sum3A_132 = vector.multi_reduction <add>, %mul3A_126, %reduce_sum3A_131 [0] : vector<2000x256xf32> to vector<256xf32>
      %broadcast_in_dim3A_133 = vector.shape_cast %reduce_sum3A_132 : vector<256xf32> to vector<1x256xf32>
      %add3A_134 = arith.addf %mul3A_130, %broadcast_in_dim3A_133 : vector<1x256xf32>
      %swap3A_135 = arith.constant 0 : index
      %swap3A_136 = arith.constant 0 : index
      %swap3A_137 = vector.load %arg33[%swap3A_135, %swap3A_136] : memref<1x256xf32, #tpu.memory_space<vmem>>, vector<1x256xf32>
      tpu.vector_store %arg33[%swap3A_135, %swap3A_136], %add3A_134 {strides = array<i32>} : memref<1x256xf32, #tpu.memory_space<vmem>>, vector<1x256xf32>,
      %get3A_138 = arith.constant 0 : index
      %get3A_139 = arith.constant 0 : index
      %get3A_140 = vector.load %arg35[%get3A_138, %get3A_139] : memref<128x256xf32, #tpu.memory_space<vmem>>, vector<128x256xf32>
      %mul3A_141 = vector.broadcast %exp3A_114 : vector<1x256xf32> to vector<128x256xf32>
      %mul3A_142 = arith.mulf %get3A_140, %mul3A_141 : vector<128x256xf32>
      %dot_general3A_143 = arith.constant dense<0.000000e+00> : vector<128x256xf32>
      %dot_general3A_144 = tpu.matmul %get3A_85, %mul3A_126, %dot_general3A_143 {dimension_numbers = #tpu.dot_dimension_numbers<[0], [0], [1], [1], [0, 1, 1, 1], [], []>, transpose_lhs_hint = false} : vector<2000x128xf32>, vector<2000x256xf32>, vector<128x256xf32> -> vector<128x256xf32>
      %add3A_145 = arith.addf %mul3A_142, %dot_general3A_144 : vector<128x256xf32>
      %swap3A_146 = arith.constant 0 : index
      %swap3A_147 = arith.constant 0 : index
      %swap3A_148 = vector.load %arg35[%swap3A_146, %swap3A_147] : memref<128x256xf32, #tpu.memory_space<vmem>>, vector<128x256xf32>
      tpu.vector_store %arg35[%swap3A_146, %swap3A_147], %add3A_145 {strides = array<i32>} : memref<128x256xf32, #tpu.memory_space<vmem>>, vector<128x256xf32>,
      %eq3A_149 = arith.constant 4 : i32
      %eq3A_150 = arith.cmpi eq, %arg1, %eq3A_149 : i32
      %convert_element_type3A_151 = arith.extui %eq3A_150 : i1 to i32
      %cond3A_152 = arith.constant 0 : i32
      %cond3A_153 = arith.cmpi ne, %convert_element_type3A_151, %cond3A_152 : i32
      scf.if %cond3A_153 {
        %get3A_154 = arith.constant 0 : index
        %get3A_155 = arith.constant 0 : index
        %get3A_156 = vector.load %arg26[%get3A_154, %get3A_155] : memref<256x128xf32, #tpu.memory_space<vmem>>, vector<256x128xf32>
        %get3A_157 = arith.constant 0 : index
        %get3A_158 = arith.constant 0 : index
        %get3A_159 = vector.load %arg27[%get3A_157, %get3A_158] : memref<256x1xf32, #tpu.memory_space<vmem>>, vector<256x1xf32>
        %max3A_160 = arith.constant 1.000000e+00 : f32
        %max3A_161 = vector.broadcast %max3A_160 : f32 to vector<256x1xf32>
        %max3A_162 = arith.maximumf %get3A_159, %max3A_161 : vector<256x1xf32>
        %div3A = vector.broadcast %max3A_162 : vector<256x1xf32> to vector<256x128xf32>
        %div3A_163 = arith.divf %get3A_156, %div3A : vector<256x128xf32>
        %get3A_164 = arith.constant 0 : index
        %get3A_165 = arith.constant 0 : index
        %get3A_166 = vector.load %arg34[%get3A_164, %get3A_165] : memref<128x256xf32, #tpu.memory_space<vmem>>, vector<128x256xf32>
        %get3A_167 = arith.constant 0 : index
        %get3A_168 = arith.constant 0 : index
        %get3A_169 = vector.load %arg32[%get3A_167, %get3A_168] : memref<1x256xf32, #tpu.memory_space<vmem>>, vector<1x256xf32>
        %max3A_170 = arith.constant 9.99999971E-10 : f32
        %max3A_171 = vector.broadcast %max3A_170 : f32 to vector<1x256xf32>
        %max3A_172 = arith.maximumf %get3A_169, %max3A_171 : vector<1x256xf32>
        %div3A_173 = vector.broadcast %max3A_172 : vector<1x256xf32> to vector<128x256xf32>
        %div3A_174 = arith.divf %get3A_166, %div3A_173 : vector<128x256xf32>
        %get3A_175 = arith.constant 0 : index
        %get3A_176 = arith.constant 0 : index
        %get3A_177 = vector.load %arg35[%get3A_175, %get3A_176] : memref<128x256xf32, #tpu.memory_space<vmem>>, vector<128x256xf32>
        %get3A_178 = arith.constant 0 : index
        %get3A_179 = arith.constant 0 : index
        %get3A_180 = vector.load %arg33[%get3A_178, %get3A_179] : memref<1x256xf32, #tpu.memory_space<vmem>>, vector<1x256xf32>
        %max3A_181 = arith.constant 9.99999971E-10 : f32
        %max3A_182 = vector.broadcast %max3A_181 : f32 to vector<1x256xf32>
        %max3A_183 = arith.maximumf %get3A_180, %max3A_182 : vector<1x256xf32>
        %div3A_184 = vector.broadcast %max3A_183 : vector<1x256xf32> to vector<128x256xf32>
        %div3A_185 = arith.divf %get3A_177, %div3A_184 : vector<128x256xf32>
        %get3A_186 = arith.constant 0 : index
        %get3A_187 = arith.constant 0 : index
        %get3A_188 = vector.load %arg20[%get3A_186, %get3A_187] : memref<128x128xf32, #tpu.memory_space<vmem>>, vector<128x128xf32>
        %dot_general3A_189 = arith.constant dense<0.000000e+00> : vector<256x128xf32>
        %dot_general3A_190 = tpu.matmul %div3A_163, %get3A_188, %dot_general3A_189 {dimension_numbers = #tpu.dot_dimension_numbers<[1], [0], [0], [1], [0, 0, 1, 1], [], []>, transpose_lhs_hint = false} : vector<256x128xf32>, vector<128x128xf32>, vector<256x128xf32> -> vector<256x128xf32>
        %get3A_191 = arith.constant 0 : index
        %get3A_192 = arith.constant 0 : index
        %get3A_193 = vector.load %arg21[%get3A_191, %get3A_192] : memref<256x128xf32, #tpu.memory_space<vmem>>, vector<128x128xf32>
        %dot_general3A_194 = arith.constant dense<0.000000e+00> : vector<256x128xf32>
        %dot_general3A_195 = tpu.matmul %div3A_174, %get3A_193, %dot_general3A_194 {dimension_numbers = #tpu.dot_dimension_numbers<[0], [0], [1], [1], [0, 1, 1, 1], [], []>, transpose_lhs_hint = false} : vector<128x256xf32>, vector<128x128xf32>, vector<256x128xf32> -> vector<256x128xf32>
        %add3A_196 = arith.addf %dot_general3A_190, %dot_general3A_195 : vector<256x128xf32>
        %get3A_197 = arith.constant 128 : index
        %get3A_198 = arith.constant 0 : index
        %get3A_199 = vector.load %arg21[%get3A_197, %get3A_198] : memref<256x128xf32, #tpu.memory_space<vmem>>, vector<128x128xf32>
        %dot_general3A_200 = arith.constant dense<0.000000e+00> : vector<256x128xf32>
        %dot_general3A_201 = tpu.matmul %div3A_185, %get3A_199, %dot_general3A_200 {dimension_numbers = #tpu.dot_dimension_numbers<[0], [0], [1], [1], [0, 1, 1, 1], [], []>, transpose_lhs_hint = false} : vector<128x256xf32>, vector<128x128xf32>, vector<256x128xf32> -> vector<256x128xf32>
        %add3A_202 = arith.addf %add3A_196, %dot_general3A_201 : vector<256x128xf32>
        %get3A_203 = arith.constant 0 : index
        %get3A_204 = arith.constant 0 : index
        %get3A_205 = vector.load %arg22[%get3A_203, %get3A_204] : memref<1x128xf32, #tpu.memory_space<vmem>>, vector<1x128xf32>
        %add3A_206 = vector.broadcast %get3A_205 : vector<1x128xf32> to vector<256x128xf32>
        %add3A_207 = arith.addf %add3A_202, %add3A_206 : vector<256x128xf32>
        %max3A_208 = arith.constant 0.000000e+00 : f32
        %max3A_209 = vector.broadcast %max3A_208 : f32 to vector<256x128xf32>
        %max3A_210 = arith.maximumf %add3A_207, %max3A_209 : vector<256x128xf32>
        %get3A_211 = arith.constant 0 : index
        %get3A_212 = arith.constant 0 : index
        %get3A_213 = vector.load %arg23[%get3A_211, %get3A_212] : memref<128x1xf32, #tpu.memory_space<vmem>>, vector<128x1xf32>
        %dot_general3A_214 = arith.constant dense<0.000000e+00> : vector<256x1xf32>
        %dot_general3A_215 = tpu.matmul %max3A_210, %get3A_213, %dot_general3A_214 {dimension_numbers = #tpu.dot_dimension_numbers<[1], [0], [0], [1], [0, 0, 1, 1], [], []>, transpose_lhs_hint = false} : vector<256x128xf32>, vector<128x1xf32>, vector<256x1xf32> -> vector<256x1xf32>
        %get3A_216 = arith.constant 0 : index
        %get3A_217 = arith.constant 0 : index
        %get3A_218 = vector.load %arg24[%get3A_216, %get3A_217] : memref<1x1xf32, #tpu.memory_space<vmem>>, vector<1x1xf32>
        %add3A_219 = vector.broadcast %get3A_218 : vector<1x1xf32> to vector<256x1xf32>
        %add3A_220 = arith.addf %dot_general3A_215, %add3A_219 : vector<256x1xf32>
        %swap3A_221 = arith.constant 0 : index
        %swap3A_222 = arith.constant 0 : index
        %swap3A_223 = vector.load %arg25[%swap3A_221, %swap3A_222] : memref<256x1xf32, #tpu.memory_space<vmem>>, vector<256x1xf32>
        tpu.vector_store %arg25[%swap3A_221, %swap3A_222], %add3A_220 {strides = array<i32>} : memref<256x1xf32, #tpu.memory_space<vmem>>, vector<256x1xf32>,
      } else {
      }
    } else {
    }
    return
  }
  func.func @transform_0(%arg0: i32, %arg1: i32) -> (i32, i32) {
    %eq3A = arith.constant 0 : i32
    %eq3A_0 = arith.cmpi eq, %arg0, %eq3A : i32
    %jit3A = arith.constant 0 : i32
    %select_n3A = arith.select %eq3A_0, %arg1, %jit3A : i32
    %c0_i32 = arith.constant 0 : i32
    %c0_i32_1 = arith.constant 0 : i32
    return %select_n3A, %c0_i32 : i32, i32
  }
  func.func @transform_1(%arg0: i32, %arg1: i32) -> (i32, i32) {
    %eq3A = arith.constant 0 : i32
    %eq3A_0 = arith.cmpi eq, %arg0, %eq3A : i32
    %jit3A = arith.constant 0 : i32
    %select_n3A = arith.select %eq3A_0, %arg1, %jit3A : i32
    %c0_i32 = arith.constant 0 : i32
    %c0_i32_1 = arith.constant 0 : i32
    return %select_n3A, %c0_i32 : i32, i32
  }
  func.func @transform_2(%arg0: i32, %arg1: i32) -> (i32, i32) {
    %eq3A = arith.constant 0 : i32
    %eq3A_0 = arith.cmpi eq, %arg0, %eq3A : i32
    %jit3A = arith.constant 0 : i32
    %select_n3A = arith.select %eq3A_0, %arg1, %jit3A : i32
    %c0_i32 = arith.constant 0 : i32
    %c0_i32_1 = arith.constant 0 : i32
    return %select_n3A, %c0_i32 : i32, i32
  }
  func.func @transform_3(%arg0: i32, %arg1: i32) -> (i32, i32) {
    %eq3A = arith.constant 0 : i32
    %eq3A_0 = arith.cmpi eq, %arg0, %eq3A : i32
    %jit3A = arith.constant 0 : i32
    %select_n3A = arith.select %eq3A_0, %jit3A, %arg1 : i32
    %c0_i32 = arith.constant 0 : i32
    %c0_i32_1 = arith.constant 0 : i32
    return %select_n3A, %c0_i32 : i32, i32
  }
  func.func @transform_4(%arg0: i32, %arg1: i32) -> (i32, i32) {
    %eq3A = arith.constant 0 : i32
    %eq3A_0 = arith.cmpi eq, %arg0, %eq3A : i32
    %jit3A = arith.constant 0 : i32
    %select_n3A = arith.select %eq3A_0, %jit3A, %arg1 : i32
    %c0_i32 = arith.constant 0 : i32
    %c0_i32_1 = arith.constant 0 : i32
    return %select_n3A, %c0_i32 : i32, i32
  }
  func.func @transform_5(%arg0: i32, %arg1: i32) -> (i32, i32) {
    %c0_i32 = arith.constant 0 : i32
    %c0_i32_0 = arith.constant 0 : i32
    return %arg1, %c0_i32 : i32, i32
  }
  func.func @transform_6(%arg0: i32, %arg1: i32) -> (i32, i32, i32) {
    %c0_i32 = arith.constant 0 : i32
    %c0_i32_0 = arith.constant 0 : i32
    %c0_i32_1 = arith.constant 0 : i32
    return %arg1, %c0_i32, %c0_i32_0 : i32, i32, i32
  }
  func.func @transform_7(%arg0: i32, %arg1: i32) -> (i32, i32) {
    %c0_i32 = arith.constant 0 : i32
    %c0_i32_0 = arith.constant 0 : i32
    %c0_i32_1 = arith.constant 0 : i32
    return %c0_i32, %c0_i32_0 : i32, i32
  }
  func.func @transform_8(%arg0: i32, %arg1: i32) -> (i32, i32) {
    %c0_i32 = arith.constant 0 : i32
    %c0_i32_0 = arith.constant 0 : i32
    %c0_i32_1 = arith.constant 0 : i32
    return %c0_i32, %c0_i32_0 : i32, i32
  }
  func.func @transform_9(%arg0: i32, %arg1: i32) -> (i32, i32) {
    %c0_i32 = arith.constant 0 : i32
    %c0_i32_0 = arith.constant 0 : i32
    %c0_i32_1 = arith.constant 0 : i32
    return %c0_i32, %c0_i32_0 : i32, i32
  }
  func.func @transform_10(%arg0: i32, %arg1: i32) -> (i32, i32) {
    %c0_i32 = arith.constant 0 : i32
    %c0_i32_0 = arith.constant 0 : i32
    %c0_i32_1 = arith.constant 0 : i32
    return %c0_i32, %c0_i32_0 : i32, i32
  }
  func.func @transform_11(%arg0: i32, %arg1: i32) -> (i32, i32) {
    %c0_i32 = arith.constant 0 : i32
    %c0_i32_0 = arith.constant 0 : i32
    %c0_i32_1 = arith.constant 0 : i32
    return %c0_i32, %c0_i32_0 : i32, i32
  }
  func.func @transform_12(%arg0: i32, %arg1: i32) -> (i32, i32) {
    %c0_i32 = arith.constant 0 : i32
    %c0_i32_0 = arith.constant 0 : i32
    %c0_i32_1 = arith.constant 0 : i32
    return %c0_i32, %c0_i32_0 : i32, i32
  }
  func.func @transform_13(%arg0: i32, %arg1: i32) -> (i32, i32) {
    %c0_i32 = arith.constant 0 : i32
    %c0_i32_0 = arith.constant 0 : i32
    %c0_i32_1 = arith.constant 0 : i32
    return %c0_i32, %c0_i32_0 : i32, i32
  }
  func.func @transform_14(%arg0: i32, %arg1: i32) -> (i32, i32) {
    %c0_i32 = arith.constant 0 : i32
    %c0_i32_0 = arith.constant 0 : i32
    %c0_i32_1 = arith.constant 0 : i32
    return %c0_i32, %c0_i32_0 : i32, i32
  }
  func.func @transform_15(%arg0: i32, %arg1: i32) -> (i32, i32) {
    %c0_i32 = arith.constant 0 : i32
    %c0_i32_0 = arith.constant 0 : i32
    %c0_i32_1 = arith.constant 0 : i32
    return %c0_i32, %c0_i32_0 : i32, i32
  }
  func.func @transform_16(%arg0: i32, %arg1: i32) -> (i32, i32) {
    %c0_i32 = arith.constant 0 : i32
    %c0_i32_0 = arith.constant 0 : i32
    %c0_i32_1 = arith.constant 0 : i32
    return %c0_i32, %c0_i32_0 : i32, i32
  }
  func.func @transform_17(%arg0: i32, %arg1: i32) -> (i32, i32) {
    %c0_i32 = arith.constant 0 : i32
    %c0_i32_0 = arith.constant 0 : i32
    %c0_i32_1 = arith.constant 0 : i32
    return %c0_i32, %c0_i32_0 : i32, i32
  }
  func.func @transform_18(%arg0: i32, %arg1: i32) -> (i32, i32) {
    %c0_i32 = arith.constant 0 : i32
    %c0_i32_0 = arith.constant 0 : i32
    %c0_i32_1 = arith.constant 0 : i32
    return %c0_i32, %c0_i32_0 : i32, i32
  }
  func.func @transform_19(%arg0: i32, %arg1: i32) -> (i32, i32) {
    %c0_i32 = arith.constant 0 : i32
    %c0_i32_0 = arith.constant 0 : i32
    %c0_i32_1 = arith.constant 0 : i32
    return %c0_i32, %c0_i32_0 : i32, i32
  }
  func.func @transform_20(%arg0: i32, %arg1: i32) -> (i32, i32) {
    %c0_i32 = arith.constant 0 : i32
    %c0_i32_0 = arith.constant 0 : i32
    %c0_i32_1 = arith.constant 0 : i32
    return %c0_i32, %c0_i32_0 : i32, i32
  }
  func.func @transform_21(%arg0: i32, %arg1: i32) -> (i32, i32) {
    %c0_i32 = arith.constant 0 : i32
    %c0_i32_0 = arith.constant 0 : i32
    %c0_i32_1 = arith.constant 0 : i32
    return %c0_i32, %c0_i32_0 : i32, i32
  }
  func.func @transform_22(%arg0: i32, %arg1: i32) -> (i32, i32) {
    %c0_i32 = arith.constant 0 : i32
    %c0_i32_0 = arith.constant 0 : i32
    %c0_i32_1 = arith.constant 0 : i32
    return %c0_i32, %c0_i32_0 : i32, i32
  }
  func.func @transform_23(%arg0: i32, %arg1: i32) -> (i32, i32) {
    %c0_i32 = arith.constant 0 : i32
    %c0_i32_0 = arith.constant 0 : i32
    %c0_i32_1 = arith.constant 0 : i32
    return %c0_i32, %c0_i32_0 : i32, i32
  }
}

</mosaic_0001>

<sc_bundles>
// kernel: kernel.5.cloned.1.call-start
scs
__scs_entry_jumppad:
0x0: {  	(pc) =	sbr.rel $0x88, $3  }
0x1: {  	(tag) =	ssettag $0x0;
	lr =	simm.s32 $0x1  }
0x2: {  	[smem:$0x3F88] =	sst lr;
	_ =	strace $0xD0000000  }
0x3: {  	_ = 	snop  }
0x4: {  	_ = 	snop  }
0x5: {  	_ = 	snop  }
0x6: {  	_ = 	snop  }
0x7: {  	_ = 	snop  }
__scs_overlays_trampoline_lowered:
0x8: {  	[smem:$0x3F97] =	sst s0  }
0x9: {  	[smem:$0x3F98] =	sst s1  }
0xa: {  	[smem:$0x3F99] =	sst s2  }
0xb: {  	[smem:$0x3F9A] =	sst s3  }
0xc: {  	[smem:$0x3F9B] =	sst s4  }
0xd: {  	[smem:$0x3F9C] =	sst s5  }
0xe: {  	[smem:$0x3F9D] =	sst s6  }
0xf: {  	[smem:$0x3F9E] =	sst s7  }
0x10: {  	[smem:$0x3F9F] =	sst s8  }
0x11: {  	[smem:$0x3FA0] =	sst s9;
	s0 =	simm.s32 @!p0 $0x0  }
0x12: {  	s1 =	sld [smem:$0x3F86];
	s0 =	simm.s32 @p0 $0x1  }
0x13: {  	[smem:$0x3FA1] =	sst s0;
	s0 =	simm.s32 @!p1 $0x0  }
0x14: {  	s2 =	sld [smem:$0x3F85];
	s0 =	simm.s32 @p1 $0x1  }
0x15: {  	[smem:$0x3FA2] =	sst s0;
	s0 =	simm.s32 @!p2 $0x0  }
0x16: {  	s3 =	sld [smem:$0x3FDB];
	s0 =	simm.s32 @p2 $0x1  }
0x17: {  	s4 =	simm.s32 $0x1BF5;
	[smem:$0x3FA4] =	sst s0  }
0x18: {  	s0 =	sld [smem:$0x3F87];
	_ =	swait.ge [sflag:s4], $0x0  }
0x19: {  	s7 =	sld [smem:$0x3F88]  }
0x1a: {  	s8 =	sadd.s32 $0xFFFFE003, lr  }
0x1b: {  	s9 =	sadd.s32 $0xFFFFFEF7, lr;
	s5 =	simm.s32 $0xFFFFFFFF;
	p2 =	slt.u32 s8, $0xFFFFF086  }
0x1c: {  	p1 =	slt.u32 s9, $0xF7A;
	s5 =	simm.s32 @!p2 $0x0  }
0x1d: {  	s5 =	simm.s32 @p1 $0x1;
	p0 =	seq.s32 s7, s2  }
0x1e: {  	s7 =	smul.u32 @!p0 $0xF7A, s2;
	p2 =	seq.s32 @!p0 s5, $0x0  }
0x1f: {  	s9 =	smul.u32 $0xF7A, s1;
	s8 =	simm.s32 @!p0 $0x1BF5;
	p2 =	por !p2, p0  }
0x20: {  	[sflag:s8] =	ssyncset.s32 @!p0 $0xFFFFF086;
	s6 =	sadd.s32 @!p0 s3, s7;
	s7 =	simm.s32 @!p0 $0x108  }
0x21: {  	s3 =	sadd.s32 s3, s9;
	s6 =	sadd.s32 @!p0 $0x88, s6;
	s7 =	simm.s32 @p2 $0x1082  }
0x22: {  	[simem:s7], [sflag:s8] =	dma.local @!p0 [hbm:s6], $0xF7A  }
0x23: {  	s9 =	sor.u32 $0xD0000000, s2;
	s6 =	simm.s32 $0x108;
	_ =	swait.ge @!p0 [sflag:s8], $0x0  }
0x24: {  	s3 =	sadd.s32 $0x88, s3;
	s6 =	simm.s32 @!p1 $0x1082;
	[sflag:s4] =	ssyncset.s32 $0xFFFFF086  }
0x25: {  	[simem:s6], [sflag:s4] =	dma.local [hbm:s3], $0xF7A  }
0x26: {  	[smem:$0x3F88] =	sst s1;
	(tag) =	ssettag s2;
	_ =	strace s9  }
0x27: {  	s1 =	sld [smem:$0x3F98]  }
0x28: {  	s2 =	sld [smem:$0x3F99]  }
0x29: {  	s4 =	sld [smem:$0x3F9B]  }
0x2a: {  	p0 =	seq.s32 s5, $0x0;
	s5 =	sld [smem:$0x3F9C]  }
0x2b: {  	s6 =	sld [smem:$0x3F9D]  }
0x2c: {  	s7 =	sld [smem:$0x3F9E]  }
0x2d: {  	s3 =	simm.s32 $0x108;
	s8 =	sld [smem:$0x3F9F]  }
0x2e: {  	s3 =	simm.s32 @!p0 $0x1082;
	s9 =	sld [smem:$0x3FA0]  }
0x2f: {  	lr =	sadd.s32 s0, s3;
	s0 =	sld [smem:$0x3F97]  }
0x30: {  	s3 =	sld [smem:$0x3F9A]  }
0x31: {  	[smem:$0x3FA3] =	sst s10  }
0x32: {  	s10 =	sld [smem:$0x3FA1];
	_ =	sdelay $0x3  }
0x33: {  	p0 =	seq.s32 s10, $0x1;
	s10 =	sld [smem:$0x3FA3];
	_ =	sdelay $0x3  }
0x34: {  	[smem:$0x3FA3] =	sst s10  }
0x35: {  	s10 =	sld [smem:$0x3FA2];
	_ =	sdelay $0x3  }
0x36: {  	p1 =	seq.s32 s10, $0x1;
	s10 =	sld [smem:$0x3FA3];
	_ =	sdelay $0x3  }
0x37: {  	[smem:$0x3FA3] =	sst s10  }
0x38: {  	s10 =	sld [smem:$0x3FA4]  }
0x39: {  	_ = 	snop;
	(pc) =	sbr.ind lr, $3  }
0x3a: {  	_ = 	snop  }
0x3b: {  	_ = 	snop  }
0x3c: {  	p2 =	seq.s32 s10, $0x1;
	s10 =	sld [smem:$0x3FA3]  }
0x3d: {  	_ =	shalt  }
0x3e: {  	_ =	shalt  }
0x3f: {  	_ =	shalt  }
0x40: {  	_ =	shalt  }
0x41: {  	_ =	shalt  }
0x42: {  	_ =	shalt  }
0x43: {  	_ =	shalt  }
0x44: {  	_ =	shalt  }
0x45: {  	_ =	shalt  }
0x46: {  	_ =	shalt  }
0x47: {  	_ =	shalt  }
0x48: {  	_ =	shalt  }
0x49: {  	_ =	shalt  }
0x4a: {  	_ =	shalt  }
0x4b: {  	_ =	shalt  }
0x4c: {  	_ =	shalt  }
0x4d: {  	_ =	shalt  }
0x4e: {  	_ =	shalt  }
0x4f: {  	_ =	shalt  }
0x50: {  	_ =	shalt  }
0x51: {  	_ =	shalt  }
0x52: {  	_ =	shalt  }
0x53: {  	_ =	shalt  }
0x54: {  	_ =	shalt  }
0x55: {  	_ =	shalt  }
0x56: {  	_ =	shalt  }
0x57: {  	_ =	shalt  }
0x58: {  	_ =	shalt  }
0x59: {  	_ =	shalt  }
0x5a: {  	_ =	shalt  }
0x5b: {  	_ =	shalt  }
0x5c: {  	_ =	shalt  }
0x5d: {  	_ =	shalt  }
0x5e: {  	_ =	shalt  }
0x5f: {  	_ =	shalt  }
0x60: {  	_ =	shalt  }
0x61: {  	_ =	shalt  }
0x62: {  	_ =	shalt  }
0x63: {  	_ =	shalt  }
0x64: {  	_ =	shalt  }
0x65: {  	_ =	shalt  }
0x66: {  	_ =	shalt  }
0x67: {  	_ =	shalt  }
0x68: {  	_ =	shalt  }
0x69: {  	_ =	shalt  }
0x6a: {  	_ =	shalt  }
0x6b: {  	_ =	shalt  }
0x6c: {  	_ =	shalt  }
0x6d: {  	_ =	shalt  }
0x6e: {  	_ =	shalt  }
0x6f: {  	_ =	shalt  }
0x70: {  	_ =	shalt  }
0x71: {  	_ =	shalt  }
0x72: {  	_ =	shalt  }
0x73: {  	_ =	shalt  }
0x74: {  	_ =	shalt  }
0x75: {  	_ =	shalt  }
0x76: {  	_ =	shalt  }
0x77: {  	_ =	shalt  }
0x78: {  	_ =	shalt  }
0x79: {  	_ =	shalt  }
0x7a: {  	_ =	shalt  }
0x7b: {  	_ =	shalt  }
0x7c: {  	_ =	shalt  }
0x7d: {  	_ =	shalt  }
0x7e: {  	_ =	shalt  }
0x7f: {  	_ =	shalt  }
0x80: {  	_ =	shalt  }
0x81: {  	_ =	shalt  }
0x82: {  	_ =	shalt  }
0x83: {  	_ =	shalt  }
0x84: {  	_ =	shalt  }
0x85: {  	_ =	shalt  }
0x86: {  	_ =	shalt  }
0x87: {  	_ =	shalt  }
.Lfunc_end0:
.L_simem_size_0:
called_computation_lowered:
.L_overlay_start_0:
0x88: {  	s2 =	sld [smem:$0x3FD9]  }
0x89: {  	s3 =	sld [smem:$0x3FFE];
	_ =	sdelay $0x1  }
0x8a: {  	s1 =	srdreg.scid  }
0x8b: {  	s0 =	sand.u32 $0x1, s1  }
0x8c: {  	s17 =	sshll.u32 s0, $0xA;
	s2 =	sadd.s32 s3, s2  }
0x8d: {  	s2 =	sadd.s32 s2, s17  }
0x8e: {  	[smem:$0x3FAF] =	sst s2  }
0x8f: {  	_ = 	snop  }
0x90: {  	s2 =	sld [smem:$0x3FC8];
	(tm) =	ssettm $0x1  }
0x91: {  	s18 =	sld [smem:$0x3FFB];
	_ =	sdelay $0x3  }
0x92: {  	_ =	strace s18  }
0x93: {  	s3 =	sld [smem:$0x3FFC];
	_ =	sdelay $0x3  }
0x94: {  	_ =	strace s3  }
0x95: {  	s3 =	sld [smem:$0x3FFD];
	_ =	sdelay $0x3  }
0x96: {  	_ =	strace s3  }
0x97: {  	_ =	strace $0x8FFFFFFF  }
0x98: {  	s19 =	sld [smem:$0x3FDB];
	_ =	sdelay $0x1  }
0x99: {  	s4 =	simm.s32 $_scs_section_size  }
0x9a: {  	s5 =	simm.s32 $_size__tile_overlayer_lowered;
	s6 =	simm.s32 $_tile_overlayer_lowered  }
0x9b: {  	s22 =	simm.s32 $0x1BFF;
	s21 =	sshll.u32 s6, $0x1;
	s3 =	sadd.s32 s4, s19  }
0x9c: {  	s7 =	simm.s32 $0x0;
	s20 =	sshll.u32 s5, $0x1;
	s5 =	sadd.s32 s21, s3  }
0x9d: {  	[timem:s7], [sflag:s22] =	dma.local [hbm:s5], s20  }
0x9e: {  	_ =	swait.ge [sflag:s22], s20  }
0x9f: {  	s4 =	ssub.s32 $0x0, s20;
	[sflag:s22] =	ssyncset.done $0x0  }
0xa0: {  	[sflag:s22] =	ssyncadd.s32 s4;
	_ =	sdelay $0x1  }
0xa1: {  	s23 =	simm.s32 $0x1B8B  }
0xa2: {  	_ =	swait.ge [sflag:s23], $0x1  }
0xa3: {  	[sflag:s23] =	ssyncset.done $0x0  }
0xa4: {  	s25 =	simm.s32 $0x1B8E;
	s24 =	sld [smem:$0x3FFE];
	[sflag:s23] =	ssyncadd.s32 $0xFFFFFFFF  }
0xa5: {  	s26 =	simm.s32 $execute0_lowered;
	[smem:$0x3FD2] =	sst s25  }
0xa6: {  	s5 =	sshll.u32 s26, $0x1;
	_ =	strace $0x80000046;
	[dreg:$0x1] =	wrdreg $0xFFFFFFFF  }
0xa7: {  	s28 =	simm.s32 $_size_execute0_lowered;
	s3 =	sadd.s32 s3, s5;
	[dreg:$0x0] =	wrdreg $0x0  }
0xa8: {  	s5 =	sshll.u32 s28, $0x1;
	[dreg:$0x2] =	wrdreg s3  }
0xa9: {  	[dreg:$0x3] =	wrdreg s5  }
0xaa: {  	[dreg:$0x4] =	wrdreg $0xC0  }
0xab: {  	_ =	task [dreg:s7], $0x5FFFF  }
0xac: {  	[dreg:$0x1] =	wrdreg $0xFFFFFFFF  }
0xad: {  	[dreg:$0x0] =	wrdreg $0x60  }
0xae: {  	[dreg:$0x2] =	wrdreg s2  }
0xaf: {  	[dreg:$0x3] =	wrdreg s24  }
0xb0: {  	[dreg:$0x4] =	wrdreg $0xB0000  }
0xb1: {  	[dreg:$0x5] =	wrdreg $0x9  }
0xb2: {  	_ =	task.clear_ibuf [dreg:s7], $0x6FFFF;
	_ =	strace $0x90000046  }
0xb3: {  	s29 =	simm.s32 $0x9;
	_ =	strace $0x80000048  }
0xb4: {  	_ =	swait.ge [sflag:s29], $0x1  }
0xb5: {  	[sflag:s29] =	ssyncadd.s32 $0xFFFFFFFF  }
0xb6: {  	_ =	strace $0x90000048  }
0xb7: {  	_ =	sfence  }
0xb8: {  	s30 =	sld [smem:$0x0];
	_ =	sdelay $0x2  }
0xb9: {  	s31 =	sshll.u32 s1, $0xD;
	s1 =	sshrl.u32 s1, $0x2  }
0xba: {  	s3 =	sand.u32 $0x4000, s31;
	s1 =	sadd.s32 s1, s30  }
0xbb: {  	s0 =	sor.u32 s3, s0;
	s1 =	sshll.u32 s1, $0x11  }
0xbc: {  	s0 =	sor.u32 s1, s0  }
0xbd: {  	s0 =	sadd.s32 $0x8F2B, s0  }
0xbe: {  	[sflag:s0] =	ssyncadd.remote.s32 $0x1  }
0xbf: {  	_ =	sfence.sel $0xFFFF  }
0xc0: {  	[dreg:$0x0] =	wrdreg $0xFFFFFFFF;
	(pc) =	sbr.abs _section_cstart, $3  }
0xc1: {  	[dreg:$0x1] =	wrdreg $0xFFFFFFFF  }
0xc2: {  	_ =	task.clear_ibuf [dreg:s7], $0x2FFFF;
	_ =	strace $0x9FFFFFFF  }
0xc3: {  	(tm) =	ssettm $0x7FFFFFFF  }
tec
execute0_lowered:
.L_overlay_start_1:
0x0: {  	(tag) =	ssettag $0x1  }
0x1: {  	s1 =	rddreg [dreg:$0x0]  }
0x2: {  	s0 =	rddreg [dreg:$0x1]  }
0x3: {  	s2 =	rddreg [dreg:$0x2];
	s3 =	simm.s32 $0x0  }
0x4: {  	s4 =	srdreg.scid;
	s12 =	stileid.u32;
	s13 =	simm.s32 $0x4  }
0x5: {  	[smem:$0x7FF] =	sst s3;
	s5 =	sadd.s32 $0x17C00, s0;
	s6 =	sadd.s32 $0x3C00, s0  }
0x6: {  	s7 =	sadd.s32 $0xDC00, s0;
	s4 =	sand.u32 $0x1, s4;
	s8 =	smul.u32 $0x50000, s12  }
0x7: {  	s9 =	sadd.s32 $0x3EE00, s0;
	s0 =	sadd.s32 $0x66E00, s0;
	s17 =	smul.u32 $0x2800, s12  }
0x8: {  	_ =	strace $0x80000047;
	[dreg:$0x4] =	wrdreg s9;
	s9 =	smul.u32 $0x5000, s12  }
0x9: {  	s10 =	ssub.s32 $0x2, s4;
	[dreg:$0x5] =	wrdreg s0;
	p0 =	sne.s32 s4, $0x0  }
0xa: {  	s14 =	sshrl.u32 s10, $0x1;
	s8 =	sshrl.u32 s8, $0x2;
	s15 =	sshrl.u32 s9, $0x3  }
0xb: {  	[dreg:$0x8] =	wrdreg s17;
	s0 =	ssub.s32 s10, s14;
	s16 =	sadd.s32 s6, s15  }
0xc: {  	s11 =	sadd.s32 s8, s2;
	s8 =	sadd.s32 s7, s15;
	[dreg:$0x6] =	wrdreg s16  }
0xd: {  	s12 =	simm.s32 $0xA000;
	s0 =	smax.u32 s0, $0x1;
	[dreg:$0x7] =	wrdreg s8  }
0xe: {  	s17 =	simm.s32 $0x6000;
	s18 =	sadd.s32 $0x1000, s11;
	[dreg:$0x9] =	wrdreg s0  }
0xf: {  	s14 =	simm.s32 $0x1;
	s19 =	sadd.s32 $0x2000, s11;
	[dreg:$0xa] =	wrdreg s18  }
0x10: {  	s20 =	sadd.s32 $0x3000, s11;
	s21 =	sadd.s32 $0x4000, s11;
	[dreg:$0xb] =	wrdreg s19  }
0x11: {  	s22 =	sadd.s32 $0x5000, s11;
	s23 =	sadd.s32 $0x6000, s11;
	[dreg:$0xc] =	wrdreg s20  }
0x12: {  	s24 =	sadd.s32 $0x7000, s11;
	s25 =	sadd.s32 $0x8000, s11;
	[dreg:$0xd] =	wrdreg s21  }
0x13: {  	s26 =	sadd.s32 $0x9000, s11;
	s28 =	sadd.s32 $0xC000, s11;
	[dreg:$0xe] =	wrdreg s22  }
0x14: {  	s29 =	sadd.s32 $0xD000, s11;
	s30 =	sadd.s32 $0xE000, s11;
	[dreg:$0xf] =	wrdreg s23  }
.Ltmp0:
0x15: {  	s31 =	sadd.s32 $0xF000, s11;
	[dreg:$0x10] =	wrdreg s24;
	(pc) =	sbr.rel .LBB2_1-.Ltmp0, $4  }
0x16: {  	s10 =	sadd.s32 $0x12000, s11;
	s4 =	sadd.s32 $0x13000, s11;
	[dreg:$0x11] =	wrdreg s25  }
0x17: {  	s15 =	simm.s32 $0x7D;
	[dreg:$0x12] =	wrdreg s26;
	s25 =	sadd.s32 $0xA000, s11  }
0x18: {  	s26 =	sadd.s32 $0xB000, s11;
	s0 =	sadd.s32 $0x10000, s11;
	s8 =	sadd.s32 $0x11000, s11  }
0x19: {  	v0 =	vimm.f32 $0.0e+00;
	s16 =	simm.s32 $0x2000;
	s18 =	simm.s32 $0x2;
	s19 =	simm.s32 $0x0  }
.LBB2_13:
0x1a: {  	s20 =	rddreg [dreg:$0x5]  }
.LBB2_14:
0x1b: {  	s21 =	rddreg [dreg:$0x8];
	s23 =	stileid.u32  }
0x1c: {  	s20 =	sadd.s32 s20, s21;
	s21 =	sshll.u32 s23, $0x6  }
0x1d: {  	[bflag:$0x0] =	sbarrier.arrive $0xFFFF;
	s22 =	sshrl.u32 s11, $0x3;
	s21 =	sor.u32 $0x1C04, s21  }
0x1e: {  	[hbm:s20], [sflag:s21] =	dma.local [spmem:s22], $0x2800  }
0x1f: {  	_ =	swait.ge [sflag:s13], $0x2800  }
0x20: {  	s19 =	sadd.s32 $0x1, s19;
	s24 =	rddreg [dreg:$0x9]  }
0x21: {  	p1 =	sne.s32 s19, s24  }
.Ltmp1:
0x22: {  	_ = 	snop;
	(pc) =	sbr.rel @!p1 .LBB2_15-.Ltmp1, $3  }
0x23: {  	_ =	sdelay $0x1  }
0x24: {  	[sflag:s13] =	ssyncset.done $0x0  }
0x25: {  	[sflag:s13] =	ssyncadd.s32 $0xFFFFD800  }
.LBB2_1:
0x26: {  	s20 =	sand.u32 $0x3E00, s3  }
0x27: {  	s21 =	sand.u32 $0x70, s3;
	s22 =	sshrl.u32 s20, $0x2  }
0x28: {  	s20 =	simm.s32 $0x40;
	s22 =	sor.u32 s21, s22;
	s21 =	simm.s32 $0x0  }
.LBB2_2:
0x29: {  	p1 =	sne.s32 s20, $0x3FC0  }
0x2a: {  	[tilespmem:s22+$0xA000] =	vst v0;
	s21 =	sadd.s32 $0x10, s21;
	s22 =	smov.u32 s20;
	s20 =	sadd.s32 $0x40, s20  }
.Ltmp2:
0x2b: {  	(pc) =	sbr.rel @p1 .LBB2_2-.Ltmp2, $4  }
0x2c: {  	_ = 	snop  }
0x2d: {  	s22 =	sand.u32 $0x3E00, s22  }
0x2e: {  	s23 =	sand.u32 $0x70, s21;
	s22 =	sshrl.u32 s22, $0x2  }
0x2f: {  	s22 =	sor.u32 s23, s22  }
0x30: {  	[tilespmem:s22+$0xA000] =	vst v0  }
0x31: {  	[spmem:s11] =	stream.linear.scatter [tilespmem:s12], [sflag:$0x4], $0x1000, $0x38;
	[tilespmem:$0x1F000] =	vst v63  }
0x32: {  	_ =	swait.ge [sflag:s13], $0x1000  }
0x33: {  	[sflag:s13] =	ssyncset.done $0x0  }
0x34: {  	s20 =	rddreg [dreg:$0xa];
	[sflag:s13] =	ssyncadd.s32 $0xFFFFF000  }
0x35: {  	[spmem:s20] =	stream.linear.scatter [tilespmem:s12], [sflag:$0x4], $0x1000, $0x38;
	[tilespmem:$0x1F000] =	vst v63  }
0x36: {  	_ =	swait.ge [sflag:s13], $0x1000  }
0x37: {  	[sflag:s13] =	ssyncset.done $0x0  }
0x38: {  	s23 =	rddreg [dreg:$0xb];
	[sflag:s13] =	ssyncadd.s32 $0xFFFFF000  }
0x39: {  	[spmem:s23] =	stream.linear.scatter [tilespmem:s12], [sflag:$0x4], $0x1000, $0x38;
	[tilespmem:$0x1F000] =	vst v63  }
0x3a: {  	_ =	swait.ge [sflag:s13], $0x1000  }
0x3b: {  	[sflag:s13] =	ssyncset.done $0x0  }
0x3c: {  	s24 =	rddreg [dreg:$0xc];
	[sflag:s13] =	ssyncadd.s32 $0xFFFFF000  }
0x3d: {  	[spmem:s24] =	stream.linear.scatter [tilespmem:s12], [sflag:$0x4], $0x1000, $0x38;
	[tilespmem:$0x1F000] =	vst v63  }
0x3e: {  	_ =	swait.ge [sflag:s13], $0x1000  }
0x3f: {  	[sflag:s13] =	ssyncset.done $0x0  }
0x40: {  	s21 =	rddreg [dreg:$0xd];
	[sflag:s13] =	ssyncadd.s32 $0xFFFFF000  }
0x41: {  	[spmem:s21] =	stream.linear.scatter [tilespmem:s12], [sflag:$0x4], $0x1000, $0x38;
	[tilespmem:$0x1F000] =	vst v63  }
0x42: {  	_ =	swait.ge [sflag:s13], $0x1000  }
0x43: {  	[sflag:s13] =	ssyncset.done $0x0  }
0x44: {  	s22 =	rddreg [dreg:$0xe];
	[sflag:s13] =	ssyncadd.s32 $0xFFFFF000  }
0x45: {  	[spmem:s22] =	stream.linear.scatter [tilespmem:s12], [sflag:$0x4], $0x1000, $0x38;
	[tilespmem:$0x1F000] =	vst v63  }
0x46: {  	_ =	swait.ge [sflag:s13], $0x1000  }
0x47: {  	[sflag:s13] =	ssyncset.done $0x0  }
0x48: {  	s23 =	rddreg [dreg:$0xf];
	[sflag:s13] =	ssyncadd.s32 $0xFFFFF000  }
0x49: {  	[spmem:s23] =	stream.linear.scatter [tilespmem:s12], [sflag:$0x4], $0x1000, $0x38;
	[tilespmem:$0x1F000] =	vst v63  }
0x4a: {  	_ =	swait.ge [sflag:s13], $0x1000  }
0x4b: {  	[sflag:s13] =	ssyncset.done $0x0  }
0x4c: {  	s24 =	rddreg [dreg:$0x10];
	[sflag:s13] =	ssyncadd.s32 $0xFFFFF000  }
0x4d: {  	[spmem:s24] =	stream.linear.scatter [tilespmem:s12], [sflag:$0x4], $0x1000, $0x38;
	[tilespmem:$0x1F000] =	vst v63  }
0x4e: {  	_ =	swait.ge [sflag:s13], $0x1000  }
0x4f: {  	[sflag:s13] =	ssyncset.done $0x0  }
0x50: {  	s21 =	rddreg [dreg:$0x11];
	[sflag:s13] =	ssyncadd.s32 $0xFFFFF000  }
0x51: {  	[spmem:s21] =	stream.linear.scatter [tilespmem:s12], [sflag:$0x4], $0x1000, $0x38;
	[tilespmem:$0x1F000] =	vst v63  }
0x52: {  	_ =	swait.ge [sflag:s13], $0x1000  }
0x53: {  	[sflag:s13] =	ssyncset.done $0x0  }
0x54: {  	s22 =	rddreg [dreg:$0x12];
	[sflag:s13] =	ssyncadd.s32 $0xFFFFF000  }
0x55: {  	[spmem:s22] =	stream.linear.scatter [tilespmem:s12], [sflag:$0x4], $0x1000, $0x38;
	[tilespmem:$0x1F000] =	vst v63  }
0x56: {  	_ =	swait.ge [sflag:s13], $0x1000  }
0x57: {  	[sflag:s13] =	ssyncset.done $0x0  }
0x58: {  	[sflag:s13] =	ssyncadd.s32 $0xFFFFF000  }
0x59: {  	[spmem:s25] =	stream.linear.scatter [tilespmem:s12], [sflag:$0x4], $0x1000, $0x38;
	[tilespmem:$0x1F000] =	vst v63  }
0x5a: {  	_ =	swait.ge [sflag:s13], $0x1000  }
0x5b: {  	[sflag:s13] =	ssyncset.done $0x0  }
0x5c: {  	[sflag:s13] =	ssyncadd.s32 $0xFFFFF000  }
0x5d: {  	[spmem:s26] =	stream.linear.scatter [tilespmem:s12], [sflag:$0x4], $0x1000, $0x38;
	[tilespmem:$0x1F000] =	vst v63  }
0x5e: {  	_ =	swait.ge [sflag:s13], $0x1000  }
0x5f: {  	[sflag:s13] =	ssyncset.done $0x0  }
0x60: {  	[sflag:s13] =	ssyncadd.s32 $0xFFFFF000  }
0x61: {  	[spmem:s28] =	stream.linear.scatter [tilespmem:s12], [sflag:$0x4], $0x1000, $0x38;
	[tilespmem:$0x1F000] =	vst v63  }
0x62: {  	_ =	swait.ge [sflag:s13], $0x1000  }
0x63: {  	[sflag:s13] =	ssyncset.done $0x0  }
0x64: {  	[sflag:s13] =	ssyncadd.s32 $0xFFFFF000  }
0x65: {  	[spmem:s29] =	stream.linear.scatter [tilespmem:s12], [sflag:$0x4], $0x1000, $0x38;
	[tilespmem:$0x1F000] =	vst v63  }
0x66: {  	_ =	swait.ge [sflag:s13], $0x1000  }
0x67: {  	[sflag:s13] =	ssyncset.done $0x0  }
0x68: {  	[sflag:s13] =	ssyncadd.s32 $0xFFFFF000  }
0x69: {  	[spmem:s30] =	stream.linear.scatter [tilespmem:s12], [sflag:$0x4], $0x1000, $0x38;
	[tilespmem:$0x1F000] =	vst v63  }
0x6a: {  	_ =	swait.ge [sflag:s13], $0x1000  }
0x6b: {  	[sflag:s13] =	ssyncset.done $0x0  }
0x6c: {  	[sflag:s13] =	ssyncadd.s32 $0xFFFFF000  }
0x6d: {  	[spmem:s31] =	stream.linear.scatter [tilespmem:s12], [sflag:$0x4], $0x1000, $0x38;
	[tilespmem:$0x1F000] =	vst v63  }
0x6e: {  	_ =	swait.ge [sflag:s13], $0x1000  }
0x6f: {  	[sflag:s13] =	ssyncset.done $0x0  }
0x70: {  	[sflag:s13] =	ssyncadd.s32 $0xFFFFF000  }
0x71: {  	[spmem:s0] =	stream.linear.scatter [tilespmem:s12], [sflag:$0x4], $0x1000, $0x38;
	[tilespmem:$0x1F000] =	vst v63  }
0x72: {  	_ =	swait.ge [sflag:s13], $0x1000  }
0x73: {  	[sflag:s13] =	ssyncset.done $0x0  }
0x74: {  	[sflag:s13] =	ssyncadd.s32 $0xFFFFF000  }
0x75: {  	[spmem:s8] =	stream.linear.scatter [tilespmem:s12], [sflag:$0x4], $0x1000, $0x38;
	[tilespmem:$0x1F000] =	vst v63  }
0x76: {  	_ =	swait.ge [sflag:s13], $0x1000  }
0x77: {  	[sflag:s13] =	ssyncset.done $0x0  }
0x78: {  	[sflag:s13] =	ssyncadd.s32 $0xFFFFF000  }
0x79: {  	[spmem:s10] =	stream.linear.scatter [tilespmem:s12], [sflag:$0x4], $0x1000, $0x38;
	[tilespmem:$0x1F000] =	vst v63  }
0x7a: {  	_ =	swait.ge [sflag:s13], $0x1000  }
0x7b: {  	[sflag:s13] =	ssyncset.done $0x0  }
0x7c: {  	[sflag:s13] =	ssyncadd.s32 $0xFFFFF000  }
0x7d: {  	[spmem:s4] =	stream.linear.scatter [tilespmem:s12], [sflag:$0x4], $0x1000, $0x38;
	[tilespmem:$0x1F000] =	vst v63  }
0x7e: {  	_ =	swait.ge [sflag:s13], $0x1000  }
0x7f: {  	[sflag:s13] =	ssyncset.done $0x0  }
0x80: {  	[sflag:s13] =	ssyncadd.s32 $0xFFFFF000  }
0x81: {  	[bflag:$0x0] =	sbarrier.arrive $0xFFFF  }
0x82: {  	s20 =	simm.s32 $0x0;
	s21 =	rddreg [dreg:$0x6]  }
0x83: {  	[tilespmem:s20], [sflag:$0x4] =	stream.linear.gather [hbm4b:s21+s20], $0x800, $0x38;
	[tilespmem:$0x1F000] =	vst v63  }
0x84: {  	_ =	swait.ge [sflag:s13], $0x800  }
0x85: {  	[sflag:s13] =	ssyncset.done $0x0  }
0x86: {  	s24 =	simm.s32 $0x1000;
	s23 =	rddreg [dreg:$0x7];
	[sflag:s13] =	ssyncadd.s32 $0xFFFFF800  }
0x87: {  	[tilespmem:s24], [sflag:$0x4] =	stream.linear.gather [hbm4b:s23+s20], $0x800, $0x38;
	[tilespmem:$0x1F000] =	vst v63  }
.Ltmp3:
0x88: {  	_ = 	snop;
	(pc) =	sbr.rel @p0 .LBB2_9-.Ltmp3, $4  }
.Ltmp4:
0x89: {  	_ = 	snop;
	(pc) =	sbr.rel @!p0 .LBB2_4-.Ltmp4, $4  }
0x8a: {  	_ =	swait.ge [sflag:s13], $0x800  }
0x8b: {  	[sflag:s13] =	ssyncset.done $0x0  }
0x8c: {  	[sflag:s13] =	ssyncadd.s32 $0xFFFFF800  }
0x8d: {  	_ = 	snop  }
.LBB2_6:
0x8e: {  	s22 =	sadd.s32 @!p1 $0x1, s20  }
0x8f: {  	s22 =	simm.s32 @p1 $0x1  }
0x90: {  	s21 =	sshll.u32 s22, $0xB  }
0x91: {  	s23 =	sadd.s32 s9, s21;
	s21 =	sshll.u32 s20, $0xB  }
0x92: {  	s21 =	sand.u32 $0x800, s21;
	s20 =	sshrl.u32 s23, $0x3  }
0x93: {  	s23 =	sxor.u32 $0x800, s21;
	s24 =	sadd.s32 s6, s20  }
0x94: {  	[tilespmem:s23], [sflag:$0x3] =	stream.linear.gather [hbm4b:s24+s3], $0x800, $0x38;
	[tilespmem:$0x1F000] =	vst v63  }
0x95: {  	s20 =	sadd.s32 s7, s20;
	s24 =	sxor.u32 $0x1800, s21  }
0x96: {  	[tilespmem:s24], [sflag:$0x3] =	stream.linear.gather [hbm4b:s20+s3], $0x800, $0x38;
	[tilespmem:$0x1F000] =	vst v63  }
0x97: {  	s20 =	smov.u32 s22  }
.LBB2_7:
0x98: {  	[tilespmem:s16], [sflag:$0x1] =	stream.indirect.gather [hbm4b:s1+s15], $0x80, s21, s15, $0xb8;
	[tilespmem:$0x1F000] =	vst v63  }
0x99: {  	s22 =	sor.u32 $0x80, s21  }
0x9a: {  	[tilespmem:s17], [sflag:$0x2] =	stream.indirect.gather [hbm4b:s1+s15], $0x80, s22, s15, $0xb8;
	[tilespmem:$0x1F000] =	vst v63  }
0x9b: {  	_ =	swait.ge [sflag:s14], $0x3E80  }
0x9c: {  	[sflag:s14] =	ssyncset.done $0x0  }
0x9d: {  	s23 =	sor.u32 $0x1000, s21;
	[sflag:s14] =	ssyncadd.s32 $0xFFFFC180  }
0x9e: {  	[spmem:s2] =	stream.indirect.scatter.add.f32 [tilespmem:s16], [sflag:$0x4], $0x80, s23, s15, $0xb8;
	[tilespmem:$0x1F000] =	vst v63  }
0x9f: {  	_ =	swait.ge [sflag:s13], $0x3E80  }
0xa0: {  	[sflag:s13] =	ssyncset.done $0x0  }
0xa1: {  	s24 =	sor.u32 $0x100, s21;
	[sflag:s13] =	ssyncadd.s32 $0xFFFFC180  }
0xa2: {  	[tilespmem:s16], [sflag:$0x1] =	stream.indirect.gather [hbm4b:s1+s15], $0x80, s24, s15, $0xb8;
	[tilespmem:$0x1F000] =	vst v63  }
0xa3: {  	_ =	swait.ge [sflag:s18], $0x3E80  }
0xa4: {  	[sflag:s18] =	ssyncset.done $0x0  }
0xa5: {  	s23 =	sor.u32 $0x1080, s21;
	[sflag:s18] =	ssyncadd.s32 $0xFFFFC180  }
0xa6: {  	[spmem:s2] =	stream.indirect.scatter.add.f32 [tilespmem:s17], [sflag:$0x4], $0x80, s23, s15, $0xb8;
	[tilespmem:$0x1F000] =	vst v63  }
0xa7: {  	_ =	swait.ge [sflag:s13], $0x3E80  }
0xa8: {  	[sflag:s13] =	ssyncset.done $0x0  }
0xa9: {  	s24 =	sor.u32 $0x180, s21;
	[sflag:s13] =	ssyncadd.s32 $0xFFFFC180  }
0xaa: {  	[tilespmem:s17], [sflag:$0x2] =	stream.indirect.gather [hbm4b:s1+s15], $0x80, s24, s15, $0xb8;
	[tilespmem:$0x1F000] =	vst v63  }
0xab: {  	_ =	swait.ge [sflag:s14], $0x3E80  }
0xac: {  	[sflag:s14] =	ssyncset.done $0x0  }
0xad: {  	s23 =	sor.u32 $0x1100, s21;
	[sflag:s14] =	ssyncadd.s32 $0xFFFFC180  }
0xae: {  	[spmem:s2] =	stream.indirect.scatter.add.f32 [tilespmem:s16], [sflag:$0x4], $0x80, s23, s15, $0xb8;
	[tilespmem:$0x1F000] =	vst v63  }
0xaf: {  	_ =	swait.ge [sflag:s13], $0x3E80  }
0xb0: {  	[sflag:s13] =	ssyncset.done $0x0  }
0xb1: {  	s24 =	sor.u32 $0x200, s21;
	[sflag:s13] =	ssyncadd.s32 $0xFFFFC180  }
0xb2: {  	[tilespmem:s16], [sflag:$0x1] =	stream.indirect.gather [hbm4b:s1+s15], $0x80, s24, s15, $0xb8;
	[tilespmem:$0x1F000] =	vst v63  }
0xb3: {  	_ =	swait.ge [sflag:s18], $0x3E80  }
0xb4: {  	[sflag:s18] =	ssyncset.done $0x0  }
0xb5: {  	s23 =	sor.u32 $0x1180, s21;
	[sflag:s18] =	ssyncadd.s32 $0xFFFFC180  }
0xb6: {  	[spmem:s2] =	stream.indirect.scatter.add.f32 [tilespmem:s17], [sflag:$0x4], $0x80, s23, s15, $0xb8;
	[tilespmem:$0x1F000] =	vst v63  }
0xb7: {  	_ =	swait.ge [sflag:s13], $0x3E80  }
0xb8: {  	[sflag:s13] =	ssyncset.done $0x0  }
0xb9: {  	s24 =	sor.u32 $0x280, s21;
	[sflag:s13] =	ssyncadd.s32 $0xFFFFC180  }
0xba: {  	[tilespmem:s17], [sflag:$0x2] =	stream.indirect.gather [hbm4b:s1+s15], $0x80, s24, s15, $0xb8;
	[tilespmem:$0x1F000] =	vst v63  }
0xbb: {  	_ =	swait.ge [sflag:s14], $0x3E80  }
0xbc: {  	[sflag:s14] =	ssyncset.done $0x0  }
0xbd: {  	s23 =	sor.u32 $0x1200, s21;
	[sflag:s14] =	ssyncadd.s32 $0xFFFFC180  }
0xbe: {  	[spmem:s2] =	stream.indirect.scatter.add.f32 [tilespmem:s16], [sflag:$0x4], $0x80, s23, s15, $0xb8;
	[tilespmem:$0x1F000] =	vst v63  }
0xbf: {  	_ =	swait.ge [sflag:s13], $0x3E80  }
0xc0: {  	[sflag:s13] =	ssyncset.done $0x0  }
0xc1: {  	s24 =	sor.u32 $0x300, s21;
	[sflag:s13] =	ssyncadd.s32 $0xFFFFC180  }
0xc2: {  	[tilespmem:s16], [sflag:$0x1] =	stream.indirect.gather [hbm4b:s1+s15], $0x80, s24, s15, $0xb8;
	[tilespmem:$0x1F000] =	vst v63  }
0xc3: {  	_ =	swait.ge [sflag:s18], $0x3E80  }
0xc4: {  	[sflag:s18] =	ssyncset.done $0x0  }
0xc5: {  	s23 =	sor.u32 $0x1280, s21;
	[sflag:s18] =	ssyncadd.s32 $0xFFFFC180  }
0xc6: {  	[spmem:s2] =	stream.indirect.scatter.add.f32 [tilespmem:s17], [sflag:$0x4], $0x80, s23, s15, $0xb8;
	[tilespmem:$0x1F000] =	vst v63  }
0xc7: {  	_ =	swait.ge [sflag:s13], $0x3E80  }
0xc8: {  	[sflag:s13] =	ssyncset.done $0x0  }
0xc9: {  	s24 =	sor.u32 $0x380, s21;
	[sflag:s13] =	ssyncadd.s32 $0xFFFFC180  }
0xca: {  	[tilespmem:s17], [sflag:$0x2] =	stream.indirect.gather [hbm4b:s1+s15], $0x80, s24, s15, $0xb8;
	[tilespmem:$0x1F000] =	vst v63  }
0xcb: {  	_ =	swait.ge [sflag:s14], $0x3E80  }
0xcc: {  	[sflag:s14] =	ssyncset.done $0x0  }
0xcd: {  	s23 =	sor.u32 $0x1300, s21;
	[sflag:s14] =	ssyncadd.s32 $0xFFFFC180  }
0xce: {  	[spmem:s2] =	stream.indirect.scatter.add.f32 [tilespmem:s16], [sflag:$0x4], $0x80, s23, s15, $0xb8;
	[tilespmem:$0x1F000] =	vst v63  }
0xcf: {  	_ =	swait.ge [sflag:s13], $0x3E80  }
0xd0: {  	[sflag:s13] =	ssyncset.done $0x0  }
0xd1: {  	s24 =	sor.u32 $0x400, s21;
	[sflag:s13] =	ssyncadd.s32 $0xFFFFC180  }
0xd2: {  	[tilespmem:s16], [sflag:$0x1] =	stream.indirect.gather [hbm4b:s1+s15], $0x80, s24, s15, $0xb8;
	[tilespmem:$0x1F000] =	vst v63  }
0xd3: {  	_ =	swait.ge [sflag:s18], $0x3E80  }
0xd4: {  	[sflag:s18] =	ssyncset.done $0x0  }
0xd5: {  	s23 =	sor.u32 $0x1380, s21;
	[sflag:s18] =	ssyncadd.s32 $0xFFFFC180  }
0xd6: {  	[spmem:s2] =	stream.indirect.scatter.add.f32 [tilespmem:s17], [sflag:$0x4], $0x80, s23, s15, $0xb8;
	[tilespmem:$0x1F000] =	vst v63  }
0xd7: {  	_ =	swait.ge [sflag:s13], $0x3E80  }
0xd8: {  	[sflag:s13] =	ssyncset.done $0x0  }
0xd9: {  	s24 =	sor.u32 $0x480, s21;
	[sflag:s13] =	ssyncadd.s32 $0xFFFFC180  }
0xda: {  	[tilespmem:s17], [sflag:$0x2] =	stream.indirect.gather [hbm4b:s1+s15], $0x80, s24, s15, $0xb8;
	[tilespmem:$0x1F000] =	vst v63  }
0xdb: {  	_ =	swait.ge [sflag:s14], $0x3E80  }
0xdc: {  	[sflag:s14] =	ssyncset.done $0x0  }
0xdd: {  	s23 =	sor.u32 $0x1400, s21;
	[sflag:s14] =	ssyncadd.s32 $0xFFFFC180  }
0xde: {  	[spmem:s2] =	stream.indirect.scatter.add.f32 [tilespmem:s16], [sflag:$0x4], $0x80, s23, s15, $0xb8;
	[tilespmem:$0x1F000] =	vst v63  }
0xdf: {  	_ =	swait.ge [sflag:s13], $0x3E80  }
0xe0: {  	[sflag:s13] =	ssyncset.done $0x0  }
0xe1: {  	s24 =	sor.u32 $0x500, s21;
	[sflag:s13] =	ssyncadd.s32 $0xFFFFC180  }
0xe2: {  	[tilespmem:s16], [sflag:$0x1] =	stream.indirect.gather [hbm4b:s1+s15], $0x80, s24, s15, $0xb8;
	[tilespmem:$0x1F000] =	vst v63  }
0xe3: {  	_ =	swait.ge [sflag:s18], $0x3E80  }
0xe4: {  	[sflag:s18] =	ssyncset.done $0x0  }
0xe5: {  	s23 =	sor.u32 $0x1480, s21;
	[sflag:s18] =	ssyncadd.s32 $0xFFFFC180  }
0xe6: {  	[spmem:s2] =	stream.indirect.scatter.add.f32 [tilespmem:s17], [sflag:$0x4], $0x80, s23, s15, $0xb8;
	[tilespmem:$0x1F000] =	vst v63  }
0xe7: {  	_ =	swait.ge [sflag:s13], $0x3E80  }
0xe8: {  	[sflag:s13] =	ssyncset.done $0x0  }
0xe9: {  	s24 =	sor.u32 $0x580, s21;
	[sflag:s13] =	ssyncadd.s32 $0xFFFFC180  }
0xea: {  	[tilespmem:s17], [sflag:$0x2] =	stream.indirect.gather [hbm4b:s1+s15], $0x80, s24, s15, $0xb8;
	[tilespmem:$0x1F000] =	vst v63  }
0xeb: {  	_ =	swait.ge [sflag:s14], $0x3E80  }
0xec: {  	[sflag:s14] =	ssyncset.done $0x0  }
0xed: {  	s23 =	sor.u32 $0x1500, s21;
	[sflag:s14] =	ssyncadd.s32 $0xFFFFC180  }
0xee: {  	[spmem:s2] =	stream.indirect.scatter.add.f32 [tilespmem:s16], [sflag:$0x4], $0x80, s23, s15, $0xb8;
	[tilespmem:$0x1F000] =	vst v63  }
0xef: {  	_ =	swait.ge [sflag:s13], $0x3E80  }
0xf0: {  	[sflag:s13] =	ssyncset.done $0x0  }
0xf1: {  	s24 =	sor.u32 $0x600, s21;
	[sflag:s13] =	ssyncadd.s32 $0xFFFFC180  }
0xf2: {  	[tilespmem:s16], [sflag:$0x1] =	stream.indirect.gather [hbm4b:s1+s15], $0x80, s24, s15, $0xb8;
	[tilespmem:$0x1F000] =	vst v63  }
0xf3: {  	_ =	swait.ge [sflag:s18], $0x3E80  }
0xf4: {  	[sflag:s18] =	ssyncset.done $0x0  }
0xf5: {  	s23 =	sor.u32 $0x1580, s21;
	[sflag:s18] =	ssyncadd.s32 $0xFFFFC180  }
0xf6: {  	[spmem:s2] =	stream.indirect.scatter.add.f32 [tilespmem:s17], [sflag:$0x4], $0x80, s23, s15, $0xb8;
	[tilespmem:$0x1F000] =	vst v63  }
0xf7: {  	_ =	swait.ge [sflag:s13], $0x3E80  }
0xf8: {  	[sflag:s13] =	ssyncset.done $0x0  }
0xf9: {  	s24 =	sor.u32 $0x680, s21;
	[sflag:s13] =	ssyncadd.s32 $0xFFFFC180  }
0xfa: {  	[tilespmem:s17], [sflag:$0x2] =	stream.indirect.gather [hbm4b:s1+s15], $0x80, s24, s15, $0xb8;
	[tilespmem:$0x1F000] =	vst v63  }
0xfb: {  	_ =	swait.ge [sflag:s14], $0x3E80  }
0xfc: {  	[sflag:s14] =	ssyncset.done $0x0  }
0xfd: {  	s23 =	sor.u32 $0x1600, s21;
	[sflag:s14] =	ssyncadd.s32 $0xFFFFC180  }
0xfe: {  	[spmem:s2] =	stream.indirect.scatter.add.f32 [tilespmem:s16], [sflag:$0x4], $0x80, s23, s15, $0xb8;
	[tilespmem:$0x1F000] =	vst v63  }
0xff: {  	_ =	swait.ge [sflag:s13], $0x3E80  }
0x100: {  	[sflag:s13] =	ssyncset.done $0x0  }
0x101: {  	s24 =	sor.u32 $0x700, s21;
	[sflag:s13] =	ssyncadd.s32 $0xFFFFC180  }
0x102: {  	[tilespmem:s16], [sflag:$0x1] =	stream.indirect.gather [hbm4b:s1+s15], $0x80, s24, s15, $0xb8;
	[tilespmem:$0x1F000] =	vst v63  }
0x103: {  	_ =	swait.ge [sflag:s18], $0x3E80  }
0x104: {  	[sflag:s18] =	ssyncset.done $0x0  }
0x105: {  	s23 =	sor.u32 $0x1680, s21;
	[sflag:s18] =	ssyncadd.s32 $0xFFFFC180  }
0x106: {  	[spmem:s2] =	stream.indirect.scatter.add.f32 [tilespmem:s17], [sflag:$0x4], $0x80, s23, s15, $0xb8;
	[tilespmem:$0x1F000] =	vst v63  }
0x107: {  	_ =	swait.ge [sflag:s13], $0x3E80  }
0x108: {  	[sflag:s13] =	ssyncset.done $0x0  }
0x109: {  	s24 =	sor.u32 $0x780, s21;
	[sflag:s13] =	ssyncadd.s32 $0xFFFFC180  }
0x10a: {  	[tilespmem:s17], [sflag:$0x2] =	stream.indirect.gather [hbm4b:s1+s15], $0x80, s24, s15, $0xb8;
	[tilespmem:$0x1F000] =	vst v63  }
0x10b: {  	_ =	swait.ge [sflag:s14], $0x3E80  }
0x10c: {  	[sflag:s14] =	ssyncset.done $0x0  }
0x10d: {  	s23 =	sor.u32 $0x1700, s21;
	[sflag:s14] =	ssyncadd.s32 $0xFFFFC180  }
0x10e: {  	[spmem:s2] =	stream.indirect.scatter.add.f32 [tilespmem:s16], [sflag:$0x4], $0x80, s23, s15, $0xb8;
	[tilespmem:$0x1F000] =	vst v63  }
0x10f: {  	_ =	swait.ge [sflag:s13], $0x3E80  }
0x110: {  	[sflag:s13] =	ssyncset.done $0x0  }
0x111: {  	[sflag:s13] =	ssyncadd.s32 $0xFFFFC180  }
0x112: {  	_ =	swait.ge [sflag:s18], $0x3E80  }
0x113: {  	p1 =	slt.u32 s20, $0xA;
	[sflag:s18] =	ssyncset.done $0x0  }
.Ltmp5:
0x114: {  	s24 =	sor.u32 $0x1780, s21;
	[sflag:s18] =	ssyncadd.s32 $0xFFFFC180;
	(pc) =	sbr.rel @!p1 .LBB2_8-.Ltmp5, $4  }
0x115: {  	[spmem:s2] =	stream.indirect.scatter.add.f32 [tilespmem:s17], [sflag:$0x4], $0x80, s24, s15, $0xb8;
	[tilespmem:$0x1F000] =	vst v63  }
0x116: {  	_ =	swait.ge [sflag:s13], $0x3E80  }
0x117: {  	[sflag:s13] =	ssyncset.done $0x0  }
0x118: {  	[sflag:s13] =	ssyncadd.s32 $0xFFFFC180  }
.LBB2_4:
0x119: {  	p1 =	seq.s32 s20, $0x0  }
0x11a: {  	s21 =	simm.s32 @!p1 $0x3;
	p2 =	seq.s32 @!p1 s20, $0x9  }
0x11b: {  	_ =	swait.ge @!p1 [sflag:s21], $0x800;
	p2 =	por p1, !p2  }
.Ltmp6:
0x11c: {  	[sflag:s21] =	ssyncset.done @!p1 $0x0;
	(pc) =	sbr.rel @p2 .LBB2_6-.Ltmp6, $4  }
0x11d: {  	[sflag:s21] =	ssyncadd.s32 @!p1 $0xFFFFF800  }
0x11e: {  	_ =	swait.ge @!p1 [sflag:s21], $0x800  }
0x11f: {  	[sflag:s21] =	ssyncset.done @!p1 $0x0  }
0x120: {  	[sflag:s21] =	ssyncadd.s32 @!p1 $0xFFFFF800  }
.Ltmp7:
0x121: {  	(pc) =	sbr.rel .LBB2_7-.Ltmp7, $2  }
0x122: {  	_ =	sdelay $0x2  }
0x123: {  	s20 =	simm.s32 @!p1 $0xA;
	s21 =	simm.s32 @!p1 $0x800  }
.LBB2_11:
0x124: {  	s22 =	sadd.s32 @!p1 $0x1, s20  }
0x125: {  	s22 =	simm.s32 @p1 $0x1  }
0x126: {  	s21 =	sshll.u32 s22, $0xB  }
0x127: {  	s23 =	sadd.s32 s9, s21;
	s21 =	sshll.u32 s20, $0xB  }
0x128: {  	s21 =	sand.u32 $0x800, s21;
	s20 =	sshrl.u32 s23, $0x3  }
0x129: {  	s23 =	sxor.u32 $0x800, s21;
	s24 =	sadd.s32 s6, s20  }
0x12a: {  	[tilespmem:s23], [sflag:$0x3] =	stream.linear.gather [hbm4b:s24+s3], $0x800, $0x38;
	[tilespmem:$0x1F000] =	vst v63  }
0x12b: {  	s20 =	sadd.s32 s7, s20;
	s24 =	sxor.u32 $0x1800, s21  }
0x12c: {  	[tilespmem:s24], [sflag:$0x3] =	stream.linear.gather [hbm4b:s20+s3], $0x800, $0x38;
	[tilespmem:$0x1F000] =	vst v63  }
0x12d: {  	s20 =	smov.u32 s22  }
.LBB2_12:
0x12e: {  	[tilespmem:s16], [sflag:$0x1] =	stream.indirect.gather [hbm4b:s5+s15], $0x80, s21, s15, $0xb8;
	[tilespmem:$0x1F000] =	vst v63  }
0x12f: {  	s22 =	sor.u32 $0x80, s21  }
0x130: {  	[tilespmem:s17], [sflag:$0x2] =	stream.indirect.gather [hbm4b:s5+s15], $0x80, s22, s15, $0xb8;
	[tilespmem:$0x1F000] =	vst v63  }
0x131: {  	_ =	swait.ge [sflag:s14], $0x3E80  }
0x132: {  	[sflag:s14] =	ssyncset.done $0x0  }
0x133: {  	s23 =	sor.u32 $0x1000, s21;
	[sflag:s14] =	ssyncadd.s32 $0xFFFFC180  }
0x134: {  	[spmem:s2] =	stream.indirect.scatter.add.f32 [tilespmem:s16], [sflag:$0x4], $0x80, s23, s15, $0xb8;
	[tilespmem:$0x1F000] =	vst v63  }
0x135: {  	_ =	swait.ge [sflag:s13], $0x3E80  }
0x136: {  	[sflag:s13] =	ssyncset.done $0x0  }
0x137: {  	s24 =	sor.u32 $0x100, s21;
	[sflag:s13] =	ssyncadd.s32 $0xFFFFC180  }
0x138: {  	[tilespmem:s16], [sflag:$0x1] =	stream.indirect.gather [hbm4b:s5+s15], $0x80, s24, s15, $0xb8;
	[tilespmem:$0x1F000] =	vst v63  }
0x139: {  	_ =	swait.ge [sflag:s18], $0x3E80  }
0x13a: {  	[sflag:s18] =	ssyncset.done $0x0  }
0x13b: {  	s23 =	sor.u32 $0x1080, s21;
	[sflag:s18] =	ssyncadd.s32 $0xFFFFC180  }
0x13c: {  	[spmem:s2] =	stream.indirect.scatter.add.f32 [tilespmem:s17], [sflag:$0x4], $0x80, s23, s15, $0xb8;
	[tilespmem:$0x1F000] =	vst v63  }
0x13d: {  	_ =	swait.ge [sflag:s13], $0x3E80  }
0x13e: {  	[sflag:s13] =	ssyncset.done $0x0  }
0x13f: {  	s24 =	sor.u32 $0x180, s21;
	[sflag:s13] =	ssyncadd.s32 $0xFFFFC180  }
0x140: {  	[tilespmem:s17], [sflag:$0x2] =	stream.indirect.gather [hbm4b:s5+s15], $0x80, s24, s15, $0xb8;
	[tilespmem:$0x1F000] =	vst v63  }
0x141: {  	_ =	swait.ge [sflag:s14], $0x3E80  }
0x142: {  	[sflag:s14] =	ssyncset.done $0x0  }
0x143: {  	s23 =	sor.u32 $0x1100, s21;
	[sflag:s14] =	ssyncadd.s32 $0xFFFFC180  }
0x144: {  	[spmem:s2] =	stream.indirect.scatter.add.f32 [tilespmem:s16], [sflag:$0x4], $0x80, s23, s15, $0xb8;
	[tilespmem:$0x1F000] =	vst v63  }
0x145: {  	_ =	swait.ge [sflag:s13], $0x3E80  }
0x146: {  	[sflag:s13] =	ssyncset.done $0x0  }
0x147: {  	s24 =	sor.u32 $0x200, s21;
	[sflag:s13] =	ssyncadd.s32 $0xFFFFC180  }
0x148: {  	[tilespmem:s16], [sflag:$0x1] =	stream.indirect.gather [hbm4b:s5+s15], $0x80, s24, s15, $0xb8;
	[tilespmem:$0x1F000] =	vst v63  }
0x149: {  	_ =	swait.ge [sflag:s18], $0x3E80  }
0x14a: {  	[sflag:s18] =	ssyncset.done $0x0  }
0x14b: {  	s23 =	sor.u32 $0x1180, s21;
	[sflag:s18] =	ssyncadd.s32 $0xFFFFC180  }
0x14c: {  	[spmem:s2] =	stream.indirect.scatter.add.f32 [tilespmem:s17], [sflag:$0x4], $0x80, s23, s15, $0xb8;
	[tilespmem:$0x1F000] =	vst v63  }
0x14d: {  	_ =	swait.ge [sflag:s13], $0x3E80  }
0x14e: {  	[sflag:s13] =	ssyncset.done $0x0  }
0x14f: {  	s24 =	sor.u32 $0x280, s21;
	[sflag:s13] =	ssyncadd.s32 $0xFFFFC180  }
0x150: {  	[tilespmem:s17], [sflag:$0x2] =	stream.indirect.gather [hbm4b:s5+s15], $0x80, s24, s15, $0xb8;
	[tilespmem:$0x1F000] =	vst v63  }
0x151: {  	_ =	swait.ge [sflag:s14], $0x3E80  }
0x152: {  	[sflag:s14] =	ssyncset.done $0x0  }
0x153: {  	s23 =	sor.u32 $0x1200, s21;
	[sflag:s14] =	ssyncadd.s32 $0xFFFFC180  }
0x154: {  	[spmem:s2] =	stream.indirect.scatter.add.f32 [tilespmem:s16], [sflag:$0x4], $0x80, s23, s15, $0xb8;
	[tilespmem:$0x1F000] =	vst v63  }
0x155: {  	_ =	swait.ge [sflag:s13], $0x3E80  }
0x156: {  	[sflag:s13] =	ssyncset.done $0x0  }
0x157: {  	s24 =	sor.u32 $0x300, s21;
	[sflag:s13] =	ssyncadd.s32 $0xFFFFC180  }
0x158: {  	[tilespmem:s16], [sflag:$0x1] =	stream.indirect.gather [hbm4b:s5+s15], $0x80, s24, s15, $0xb8;
	[tilespmem:$0x1F000] =	vst v63  }
0x159: {  	_ =	swait.ge [sflag:s18], $0x3E80  }
0x15a: {  	[sflag:s18] =	ssyncset.done $0x0  }
0x15b: {  	s23 =	sor.u32 $0x1280, s21;
	[sflag:s18] =	ssyncadd.s32 $0xFFFFC180  }
0x15c: {  	[spmem:s2] =	stream.indirect.scatter.add.f32 [tilespmem:s17], [sflag:$0x4], $0x80, s23, s15, $0xb8;
	[tilespmem:$0x1F000] =	vst v63  }
0x15d: {  	_ =	swait.ge [sflag:s13], $0x3E80  }
0x15e: {  	[sflag:s13] =	ssyncset.done $0x0  }
0x15f: {  	s24 =	sor.u32 $0x380, s21;
	[sflag:s13] =	ssyncadd.s32 $0xFFFFC180  }
0x160: {  	[tilespmem:s17], [sflag:$0x2] =	stream.indirect.gather [hbm4b:s5+s15], $0x80, s24, s15, $0xb8;
	[tilespmem:$0x1F000] =	vst v63  }
0x161: {  	_ =	swait.ge [sflag:s14], $0x3E80  }
0x162: {  	[sflag:s14] =	ssyncset.done $0x0  }
0x163: {  	s23 =	sor.u32 $0x1300, s21;
	[sflag:s14] =	ssyncadd.s32 $0xFFFFC180  }
0x164: {  	[spmem:s2] =	stream.indirect.scatter.add.f32 [tilespmem:s16], [sflag:$0x4], $0x80, s23, s15, $0xb8;
	[tilespmem:$0x1F000] =	vst v63  }
0x165: {  	_ =	swait.ge [sflag:s13], $0x3E80  }
0x166: {  	[sflag:s13] =	ssyncset.done $0x0  }
0x167: {  	s24 =	sor.u32 $0x400, s21;
	[sflag:s13] =	ssyncadd.s32 $0xFFFFC180  }
0x168: {  	[tilespmem:s16], [sflag:$0x1] =	stream.indirect.gather [hbm4b:s5+s15], $0x80, s24, s15, $0xb8;
	[tilespmem:$0x1F000] =	vst v63  }
0x169: {  	_ =	swait.ge [sflag:s18], $0x3E80  }
0x16a: {  	[sflag:s18] =	ssyncset.done $0x0  }
0x16b: {  	s23 =	sor.u32 $0x1380, s21;
	[sflag:s18] =	ssyncadd.s32 $0xFFFFC180  }
0x16c: {  	[spmem:s2] =	stream.indirect.scatter.add.f32 [tilespmem:s17], [sflag:$0x4], $0x80, s23, s15, $0xb8;
	[tilespmem:$0x1F000] =	vst v63  }
0x16d: {  	_ =	swait.ge [sflag:s13], $0x3E80  }
0x16e: {  	[sflag:s13] =	ssyncset.done $0x0  }
0x16f: {  	s24 =	sor.u32 $0x480, s21;
	[sflag:s13] =	ssyncadd.s32 $0xFFFFC180  }
0x170: {  	[tilespmem:s17], [sflag:$0x2] =	stream.indirect.gather [hbm4b:s5+s15], $0x80, s24, s15, $0xb8;
	[tilespmem:$0x1F000] =	vst v63  }
0x171: {  	_ =	swait.ge [sflag:s14], $0x3E80  }
0x172: {  	[sflag:s14] =	ssyncset.done $0x0  }
0x173: {  	s23 =	sor.u32 $0x1400, s21;
	[sflag:s14] =	ssyncadd.s32 $0xFFFFC180  }
0x174: {  	[spmem:s2] =	stream.indirect.scatter.add.f32 [tilespmem:s16], [sflag:$0x4], $0x80, s23, s15, $0xb8;
	[tilespmem:$0x1F000] =	vst v63  }
0x175: {  	_ =	swait.ge [sflag:s13], $0x3E80  }
0x176: {  	[sflag:s13] =	ssyncset.done $0x0  }
0x177: {  	s24 =	sor.u32 $0x500, s21;
	[sflag:s13] =	ssyncadd.s32 $0xFFFFC180  }
0x178: {  	[tilespmem:s16], [sflag:$0x1] =	stream.indirect.gather [hbm4b:s5+s15], $0x80, s24, s15, $0xb8;
	[tilespmem:$0x1F000] =	vst v63  }
0x179: {  	_ =	swait.ge [sflag:s18], $0x3E80  }
0x17a: {  	[sflag:s18] =	ssyncset.done $0x0  }
0x17b: {  	s23 =	sor.u32 $0x1480, s21;
	[sflag:s18] =	ssyncadd.s32 $0xFFFFC180  }
0x17c: {  	[spmem:s2] =	stream.indirect.scatter.add.f32 [tilespmem:s17], [sflag:$0x4], $0x80, s23, s15, $0xb8;
	[tilespmem:$0x1F000] =	vst v63  }
0x17d: {  	_ =	swait.ge [sflag:s13], $0x3E80  }
0x17e: {  	[sflag:s13] =	ssyncset.done $0x0  }
0x17f: {  	s24 =	sor.u32 $0x580, s21;
	[sflag:s13] =	ssyncadd.s32 $0xFFFFC180  }
0x180: {  	[tilespmem:s17], [sflag:$0x2] =	stream.indirect.gather [hbm4b:s5+s15], $0x80, s24, s15, $0xb8;
	[tilespmem:$0x1F000] =	vst v63  }
0x181: {  	_ =	swait.ge [sflag:s14], $0x3E80  }
0x182: {  	[sflag:s14] =	ssyncset.done $0x0  }
0x183: {  	s23 =	sor.u32 $0x1500, s21;
	[sflag:s14] =	ssyncadd.s32 $0xFFFFC180  }
0x184: {  	[spmem:s2] =	stream.indirect.scatter.add.f32 [tilespmem:s16], [sflag:$0x4], $0x80, s23, s15, $0xb8;
	[tilespmem:$0x1F000] =	vst v63  }
0x185: {  	_ =	swait.ge [sflag:s13], $0x3E80  }
0x186: {  	[sflag:s13] =	ssyncset.done $0x0  }
0x187: {  	s24 =	sor.u32 $0x600, s21;
	[sflag:s13] =	ssyncadd.s32 $0xFFFFC180  }
0x188: {  	[tilespmem:s16], [sflag:$0x1] =	stream.indirect.gather [hbm4b:s5+s15], $0x80, s24, s15, $0xb8;
	[tilespmem:$0x1F000] =	vst v63  }
0x189: {  	_ =	swait.ge [sflag:s18], $0x3E80  }
0x18a: {  	[sflag:s18] =	ssyncset.done $0x0  }
0x18b: {  	s23 =	sor.u32 $0x1580, s21;
	[sflag:s18] =	ssyncadd.s32 $0xFFFFC180  }
0x18c: {  	[spmem:s2] =	stream.indirect.scatter.add.f32 [tilespmem:s17], [sflag:$0x4], $0x80, s23, s15, $0xb8;
	[tilespmem:$0x1F000] =	vst v63  }
0x18d: {  	_ =	swait.ge [sflag:s13], $0x3E80  }
0x18e: {  	[sflag:s13] =	ssyncset.done $0x0  }
0x18f: {  	s24 =	sor.u32 $0x680, s21;
	[sflag:s13] =	ssyncadd.s32 $0xFFFFC180  }
0x190: {  	[tilespmem:s17], [sflag:$0x2] =	stream.indirect.gather [hbm4b:s5+s15], $0x80, s24, s15, $0xb8;
	[tilespmem:$0x1F000] =	vst v63  }
0x191: {  	_ =	swait.ge [sflag:s14], $0x3E80  }
0x192: {  	[sflag:s14] =	ssyncset.done $0x0  }
0x193: {  	s23 =	sor.u32 $0x1600, s21;
	[sflag:s14] =	ssyncadd.s32 $0xFFFFC180  }
0x194: {  	[spmem:s2] =	stream.indirect.scatter.add.f32 [tilespmem:s16], [sflag:$0x4], $0x80, s23, s15, $0xb8;
	[tilespmem:$0x1F000] =	vst v63  }
0x195: {  	_ =	swait.ge [sflag:s13], $0x3E80  }
0x196: {  	[sflag:s13] =	ssyncset.done $0x0  }
0x197: {  	s24 =	sor.u32 $0x700, s21;
	[sflag:s13] =	ssyncadd.s32 $0xFFFFC180  }
0x198: {  	[tilespmem:s16], [sflag:$0x1] =	stream.indirect.gather [hbm4b:s5+s15], $0x80, s24, s15, $0xb8;
	[tilespmem:$0x1F000] =	vst v63  }
0x199: {  	_ =	swait.ge [sflag:s18], $0x3E80  }
0x19a: {  	[sflag:s18] =	ssyncset.done $0x0  }
0x19b: {  	s23 =	sor.u32 $0x1680, s21;
	[sflag:s18] =	ssyncadd.s32 $0xFFFFC180  }
0x19c: {  	[spmem:s2] =	stream.indirect.scatter.add.f32 [tilespmem:s17], [sflag:$0x4], $0x80, s23, s15, $0xb8;
	[tilespmem:$0x1F000] =	vst v63  }
0x19d: {  	_ =	swait.ge [sflag:s13], $0x3E80  }
0x19e: {  	[sflag:s13] =	ssyncset.done $0x0  }
0x19f: {  	s24 =	sor.u32 $0x780, s21;
	[sflag:s13] =	ssyncadd.s32 $0xFFFFC180  }
0x1a0: {  	[tilespmem:s17], [sflag:$0x2] =	stream.indirect.gather [hbm4b:s5+s15], $0x80, s24, s15, $0xb8;
	[tilespmem:$0x1F000] =	vst v63  }
0x1a1: {  	_ =	swait.ge [sflag:s14], $0x3E80  }
0x1a2: {  	[sflag:s14] =	ssyncset.done $0x0  }
0x1a3: {  	s23 =	sor.u32 $0x1700, s21;
	[sflag:s14] =	ssyncadd.s32 $0xFFFFC180  }
0x1a4: {  	[spmem:s2] =	stream.indirect.scatter.add.f32 [tilespmem:s16], [sflag:$0x4], $0x80, s23, s15, $0xb8;
	[tilespmem:$0x1F000] =	vst v63  }
0x1a5: {  	_ =	swait.ge [sflag:s13], $0x3E80  }
0x1a6: {  	[sflag:s13] =	ssyncset.done $0x0  }
0x1a7: {  	[sflag:s13] =	ssyncadd.s32 $0xFFFFC180  }
0x1a8: {  	_ =	swait.ge [sflag:s18], $0x3E80  }
0x1a9: {  	p1 =	slt.u32 s20, $0xA;
	[sflag:s18] =	ssyncset.done $0x0  }
.Ltmp8:
0x1aa: {  	s24 =	sor.u32 $0x1780, s21;
	[sflag:s18] =	ssyncadd.s32 $0xFFFFC180;
	(pc) =	sbr.rel @!p1 .LBB2_13-.Ltmp8, $4  }
0x1ab: {  	[spmem:s2] =	stream.indirect.scatter.add.f32 [tilespmem:s17], [sflag:$0x4], $0x80, s24, s15, $0xb8;
	[tilespmem:$0x1F000] =	vst v63  }
0x1ac: {  	_ =	swait.ge [sflag:s13], $0x3E80  }
0x1ad: {  	[sflag:s13] =	ssyncset.done $0x0  }
0x1ae: {  	[sflag:s13] =	ssyncadd.s32 $0xFFFFC180  }
.LBB2_9:
0x1af: {  	p1 =	seq.s32 s20, $0x0  }
0x1b0: {  	s21 =	simm.s32 @!p1 $0x3;
	p2 =	seq.s32 @!p1 s20, $0x9  }
0x1b1: {  	_ =	swait.ge @!p1 [sflag:s21], $0x800;
	p2 =	por p1, !p2  }
.Ltmp9:
0x1b2: {  	[sflag:s21] =	ssyncset.done @!p1 $0x0;
	(pc) =	sbr.rel @p2 .LBB2_11-.Ltmp9, $4  }
0x1b3: {  	[sflag:s21] =	ssyncadd.s32 @!p1 $0xFFFFF800  }
0x1b4: {  	_ =	swait.ge @!p1 [sflag:s21], $0x800  }
0x1b5: {  	[sflag:s21] =	ssyncset.done @!p1 $0x0  }
0x1b6: {  	[sflag:s21] =	ssyncadd.s32 @!p1 $0xFFFFF800  }
.Ltmp10:
0x1b7: {  	(pc) =	sbr.rel .LBB2_12-.Ltmp10, $2  }
0x1b8: {  	_ =	sdelay $0x2  }
0x1b9: {  	s20 =	simm.s32 @!p1 $0xA;
	s21 =	simm.s32 @!p1 $0x800  }
.LBB2_8:
.Ltmp11:
0x1ba: {  	(pc) =	sbr.rel .LBB2_14-.Ltmp11, $2  }
0x1bb: {  	_ =	sdelay $0x2  }
0x1bc: {  	s20 =	rddreg [dreg:$0x4]  }
.LBB2_15:
0x1bd: {  	_ =	sfence.sel $0x180000  }
0x1be: {  	[bflag:$0x0] =	sbarrier.arrive $0xFFFF  }
0x1bf: {  	_ =	strace $0x90000047  }
0x1c0: {  	s0 =	stileid.u32;
	[bflag:$0x2] =	sbarrier.arrive $0xFFFF  }
0x1c1: {  	p0 =	sne.s32 s0, $0x0;
	s0 =	rddreg [dreg:$0x3]  }
0x1c2: {  	s0 =	sadd.s32 @!p0 $0x100000, s0  }
0x1c3: {  	[sflag:s0] =	ssyncadd.tile.s32 @!p0 $0x1;
	_ =	shalt  }
.Lfunc_end2:
_tile_overlayer_lowered:
.L_overlay_start_2:
0x1c4: {  	(tag) =	ssettag $0x2  }
0x1c5: {  	s0 =	rddreg [dreg:$0x0];
	s2 =	stileid.u32  }
0x1c6: {  	s1 =	rddreg [dreg:$0x1];
	p0 =	sne.s32 s2, $0x0  }
0x1c7: {  	s3 =	rddreg [dreg:$0x2];
	[bflag:$0x3] =	sbarrier.arrive $0xFFFF;
	s2 =	simm.s32 @!p0 $0x1C04  }
0x1c8: {  	[timem:s3], [sflag:s2] =	dma.local @!p0 [hbm:s0], s1  }
0x1c9: {  	s0 =	simm.s32 @!p0 $0x4  }
0x1ca: {  	_ =	swait.ge @!p0 [sflag:s0], s1  }
0x1cb: {  	s1 =	ssub.s32 @!p0 $0x0, s1;
	[sflag:s0] =	ssyncset.done @!p0 $0x0  }
0x1cc: {  	[sflag:s0] =	ssyncadd.s32 @!p0 s1  }
0x1cd: {  	[bflag:$0x3] =	sbarrier.arrive $0xFFFF  }
0x1ce: {  	_ =	shalt  }

</sc_bundles>
